<compile_context>
chip_gen: v7x
topology: tpu7x:2x2x1
jax: 0.10.2.dev20260603
libtpu: 0.0.44.dev20260713+nightly
codegen_flags: <defaults>
</compile_context>

<pallas_src>
import functools

import jax
import jax.numpy as jnp
from jax import lax
from jax.experimental import pallas as pl
from jax.experimental.pallas import tpu as pltpu
from jax.experimental.pallas import tpu_sc as plsc

B = 128
V = 100000
K64 = 64
NEG = -1e30
EPS = 1e-8
NINF = float("-inf")
PINF = float("inf")


WA = 4096
NA = -(-V // WA)


def _stats_body(x_ref, m_ref, z_ref, ms, zs):
    pid = pl.program_id(0)

    @pl.when(pid == 0)
    def _():
        ms[...] = jnp.full_like(ms[...], NINF)
        zs[...] = jnp.zeros_like(zs[...])

    x = x_ref[...]
    cols = pid * WA + lax.broadcasted_iota(jnp.int32, (B, WA), 1)
    xv = jnp.where(cols < V, x, NINF)
    bm = jnp.max(xv, axis=1, keepdims=True)
    m_old = ms[...]
    m_new = jnp.maximum(m_old, bm)
    bz = jnp.sum(jnp.exp(xv - m_new), axis=1, keepdims=True)
    zs[...] = zs[...] * jnp.exp(m_old - m_new) + bz
    ms[...] = m_new
    m_ref[...] = ms[...]
    z_ref[...] = zs[...]


def _row_stats(logits):
    return pl.pallas_call(
        _stats_body,
        grid=(NA,),
        in_specs=[pl.BlockSpec((B, WA), lambda i: (0, i))],
        out_specs=[
            pl.BlockSpec((B, 1), lambda i: (0, 0)),
            pl.BlockSpec((B, 1), lambda i: (0, 0)),
        ],
        out_shape=[
            jax.ShapeDtypeStruct((B, 1), jnp.float32),
            jax.ShapeDtypeStruct((B, 1), jnp.float32),
        ],
        scratch_shapes=[
            pltpu.VMEM((B, 1), jnp.float32),
            pltpu.VMEM((B, 1), jnp.float32),
        ],
    )(logits)



NC = 2
NS = 16
NW = NC * NS
ROWS_PER = B // NW
GRP = 5
SUP = 5
NGRP = V // (16 * GRP)
APG = 3
APV = APG * GRP
AP0 = K64
CANDV = (AP0 // 16) + APV
CAND = CANDV * 16


def _scalar(vec):
    return lax.squeeze(lax.slice(vec, (0,), (1,)), dimensions=(0,))


def _splat_f(s):
    return jnp.full((16,), s, jnp.float32)


def _splat_i(s):
    return jnp.full((16,), s, jnp.int32)


def _topk_body(logits_hbm, tops_hbm, topi_hbm, buf, cand, candi,
               topsv, topsi):
    wid = lax.axis_index("s") * NC + lax.axis_index("c")
    lane = lax.iota(jnp.int32, 16)

    def _consolidate(_):
        def find_body(j, carry):
            t_cur, t64 = carry
            tc = _splat_f(t_cur)

            def mx_body(k, mc):
                m, c = mc
                v = cand[pl.ds(k * 16, 16)]
                ge = v >= tc
                m = jnp.maximum(m, jnp.where(ge, _splat_f(NINF), v))
                c = c + jnp.where(ge, 1, 0).astype(jnp.int32)
                return m, c

            mvec, cvec = lax.fori_loop(0, CANDV, mx_body,
                                       (_splat_f(NINF), _splat_i(0)))
            nm = jnp.max(mvec)
            rank_before = jnp.sum(cvec)
            t64 = jnp.where(rank_before < K64, nm, t64)
            return nm, t64

        _, t64 = lax.fori_loop(
            0, K64, find_body, (jnp.float32(PINF), jnp.float32(NINF)))
        t64s = _splat_f(t64)

        def g_body(k, ge):
            g, e = ge
            v = cand[pl.ds(k * 16, 16)]
            g = g + jnp.where(v > t64s, 1, 0).astype(jnp.int32)
            e = e + jnp.where(v == t64s, 1, 0).astype(jnp.int32)
            return g, e

        g, e = lax.fori_loop(0, CANDV, g_body, (_splat_i(0), _splat_i(0)))
        skip = jnp.sum(e) - (K64 - jnp.sum(g))

        def comp_body(k, carry):
            w, eq_seen = carry
            v = cand[pl.ds(k * 16, 16)]
            iv = candi[pl.ds(k * 16, 16)]
            gm = v > t64s
            em = v == t64s
            pos = plsc.cumsum(jnp.where(em, 1, 0).astype(jnp.int32))
            pos = pos + _splat_i(eq_seen)
            take = jnp.logical_or(
                gm, jnp.logical_and(em, pos > _splat_i(skip)))
            plsc.store_compressed(cand.at[pl.ds(w, 16)], v, mask=take)
            plsc.store_compressed(candi.at[pl.ds(w, 16)], iv, mask=take)
            nw = w + jnp.sum(jnp.where(take, 1, 0).astype(jnp.int32))
            return nw, eq_seen + jnp.sum(jnp.where(em, 1, 0).astype(jnp.int32))

        lax.fori_loop(0, CANDV, comp_body, (jnp.int32(0), jnp.int32(0)))

        def clr_body(k, c):
            cand[pl.ds(AP0 + k * 16, 16)] = _splat_f(NINF)
            return c

        lax.fori_loop(0, APV, clr_body, jnp.int32(0))
        return t64

    def row_body(r, c0):
        row = wid * ROWS_PER + r

        def initc(k, c):
            cand[pl.ds(k * 16, 16)] = _splat_f(NINF)
            return c

        lax.fori_loop(0, CANDV, initc, jnp.int32(0))
        pltpu.sync_copy(logits_hbm.at[pl.ds(row * V, V)], buf)

        def scan_body(j, carry):
            tv, cnt = carry
            vss = []
            msub = []
            mall = None
            for g in range(SUP):
                vs = [buf[pl.ds(((j * SUP + g) * GRP + u) * 16, 16)]
                      for u in range(GRP)]
                m = vs[0]
                for u in range(1, GRP):
                    m = jnp.maximum(m, vs[u])
                vss.append(vs)
                msub.append(m)
                mall = m if mall is None else jnp.maximum(mall, m)

            def sup_hit(tv, cnt):
                for g in range(SUP):
                    def do_append(tv, cnt, g=g):
                        for u in range(GRP):
                            cand[pl.ds(AP0 + (cnt + u) * 16, 16)] = vss[g][u]
                            candi[pl.ds(AP0 + (cnt + u) * 16, 16)] = (
                                _splat_i(((j * SUP + g) * GRP + u) * 16)
                                + lane)
                        cnt = cnt + GRP

                        def run_cons(_):
                            return _splat_f(_consolidate(0)), jnp.int32(0)

                        return lax.cond(cnt >= APV, run_cons,
                                        lambda _: (tv, cnt), 0)

                    tv, cnt = lax.cond(jnp.any(msub[g] >= tv), do_append,
                                       lambda tv, cnt: (tv, cnt), tv, cnt)
                return tv, cnt

            return lax.cond(jnp.any(mall >= tv), sup_hit,
                            lambda tv, cnt: (tv, cnt), tv, cnt)

        lax.fori_loop(0, NGRP // SUP, scan_body,
                      (_splat_f(NINF), jnp.int32(0)))
        _consolidate(0)

        def ex_body(j, carry):
            cur, rem, pidx = carry

            def adv(_):
                cs = _splat_f(cur)
                m = _splat_f(NINF)
                for k in range(K64 // 16):
                    v = cand[pl.ds(k * 16, 16)]
                    m = jnp.maximum(m, jnp.where(v < cs, v, _splat_f(NINF)))
                nm = jnp.max(m)
                nms = _splat_f(nm)
                cvec = _splat_i(0)
                for k in range(K64 // 16):
                    v = cand[pl.ds(k * 16, 16)]
                    cvec = cvec + jnp.where(v == nms, 1, 0).astype(jnp.int32)
                return nm, jnp.sum(cvec), jnp.int32(2 ** 30)

            cur, rem, pidx = lax.cond(rem == 0, adv,
                                      lambda _: (cur, rem, pidx), 0)
            curs = _splat_f(cur)
            pv = _splat_i(pidx)
            mi = _splat_i(-1)
            for k in range(K64 // 16):
                v = cand[pl.ds(k * 16, 16)]
                iv = candi[pl.ds(k * 16, 16)]
                sel = jnp.logical_and(v == curs, iv < pv)
                mi = jnp.maximum(mi, jnp.where(sel, iv, _splat_i(-1)))
            eidx = jnp.max(mi)
            plsc.store_scatter(topsv, [_splat_i(j)], curs, mask=lane == 0)
            plsc.store_scatter(topsi, [_splat_i(j)], _splat_i(eidx),
                               mask=lane == 0)
            return cur, rem - 1, eidx

        lax.fori_loop(0, K64, ex_body,
                      (jnp.float32(PINF), jnp.int32(0), jnp.int32(2 ** 30)))
        pltpu.sync_copy(topsv, tops_hbm.at[pl.ds(row * K64, K64)])
        pltpu.sync_copy(topsi, topi_hbm.at[pl.ds(row * K64, K64)])
        return c0

    lax.fori_loop(0, ROWS_PER, row_body, jnp.int32(0))


def _row_tops(logits_flat):
    mesh = plsc.VectorSubcoreMesh(
        core_axis_name="c", subcore_axis_name="s",
        num_cores=NC, num_subcores=NS)
    return pl.kernel(
        _topk_body,
        out_type=(jax.ShapeDtypeStruct((B * K64,), jnp.float32),
                  jax.ShapeDtypeStruct((B * K64,), jnp.int32)),
        mesh=mesh,
        compiler_params=pltpu.CompilerParams(needs_layout_passes=False),
        scratch_types=[
            pltpu.VMEM((V,), jnp.float32),
            pltpu.VMEM((CAND,), jnp.float32),
            pltpu.VMEM((CAND,), jnp.int32),
            pltpu.VMEM((K64,), jnp.float32),
            pltpu.VMEM((K64,), jnp.int32),
        ],
    )(logits_flat)



WD = 4096
ND = -(-V // WD)


def _final_body(tops_ref, topi_ref, m_ref, z_ref, ks_ref, ps_ref, x_ref,
                q_ref, out_ref, idx_ref, ts, cs_s, bv, bi):
    pid = pl.program_id(0)

    @pl.when(pid == 0)
    def _():
        tops = tops_ref[...]
        topi = topi_ref[...]
        M = m_ref[...]
        Z = z_ref[...]
        p = jnp.exp(tops - M) / Z
        r = lax.broadcasted_iota(jnp.int32, (K64, K64), 0)
        c = lax.broadcasted_iota(jnp.int32, (K64, K64), 1)
        ut = (r < c).astype(jnp.float32)
        excl = jnp.dot(p, ut, preferred_element_type=jnp.float32)
        ranks = lax.broadcasted_iota(jnp.int32, (B, K64), 1)
        keep = (ranks < ks_ref[...]) & (excl < ps_ref[...])
        m = jnp.sum(keep.astype(jnp.int32), axis=1, keepdims=True)
        last = ranks == (m - 1)
        ts[...] = jnp.max(jnp.where(last, tops, NINF), axis=1, keepdims=True)
        cs_s[...] = jnp.max(jnp.where(last, topi, -1), axis=1, keepdims=True)
        bv[...] = jnp.full((B, 1), -1.0, jnp.float32)
        bi[...] = jnp.zeros((B, 1), jnp.int32)

    x = x_ref[...]
    q = q_ref[...]
    cols = pid * WD + lax.broadcasted_iota(jnp.int32, (B, WD), 1)
    tsv = ts[...]
    kept = ((x > tsv) | ((x == tsv) & (cols >= cs_s[...]))) & (cols < V)
    out_ref[...] = jnp.where(kept, x, NEG)
    val = jnp.where(kept, jnp.exp(x - m_ref[...]) / jnp.maximum(q, EPS),
                    jnp.float32(-1.0))
    cmax = jnp.max(val, axis=1, keepdims=True)
    cidx = jnp.min(jnp.where(val == cmax, cols, jnp.int32(V)),
                   axis=1, keepdims=True)
    better = cmax > bv[...]
    bv[...] = jnp.where(better, cmax, bv[...])
    bi[...] = jnp.where(better, cidx, bi[...])
    idx_ref[...] = bi[...]


def _finalize(tops, topi, M, Z, ks, ps, logits, q):
    return pl.pallas_call(
        _final_body,
        grid=(ND,),
        in_specs=[
            pl.BlockSpec((B, K64), lambda i: (0, 0)),
            pl.BlockSpec((B, K64), lambda i: (0, 0)),
            pl.BlockSpec((B, 1), lambda i: (0, 0)),
            pl.BlockSpec((B, 1), lambda i: (0, 0)),
            pl.BlockSpec((B, 1), lambda i: (0, 0)),
            pl.BlockSpec((B, 1), lambda i: (0, 0)),
            pl.BlockSpec((B, WD), lambda i: (0, i)),
            pl.BlockSpec((B, WD), lambda i: (0, i)),
        ],
        out_specs=[
            pl.BlockSpec((B, WD), lambda i: (0, i)),
            pl.BlockSpec((B, 1), lambda i: (0, 0)),
        ],
        out_shape=[
            jax.ShapeDtypeStruct((B, V), jnp.float32),
            jax.ShapeDtypeStruct((B, 1), jnp.int32),
        ],
        scratch_shapes=[
            pltpu.VMEM((B, 1), jnp.float32),
            pltpu.VMEM((B, 1), jnp.int32),
            pltpu.VMEM((B, 1), jnp.float32),
            pltpu.VMEM((B, 1), jnp.int32),
        ],
    )(tops, topi, M, Z, ks, ps, logits, q)


def kernel(logits, top_ks, top_ps, q):
    tops_flat, topi_flat = _row_tops(logits.reshape(-1))
    tops = tops_flat.reshape(B, K64)
    topi = topi_flat.reshape(B, K64)
    M, Z = _row_stats(logits)
    masked, idx = _finalize(
        tops, topi, M, Z,
        top_ks.astype(jnp.int32).reshape(B, 1),
        top_ps.reshape(B, 1),
        logits, q)
    return idx.reshape(B), masked

# --- scband reference (transcript-rebuilt; emitter-appended) ---
"""Pipeline reference for scband-model-new-72902774882653 (READ-ONLY COPY).

The authoritative reference and input builder live on the scoring server;
editing this copy changes nothing except your own understanding.
"""

import jax, jax.numpy as jnp
import numpy as np

EPS = 1e-08


def setup_inputs(seed: int = 0) -> dict:
    key = jax.random.key(seed)
    k1, k2, k3, k4 = jax.random.split(key, 4)
    B, V = 128, 100000
    logits = jax.random.normal(k1, (B, V), dtype=jnp.float32) * 2.0
    top_ks = jax.random.randint(k2, (B,), 1, 64, dtype=jnp.int32)
    top_ps = jax.random.uniform(k3, (B,), dtype=jnp.float32, minval=0.1, maxval=1.0)
    u = jax.random.uniform(k4, (B, V), dtype=jnp.float32, minval=1e-6, maxval=1.0)
    q = -jnp.log(u)  # Exponential(1) variates for the Gumbel-max-style sampling trick
    return {"logits": logits, "top_ks": top_ks, "top_ps": top_ps, "q": q}


def reference(logits, top_ks, top_ps, q):
    # Faithful top-k + top-p filtering followed by sampling via argmax(probs / q).
    B, V = logits.shape
    order = jnp.argsort(logits, axis=-1)[:, ::-1]  # descending
    sorted_logits = jnp.take_along_axis(logits, order, axis=-1)
    probs_sorted = jax.nn.softmax(sorted_logits, axis=-1)
    cumsum = jnp.cumsum(probs_sorted, axis=-1)
    ranks = jnp.arange(V, dtype=jnp.int32)[None, :]
    k_mask = ranks < top_ks.astype(jnp.int32)[:, None]
    # keep tokens whose preceding cumulative mass is still below top_p (always keeps the top token)
    p_mask = (cumsum - probs_sorted) < top_ps[:, None]
    mask_sorted = k_mask & p_mask
    rows = jnp.arange(B)[:, None]
    mask = jnp.zeros((B, V), dtype=bool).at[rows, order].set(mask_sorted)
    masked_logits = jnp.where(mask, logits, jnp.float32(-1e30))
    probs = jax.nn.softmax(masked_logits, axis=-1)
    selected_idx = jnp.argmax(probs / jnp.maximum(q, EPS), axis=-1).astype(jnp.int32)
    selected_logits = masked_logits
    return selected_idx, selected_logits

if __name__ == "__main__":
    import jax
    _d = setup_inputs()
    print(jax.jit(kernel)(*tuple(_d.values())))

</pallas_src>

<mosaic_0001>
#map = affine_map<(d0, d1) -> (0)>
module attributes {stable_mosaic.version = 14 : i64} {
  func.func @_topk_body(%arg0: i32, %arg1: i32, %arg2: memref<12800000xf32, #tpu.memory_space<hbm>>, %arg3: memref<8192xf32, #tpu.memory_space<hbm>>, %arg4: memref<8192xi32, #tpu.memory_space<hbm>>, %arg5: memref<100000xf32, #tpu.memory_space<vmem>>, %arg6: memref<304xf32, #tpu.memory_space<vmem>>, %arg7: memref<304xi32, #tpu.memory_space<vmem>>, %arg8: memref<64xf32, #tpu.memory_space<vmem>>, %arg9: memref<64xi32, #tpu.memory_space<vmem>>) attributes {dimension_semantics = [#tpu.dimension_semantics<core_parallel>, #tpu.dimension_semantics<subcore_parallel>], iteration_bounds = array<i64: 2, 16>, scalar_prefetch = 0 : i64, scratch_operands = 5 : i64, tpu.core_type = #tpu.core_type<sc_vector_subcore>, window_params = [{transform_indices = #map}, {transform_indices = #map}, {transform_indices = #map}]} {
    %mul3A = arith.constant 2 : i32
    %mul3A_0 = arith.muli %arg1, %mul3A : i32
    %add3A = arith.addi %mul3A_0, %arg0 : i32
    %iota3A = tpu.iota {dimensions = array<i32: 0>} : vector<16xi32>
    %scan3A = arith.constant 0 : i32
    %scan3A_1 = arith.constant 0 : i32
    %scan3A_2 = arith.constant 4 : i32
    %scan3A_3 = arith.addi %scan3A_1, %scan3A_2 : i32
    %scan3A_4 = arith.constant 1 : i32
    scf.for %scan3A_6 = %scan3A_1 to %scan3A_3 step %scan3A_4  : i32 {
      %mul3A_7 = arith.constant 4 : i32
      %mul3A_8 = arith.muli %add3A, %mul3A_7 : i32
      %add3A_9 = arith.addi %mul3A_8, %scan3A_6 : i32
      %scan3A_10 = arith.constant 0 : i32
      %scan3A_11 = arith.constant 0 : i32
      %scan3A_12 = arith.constant 19 : i32
      %scan3A_13 = arith.addi %scan3A_11, %scan3A_12 : i32
      %scan3A_14 = arith.constant 1 : i32
      scf.for %scan3A_81 = %scan3A_11 to %scan3A_13 step %scan3A_14  : i32 {
        %broadcast_in_dim3A_82 = arith.constant 0xFF800000 : f32
        %broadcast_in_dim3A_83 = vector.broadcast %broadcast_in_dim3A_82 : f32 to vector<16xf32>
        %mul3A_84 = arith.constant 16 : i32
        %mul3A_85 = arith.muli %scan3A_81, %mul3A_84 : i32
        %swap3A = arith.index_cast %mul3A_85 : i32 to index
        %swap3A_86 = tpu.vector_load %arg6[%swap3A] {strides = array<i32>} : memref<304xf32, #tpu.memory_space<vmem>>, vector<16xf32>,
        tpu.vector_store %arg6[%swap3A], %broadcast_in_dim3A_83 {strides = array<i32>} : memref<304xf32, #tpu.memory_space<vmem>>, vector<16xf32>,
      }
      %scan3A_15 = arith.constant 19 : i32
      %mul3A_16 = arith.constant 100000 : i32
      %mul3A_17 = arith.muli %add3A_9, %mul3A_16 : i32
      "tpu.region"() ({
        %run_scoped3A = tpu.sem_alloc : memref<!tpu.dma_semaphore, #tpu.memory_space<semaphore_mem>>
        %dma_start3A = tpu.memref_slice %arg2[%mul3A_17] : memref<12800000xf32, #tpu.memory_space<hbm>> -> memref<100000xf32, #tpu.memory_space<hbm>>
        %dma_start3A_81 = tpu.memref_slice %arg2[%mul3A_17] : memref<12800000xf32, #tpu.memory_space<hbm>> -> memref<100000xf32, #tpu.memory_space<hbm>>
        tpu.enqueue_dma source(%dma_start3A_81 : memref<100000xf32, #tpu.memory_space<hbm>>) target(%arg5 : memref<100000xf32, #tpu.memory_space<vmem>>) target_semaphore(%run_scoped3A : memref<!tpu.dma_semaphore, #tpu.memory_space<semaphore_mem>>)
        %dma_wait3A = tpu.memref_slice %arg2[%mul3A_17] : memref<12800000xf32, #tpu.memory_space<hbm>> -> memref<100000xf32, #tpu.memory_space<hbm>>
        %dma_wait3A_82 = tpu.memref_slice %arg2[%mul3A_17] : memref<12800000xf32, #tpu.memory_space<hbm>> -> memref<100000xf32, #tpu.memory_space<hbm>>
        tpu.wait_dma2 semaphore(%run_scoped3A : memref<!tpu.dma_semaphore, #tpu.memory_space<semaphore_mem>>) src(%dma_wait3A_82 : memref<100000xf32, #tpu.memory_space<hbm>>) dst(%arg5 : memref<100000xf32, #tpu.memory_space<vmem>>)
        tpu.yield
      }) : () -> ()
      %broadcast_in_dim3A = arith.constant 0xFF800000 : f32
      %broadcast_in_dim3A_18 = vector.broadcast %broadcast_in_dim3A : f32 to vector<16xf32>
      %scan3A_19 = arith.constant 0 : i32
      %scan3A_20 = arith.constant 0 : i32
      %scan3A_21 = arith.constant 250 : i32
      %scan3A_22 = arith.addi %scan3A_20, %scan3A_21 : i32
      %scan3A_23 = arith.constant 1 : i32
      %scan3A_24:2 = scf.for %scan3A_81 = %scan3A_20 to %scan3A_22 step %scan3A_23 iter_args(%scan3A_82 = %broadcast_in_dim3A_18, %scan3A_83 = %scan3A_19) -> (vector<16xf32>, i32)  : i32 {
        %mul3A_84 = arith.constant 5 : i32
        %mul3A_85 = arith.muli %scan3A_81, %mul3A_84 : i32
        %add3A_86 = arith.constant 0 : i32
        %add3A_87 = arith.addi %mul3A_85, %add3A_86 : i32
        %mul3A_88 = arith.constant 5 : i32
        %mul3A_89 = arith.muli %add3A_87, %mul3A_88 : i32
        %add3A_90 = arith.constant 0 : i32
        %add3A_91 = arith.addi %mul3A_89, %add3A_90 : i32
        %mul3A_92 = arith.constant 16 : i32
        %mul3A_93 = arith.muli %add3A_91, %mul3A_92 : i32
        %get3A = arith.index_cast %mul3A_93 : i32 to index
        %get3A_94 = tpu.vector_load %arg5[%get3A] {strides = array<i32>} : memref<100000xf32, #tpu.memory_space<vmem>>, vector<16xf32>,
        %mul3A_95 = arith.constant 5 : i32
        %mul3A_96 = arith.muli %scan3A_81, %mul3A_95 : i32
        %add3A_97 = arith.constant 0 : i32
        %add3A_98 = arith.addi %mul3A_96, %add3A_97 : i32
        %mul3A_99 = arith.constant 5 : i32
        %mul3A_100 = arith.muli %add3A_98, %mul3A_99 : i32
        %add3A_101 = arith.constant 1 : i32
        %add3A_102 = arith.addi %mul3A_100, %add3A_101 : i32
        %mul3A_103 = arith.constant 16 : i32
        %mul3A_104 = arith.muli %add3A_102, %mul3A_103 : i32
        %get3A_105 = arith.index_cast %mul3A_104 : i32 to index
        %get3A_106 = tpu.vector_load %arg5[%get3A_105] {strides = array<i32>} : memref<100000xf32, #tpu.memory_space<vmem>>, vector<16xf32>,
        %mul3A_107 = arith.constant 5 : i32
        %mul3A_108 = arith.muli %scan3A_81, %mul3A_107 : i32
        %add3A_109 = arith.constant 0 : i32
        %add3A_110 = arith.addi %mul3A_108, %add3A_109 : i32
        %mul3A_111 = arith.constant 5 : i32
        %mul3A_112 = arith.muli %add3A_110, %mul3A_111 : i32
        %add3A_113 = arith.constant 2 : i32
        %add3A_114 = arith.addi %mul3A_112, %add3A_113 : i32
        %mul3A_115 = arith.constant 16 : i32
        %mul3A_116 = arith.muli %add3A_114, %mul3A_115 : i32
        %get3A_117 = arith.index_cast %mul3A_116 : i32 to index
        %get3A_118 = tpu.vector_load %arg5[%get3A_117] {strides = array<i32>} : memref<100000xf32, #tpu.memory_space<vmem>>, vector<16xf32>,
        %mul3A_119 = arith.constant 5 : i32
        %mul3A_120 = arith.muli %scan3A_81, %mul3A_119 : i32
        %add3A_121 = arith.constant 0 : i32
        %add3A_122 = arith.addi %mul3A_120, %add3A_121 : i32
        %mul3A_123 = arith.constant 5 : i32
        %mul3A_124 = arith.muli %add3A_122, %mul3A_123 : i32
        %add3A_125 = arith.constant 3 : i32
        %add3A_126 = arith.addi %mul3A_124, %add3A_125 : i32
        %mul3A_127 = arith.constant 16 : i32
        %mul3A_128 = arith.muli %add3A_126, %mul3A_127 : i32
        %get3A_129 = arith.index_cast %mul3A_128 : i32 to index
        %get3A_130 = tpu.vector_load %arg5[%get3A_129] {strides = array<i32>} : memref<100000xf32, #tpu.memory_space<vmem>>, vector<16xf32>,
        %mul3A_131 = arith.constant 5 : i32
        %mul3A_132 = arith.muli %scan3A_81, %mul3A_131 : i32
        %add3A_133 = arith.constant 0 : i32
        %add3A_134 = arith.addi %mul3A_132, %add3A_133 : i32
        %mul3A_135 = arith.constant 5 : i32
        %mul3A_136 = arith.muli %add3A_134, %mul3A_135 : i32
        %add3A_137 = arith.constant 4 : i32
        %add3A_138 = arith.addi %mul3A_136, %add3A_137 : i32
        %mul3A_139 = arith.constant 16 : i32
        %mul3A_140 = arith.muli %add3A_138, %mul3A_139 : i32
        %get3A_141 = arith.index_cast %mul3A_140 : i32 to index
        %get3A_142 = tpu.vector_load %arg5[%get3A_141] {strides = array<i32>} : memref<100000xf32, #tpu.memory_space<vmem>>, vector<16xf32>,
        %max3A = arith.maximumf %get3A_94, %get3A_106 : vector<16xf32>
        %max3A_143 = arith.maximumf %max3A, %get3A_118 : vector<16xf32>
        %max3A_144 = arith.maximumf %max3A_143, %get3A_130 : vector<16xf32>
        %max3A_145 = arith.maximumf %max3A_144, %get3A_142 : vector<16xf32>
        %mul3A_146 = arith.constant 5 : i32
        %mul3A_147 = arith.muli %scan3A_81, %mul3A_146 : i32
        %add3A_148 = arith.constant 1 : i32
        %add3A_149 = arith.addi %mul3A_147, %add3A_148 : i32
        %mul3A_150 = arith.constant 5 : i32
        %mul3A_151 = arith.muli %add3A_149, %mul3A_150 : i32
        %add3A_152 = arith.constant 0 : i32
        %add3A_153 = arith.addi %mul3A_151, %add3A_152 : i32
        %mul3A_154 = arith.constant 16 : i32
        %mul3A_155 = arith.muli %add3A_153, %mul3A_154 : i32
        %get3A_156 = arith.index_cast %mul3A_155 : i32 to index
        %get3A_157 = tpu.vector_load %arg5[%get3A_156] {strides = array<i32>} : memref<100000xf32, #tpu.memory_space<vmem>>, vector<16xf32>,
        %mul3A_158 = arith.constant 5 : i32
        %mul3A_159 = arith.muli %scan3A_81, %mul3A_158 : i32
        %add3A_160 = arith.constant 1 : i32
        %add3A_161 = arith.addi %mul3A_159, %add3A_160 : i32
        %mul3A_162 = arith.constant 5 : i32
        %mul3A_163 = arith.muli %add3A_161, %mul3A_162 : i32
        %add3A_164 = arith.constant 1 : i32
        %add3A_165 = arith.addi %mul3A_163, %add3A_164 : i32
        %mul3A_166 = arith.constant 16 : i32
        %mul3A_167 = arith.muli %add3A_165, %mul3A_166 : i32
        %get3A_168 = arith.index_cast %mul3A_167 : i32 to index
        %get3A_169 = tpu.vector_load %arg5[%get3A_168] {strides = array<i32>} : memref<100000xf32, #tpu.memory_space<vmem>>, vector<16xf32>,
        %mul3A_170 = arith.constant 5 : i32
        %mul3A_171 = arith.muli %scan3A_81, %mul3A_170 : i32
        %add3A_172 = arith.constant 1 : i32
        %add3A_173 = arith.addi %mul3A_171, %add3A_172 : i32
        %mul3A_174 = arith.constant 5 : i32
        %mul3A_175 = arith.muli %add3A_173, %mul3A_174 : i32
        %add3A_176 = arith.constant 2 : i32
        %add3A_177 = arith.addi %mul3A_175, %add3A_176 : i32
        %mul3A_178 = arith.constant 16 : i32
        %mul3A_179 = arith.muli %add3A_177, %mul3A_178 : i32
        %get3A_180 = arith.index_cast %mul3A_179 : i32 to index
        %get3A_181 = tpu.vector_load %arg5[%get3A_180] {strides = array<i32>} : memref<100000xf32, #tpu.memory_space<vmem>>, vector<16xf32>,
        %mul3A_182 = arith.constant 5 : i32
        %mul3A_183 = arith.muli %scan3A_81, %mul3A_182 : i32
        %add3A_184 = arith.constant 1 : i32
        %add3A_185 = arith.addi %mul3A_183, %add3A_184 : i32
        %mul3A_186 = arith.constant 5 : i32
        %mul3A_187 = arith.muli %add3A_185, %mul3A_186 : i32
        %add3A_188 = arith.constant 3 : i32
        %add3A_189 = arith.addi %mul3A_187, %add3A_188 : i32
        %mul3A_190 = arith.constant 16 : i32
        %mul3A_191 = arith.muli %add3A_189, %mul3A_190 : i32
        %get3A_192 = arith.index_cast %mul3A_191 : i32 to index
        %get3A_193 = tpu.vector_load %arg5[%get3A_192] {strides = array<i32>} : memref<100000xf32, #tpu.memory_space<vmem>>, vector<16xf32>,
        %mul3A_194 = arith.constant 5 : i32
        %mul3A_195 = arith.muli %scan3A_81, %mul3A_194 : i32
        %add3A_196 = arith.constant 1 : i32
        %add3A_197 = arith.addi %mul3A_195, %add3A_196 : i32
        %mul3A_198 = arith.constant 5 : i32
        %mul3A_199 = arith.muli %add3A_197, %mul3A_198 : i32
        %add3A_200 = arith.constant 4 : i32
        %add3A_201 = arith.addi %mul3A_199, %add3A_200 : i32
        %mul3A_202 = arith.constant 16 : i32
        %mul3A_203 = arith.muli %add3A_201, %mul3A_202 : i32
        %get3A_204 = arith.index_cast %mul3A_203 : i32 to index
        %get3A_205 = tpu.vector_load %arg5[%get3A_204] {strides = array<i32>} : memref<100000xf32, #tpu.memory_space<vmem>>, vector<16xf32>,
        %max3A_206 = arith.maximumf %get3A_157, %get3A_169 : vector<16xf32>
        %max3A_207 = arith.maximumf %max3A_206, %get3A_181 : vector<16xf32>
        %max3A_208 = arith.maximumf %max3A_207, %get3A_193 : vector<16xf32>
        %max3A_209 = arith.maximumf %max3A_208, %get3A_205 : vector<16xf32>
        %max3A_210 = arith.maximumf %max3A_145, %max3A_209 : vector<16xf32>
        %mul3A_211 = arith.constant 5 : i32
        %mul3A_212 = arith.muli %scan3A_81, %mul3A_211 : i32
        %add3A_213 = arith.constant 2 : i32
        %add3A_214 = arith.addi %mul3A_212, %add3A_213 : i32
        %mul3A_215 = arith.constant 5 : i32
        %mul3A_216 = arith.muli %add3A_214, %mul3A_215 : i32
        %add3A_217 = arith.constant 0 : i32
        %add3A_218 = arith.addi %mul3A_216, %add3A_217 : i32
        %mul3A_219 = arith.constant 16 : i32
        %mul3A_220 = arith.muli %add3A_218, %mul3A_219 : i32
        %get3A_221 = arith.index_cast %mul3A_220 : i32 to index
        %get3A_222 = tpu.vector_load %arg5[%get3A_221] {strides = array<i32>} : memref<100000xf32, #tpu.memory_space<vmem>>, vector<16xf32>,
        %mul3A_223 = arith.constant 5 : i32
        %mul3A_224 = arith.muli %scan3A_81, %mul3A_223 : i32
        %add3A_225 = arith.constant 2 : i32
        %add3A_226 = arith.addi %mul3A_224, %add3A_225 : i32
        %mul3A_227 = arith.constant 5 : i32
        %mul3A_228 = arith.muli %add3A_226, %mul3A_227 : i32
        %add3A_229 = arith.constant 1 : i32
        %add3A_230 = arith.addi %mul3A_228, %add3A_229 : i32
        %mul3A_231 = arith.constant 16 : i32
        %mul3A_232 = arith.muli %add3A_230, %mul3A_231 : i32
        %get3A_233 = arith.index_cast %mul3A_232 : i32 to index
        %get3A_234 = tpu.vector_load %arg5[%get3A_233] {strides = array<i32>} : memref<100000xf32, #tpu.memory_space<vmem>>, vector<16xf32>,
        %mul3A_235 = arith.constant 5 : i32
        %mul3A_236 = arith.muli %scan3A_81, %mul3A_235 : i32
        %add3A_237 = arith.constant 2 : i32
        %add3A_238 = arith.addi %mul3A_236, %add3A_237 : i32
        %mul3A_239 = arith.constant 5 : i32
        %mul3A_240 = arith.muli %add3A_238, %mul3A_239 : i32
        %add3A_241 = arith.constant 2 : i32
        %add3A_242 = arith.addi %mul3A_240, %add3A_241 : i32
        %mul3A_243 = arith.constant 16 : i32
        %mul3A_244 = arith.muli %add3A_242, %mul3A_243 : i32
        %get3A_245 = arith.index_cast %mul3A_244 : i32 to index
        %get3A_246 = tpu.vector_load %arg5[%get3A_245] {strides = array<i32>} : memref<100000xf32, #tpu.memory_space<vmem>>, vector<16xf32>,
        %mul3A_247 = arith.constant 5 : i32
        %mul3A_248 = arith.muli %scan3A_81, %mul3A_247 : i32
        %add3A_249 = arith.constant 2 : i32
        %add3A_250 = arith.addi %mul3A_248, %add3A_249 : i32
        %mul3A_251 = arith.constant 5 : i32
        %mul3A_252 = arith.muli %add3A_250, %mul3A_251 : i32
        %add3A_253 = arith.constant 3 : i32
        %add3A_254 = arith.addi %mul3A_252, %add3A_253 : i32
        %mul3A_255 = arith.constant 16 : i32
        %mul3A_256 = arith.muli %add3A_254, %mul3A_255 : i32
        %get3A_257 = arith.index_cast %mul3A_256 : i32 to index
        %get3A_258 = tpu.vector_load %arg5[%get3A_257] {strides = array<i32>} : memref<100000xf32, #tpu.memory_space<vmem>>, vector<16xf32>,
        %mul3A_259 = arith.constant 5 : i32
        %mul3A_260 = arith.muli %scan3A_81, %mul3A_259 : i32
        %add3A_261 = arith.constant 2 : i32
        %add3A_262 = arith.addi %mul3A_260, %add3A_261 : i32
        %mul3A_263 = arith.constant 5 : i32
        %mul3A_264 = arith.muli %add3A_262, %mul3A_263 : i32
        %add3A_265 = arith.constant 4 : i32
        %add3A_266 = arith.addi %mul3A_264, %add3A_265 : i32
        %mul3A_267 = arith.constant 16 : i32
        %mul3A_268 = arith.muli %add3A_266, %mul3A_267 : i32
        %get3A_269 = arith.index_cast %mul3A_268 : i32 to index
        %get3A_270 = tpu.vector_load %arg5[%get3A_269] {strides = array<i32>} : memref<100000xf32, #tpu.memory_space<vmem>>, vector<16xf32>,
        %max3A_271 = arith.maximumf %get3A_222, %get3A_234 : vector<16xf32>
        %max3A_272 = arith.maximumf %max3A_271, %get3A_246 : vector<16xf32>
        %max3A_273 = arith.maximumf %max3A_272, %get3A_258 : vector<16xf32>
        %max3A_274 = arith.maximumf %max3A_273, %get3A_270 : vector<16xf32>
        %max3A_275 = arith.maximumf %max3A_210, %max3A_274 : vector<16xf32>
        %mul3A_276 = arith.constant 5 : i32
        %mul3A_277 = arith.muli %scan3A_81, %mul3A_276 : i32
        %add3A_278 = arith.constant 3 : i32
        %add3A_279 = arith.addi %mul3A_277, %add3A_278 : i32
        %mul3A_280 = arith.constant 5 : i32
        %mul3A_281 = arith.muli %add3A_279, %mul3A_280 : i32
        %add3A_282 = arith.constant 0 : i32
        %add3A_283 = arith.addi %mul3A_281, %add3A_282 : i32
        %mul3A_284 = arith.constant 16 : i32
        %mul3A_285 = arith.muli %add3A_283, %mul3A_284 : i32
        %get3A_286 = arith.index_cast %mul3A_285 : i32 to index
        %get3A_287 = tpu.vector_load %arg5[%get3A_286] {strides = array<i32>} : memref<100000xf32, #tpu.memory_space<vmem>>, vector<16xf32>,
        %mul3A_288 = arith.constant 5 : i32
        %mul3A_289 = arith.muli %scan3A_81, %mul3A_288 : i32
        %add3A_290 = arith.constant 3 : i32
        %add3A_291 = arith.addi %mul3A_289, %add3A_290 : i32
        %mul3A_292 = arith.constant 5 : i32
        %mul3A_293 = arith.muli %add3A_291, %mul3A_292 : i32
        %add3A_294 = arith.constant 1 : i32
        %add3A_295 = arith.addi %mul3A_293, %add3A_294 : i32
        %mul3A_296 = arith.constant 16 : i32
        %mul3A_297 = arith.muli %add3A_295, %mul3A_296 : i32
        %get3A_298 = arith.index_cast %mul3A_297 : i32 to index
        %get3A_299 = tpu.vector_load %arg5[%get3A_298] {strides = array<i32>} : memref<100000xf32, #tpu.memory_space<vmem>>, vector<16xf32>,
        %mul3A_300 = arith.constant 5 : i32
        %mul3A_301 = arith.muli %scan3A_81, %mul3A_300 : i32
        %add3A_302 = arith.constant 3 : i32
        %add3A_303 = arith.addi %mul3A_301, %add3A_302 : i32
        %mul3A_304 = arith.constant 5 : i32
        %mul3A_305 = arith.muli %add3A_303, %mul3A_304 : i32
        %add3A_306 = arith.constant 2 : i32
        %add3A_307 = arith.addi %mul3A_305, %add3A_306 : i32
        %mul3A_308 = arith.constant 16 : i32
        %mul3A_309 = arith.muli %add3A_307, %mul3A_308 : i32
        %get3A_310 = arith.index_cast %mul3A_309 : i32 to index
        %get3A_311 = tpu.vector_load %arg5[%get3A_310] {strides = array<i32>} : memref<100000xf32, #tpu.memory_space<vmem>>, vector<16xf32>,
        %mul3A_312 = arith.constant 5 : i32
        %mul3A_313 = arith.muli %scan3A_81, %mul3A_312 : i32
        %add3A_314 = arith.constant 3 : i32
        %add3A_315 = arith.addi %mul3A_313, %add3A_314 : i32
        %mul3A_316 = arith.constant 5 : i32
        %mul3A_317 = arith.muli %add3A_315, %mul3A_316 : i32
        %add3A_318 = arith.constant 3 : i32
        %add3A_319 = arith.addi %mul3A_317, %add3A_318 : i32
        %mul3A_320 = arith.constant 16 : i32
        %mul3A_321 = arith.muli %add3A_319, %mul3A_320 : i32
        %get3A_322 = arith.index_cast %mul3A_321 : i32 to index
        %get3A_323 = tpu.vector_load %arg5[%get3A_322] {strides = array<i32>} : memref<100000xf32, #tpu.memory_space<vmem>>, vector<16xf32>,
        %mul3A_324 = arith.constant 5 : i32
        %mul3A_325 = arith.muli %scan3A_81, %mul3A_324 : i32
        %add3A_326 = arith.constant 3 : i32
        %add3A_327 = arith.addi %mul3A_325, %add3A_326 : i32
        %mul3A_328 = arith.constant 5 : i32
        %mul3A_329 = arith.muli %add3A_327, %mul3A_328 : i32
        %add3A_330 = arith.constant 4 : i32
        %add3A_331 = arith.addi %mul3A_329, %add3A_330 : i32
        %mul3A_332 = arith.constant 16 : i32
        %mul3A_333 = arith.muli %add3A_331, %mul3A_332 : i32
        %get3A_334 = arith.index_cast %mul3A_333 : i32 to index
        %get3A_335 = tpu.vector_load %arg5[%get3A_334] {strides = array<i32>} : memref<100000xf32, #tpu.memory_space<vmem>>, vector<16xf32>,
        %max3A_336 = arith.maximumf %get3A_287, %get3A_299 : vector<16xf32>
        %max3A_337 = arith.maximumf %max3A_336, %get3A_311 : vector<16xf32>
        %max3A_338 = arith.maximumf %max3A_337, %get3A_323 : vector<16xf32>
        %max3A_339 = arith.maximumf %max3A_338, %get3A_335 : vector<16xf32>
        %max3A_340 = arith.maximumf %max3A_275, %max3A_339 : vector<16xf32>
        %mul3A_341 = arith.constant 5 : i32
        %mul3A_342 = arith.muli %scan3A_81, %mul3A_341 : i32
        %add3A_343 = arith.constant 4 : i32
        %add3A_344 = arith.addi %mul3A_342, %add3A_343 : i32
        %mul3A_345 = arith.constant 5 : i32
        %mul3A_346 = arith.muli %add3A_344, %mul3A_345 : i32
        %add3A_347 = arith.constant 0 : i32
        %add3A_348 = arith.addi %mul3A_346, %add3A_347 : i32
        %mul3A_349 = arith.constant 16 : i32
        %mul3A_350 = arith.muli %add3A_348, %mul3A_349 : i32
        %get3A_351 = arith.index_cast %mul3A_350 : i32 to index
        %get3A_352 = tpu.vector_load %arg5[%get3A_351] {strides = array<i32>} : memref<100000xf32, #tpu.memory_space<vmem>>, vector<16xf32>,
        %mul3A_353 = arith.constant 5 : i32
        %mul3A_354 = arith.muli %scan3A_81, %mul3A_353 : i32
        %add3A_355 = arith.constant 4 : i32
        %add3A_356 = arith.addi %mul3A_354, %add3A_355 : i32
        %mul3A_357 = arith.constant 5 : i32
        %mul3A_358 = arith.muli %add3A_356, %mul3A_357 : i32
        %add3A_359 = arith.constant 1 : i32
        %add3A_360 = arith.addi %mul3A_358, %add3A_359 : i32
        %mul3A_361 = arith.constant 16 : i32
        %mul3A_362 = arith.muli %add3A_360, %mul3A_361 : i32
        %get3A_363 = arith.index_cast %mul3A_362 : i32 to index
        %get3A_364 = tpu.vector_load %arg5[%get3A_363] {strides = array<i32>} : memref<100000xf32, #tpu.memory_space<vmem>>, vector<16xf32>,
        %mul3A_365 = arith.constant 5 : i32
        %mul3A_366 = arith.muli %scan3A_81, %mul3A_365 : i32
        %add3A_367 = arith.constant 4 : i32
        %add3A_368 = arith.addi %mul3A_366, %add3A_367 : i32
        %mul3A_369 = arith.constant 5 : i32
        %mul3A_370 = arith.muli %add3A_368, %mul3A_369 : i32
        %add3A_371 = arith.constant 2 : i32
        %add3A_372 = arith.addi %mul3A_370, %add3A_371 : i32
        %mul3A_373 = arith.constant 16 : i32
        %mul3A_374 = arith.muli %add3A_372, %mul3A_373 : i32
        %get3A_375 = arith.index_cast %mul3A_374 : i32 to index
        %get3A_376 = tpu.vector_load %arg5[%get3A_375] {strides = array<i32>} : memref<100000xf32, #tpu.memory_space<vmem>>, vector<16xf32>,
        %mul3A_377 = arith.constant 5 : i32
        %mul3A_378 = arith.muli %scan3A_81, %mul3A_377 : i32
        %add3A_379 = arith.constant 4 : i32
        %add3A_380 = arith.addi %mul3A_378, %add3A_379 : i32
        %mul3A_381 = arith.constant 5 : i32
        %mul3A_382 = arith.muli %add3A_380, %mul3A_381 : i32
        %add3A_383 = arith.constant 3 : i32
        %add3A_384 = arith.addi %mul3A_382, %add3A_383 : i32
        %mul3A_385 = arith.constant 16 : i32
        %mul3A_386 = arith.muli %add3A_384, %mul3A_385 : i32
        %get3A_387 = arith.index_cast %mul3A_386 : i32 to index
        %get3A_388 = tpu.vector_load %arg5[%get3A_387] {strides = array<i32>} : memref<100000xf32, #tpu.memory_space<vmem>>, vector<16xf32>,
        %mul3A_389 = arith.constant 5 : i32
        %mul3A_390 = arith.muli %scan3A_81, %mul3A_389 : i32
        %add3A_391 = arith.constant 4 : i32
        %add3A_392 = arith.addi %mul3A_390, %add3A_391 : i32
        %mul3A_393 = arith.constant 5 : i32
        %mul3A_394 = arith.muli %add3A_392, %mul3A_393 : i32
        %add3A_395 = arith.constant 4 : i32
        %add3A_396 = arith.addi %mul3A_394, %add3A_395 : i32
        %mul3A_397 = arith.constant 16 : i32
        %mul3A_398 = arith.muli %add3A_396, %mul3A_397 : i32
        %get3A_399 = arith.index_cast %mul3A_398 : i32 to index
        %get3A_400 = tpu.vector_load %arg5[%get3A_399] {strides = array<i32>} : memref<100000xf32, #tpu.memory_space<vmem>>, vector<16xf32>,
        %max3A_401 = arith.maximumf %get3A_352, %get3A_364 : vector<16xf32>
        %max3A_402 = arith.maximumf %max3A_401, %get3A_376 : vector<16xf32>
        %max3A_403 = arith.maximumf %max3A_402, %get3A_388 : vector<16xf32>
        %max3A_404 = arith.maximumf %max3A_403, %get3A_400 : vector<16xf32>
        %max3A_405 = arith.maximumf %max3A_340, %max3A_404 : vector<16xf32>
        %ge3A = arith.cmpf oge, %max3A_405, %scan3A_82 : vector<16xf32>
        %reduce_or3A = arith.constant 1.000000e+00 : f32
        %reduce_or3A_406 = arith.constant 0.000000e+00 : f32
        %reduce_or3A_407 = vector.broadcast %reduce_or3A : f32 to vector<16xf32>
        %reduce_or3A_408 = vector.broadcast %reduce_or3A_406 : f32 to vector<16xf32>
        %reduce_or3A_409 = arith.select %ge3A, %reduce_or3A_407, %reduce_or3A_408 : vector<16xi1>, vector<16xf32>
        %reduce_or3A_410 = arith.constant true
        %reduce_or3A_411 = vector.broadcast %reduce_or3A_410 : i1 to vector<16xi1>
        %reduce_or3A_412 = tpu.scan <max>, %reduce_or3A_409 masked %reduce_or3A_411 : vector<16xf32>, vector<16xi1> -> vector<16xf32>
        %reduce_or3A_413 = vector.extract %reduce_or3A_412[15] : f32 from vector<16xf32>
        %reduce_or3A_414 = arith.constant 0.000000e+00 : f32
        %reduce_or3A_415 = arith.cmpf ogt, %reduce_or3A_413, %reduce_or3A_414 : f32
        %convert_element_type3A = arith.extui %reduce_or3A_415 : i1 to i32
        %cond3A = arith.constant 0 : i32
        %cond3A_416 = arith.cmpi ne, %convert_element_type3A, %cond3A : i32
        %cond3A_417:2 = scf.if %cond3A_416 -> (vector<16xf32>, i32) {
          %ge3A_418 = arith.cmpf oge, %max3A_145, %scan3A_82 : vector<16xf32>
          %reduce_or3A_419 = arith.constant 1.000000e+00 : f32
          %reduce_or3A_420 = arith.constant 0.000000e+00 : f32
          %reduce_or3A_421 = vector.broadcast %reduce_or3A_419 : f32 to vector<16xf32>
          %reduce_or3A_422 = vector.broadcast %reduce_or3A_420 : f32 to vector<16xf32>
          %reduce_or3A_423 = arith.select %ge3A_418, %reduce_or3A_421, %reduce_or3A_422 : vector<16xi1>, vector<16xf32>
          %reduce_or3A_424 = arith.constant true
          %reduce_or3A_425 = vector.broadcast %reduce_or3A_424 : i1 to vector<16xi1>
          %reduce_or3A_426 = tpu.scan <max>, %reduce_or3A_423 masked %reduce_or3A_425 : vector<16xf32>, vector<16xi1> -> vector<16xf32>
          %reduce_or3A_427 = vector.extract %reduce_or3A_426[15] : f32 from vector<16xf32>
          %reduce_or3A_428 = arith.constant 0.000000e+00 : f32
          %reduce_or3A_429 = arith.cmpf ogt, %reduce_or3A_427, %reduce_or3A_428 : f32
          %convert_element_type3A_430 = arith.extui %reduce_or3A_429 : i1 to i32
          %cond3A_431 = arith.constant 0 : i32
          %cond3A_432 = arith.cmpi ne, %convert_element_type3A_430, %cond3A_431 : i32
          %cond3A_433:2 = scf.if %cond3A_432 -> (vector<16xf32>, i32) {
            %add3A_498 = arith.constant 0 : i32
            %add3A_499 = arith.addi %scan3A_83, %add3A_498 : i32
            %mul3A_500 = arith.constant 16 : i32
            %mul3A_501 = arith.muli %add3A_499, %mul3A_500 : i32
            %add3A_502 = arith.constant 64 : i32
            %add3A_503 = arith.addi %add3A_502, %mul3A_501 : i32
            %swap3A = arith.index_cast %add3A_503 : i32 to index
            %swap3A_504 = tpu.vector_load %arg6[%swap3A] {strides = array<i32>} : memref<304xf32, #tpu.memory_space<vmem>>, vector<16xf32>,
            tpu.vector_store %arg6[%swap3A], %get3A_94 {strides = array<i32>} : memref<304xf32, #tpu.memory_space<vmem>>, vector<16xf32>,
            %mul3A_505 = arith.constant 5 : i32
            %mul3A_506 = arith.muli %scan3A_81, %mul3A_505 : i32
            %add3A_507 = arith.constant 0 : i32
            %add3A_508 = arith.addi %mul3A_506, %add3A_507 : i32
            %mul3A_509 = arith.constant 5 : i32
            %mul3A_510 = arith.muli %add3A_508, %mul3A_509 : i32
            %add3A_511 = arith.constant 0 : i32
            %add3A_512 = arith.addi %mul3A_510, %add3A_511 : i32
            %mul3A_513 = arith.constant 16 : i32
            %mul3A_514 = arith.muli %add3A_512, %mul3A_513 : i32
            %broadcast_in_dim3A_515 = vector.broadcast %mul3A_514 : i32 to vector<16xi32>
            %add3A_516 = arith.addi %broadcast_in_dim3A_515, %iota3A : vector<16xi32>
            %add3A_517 = arith.constant 0 : i32
            %add3A_518 = arith.addi %scan3A_83, %add3A_517 : i32
            %mul3A_519 = arith.constant 16 : i32
            %mul3A_520 = arith.muli %add3A_518, %mul3A_519 : i32
            %add3A_521 = arith.constant 64 : i32
            %add3A_522 = arith.addi %add3A_521, %mul3A_520 : i32
            %swap3A_523 = arith.index_cast %add3A_522 : i32 to index
            %swap3A_524 = tpu.vector_load %arg7[%swap3A_523] {strides = array<i32>} : memref<304xi32, #tpu.memory_space<vmem>>, vector<16xi32>,
            tpu.vector_store %arg7[%swap3A_523], %add3A_516 {strides = array<i32>} : memref<304xi32, #tpu.memory_space<vmem>>, vector<16xi32>,
            %add3A_525 = arith.constant 1 : i32
            %add3A_526 = arith.addi %scan3A_83, %add3A_525 : i32
            %mul3A_527 = arith.constant 16 : i32
            %mul3A_528 = arith.muli %add3A_526, %mul3A_527 : i32
            %add3A_529 = arith.constant 64 : i32
            %add3A_530 = arith.addi %add3A_529, %mul3A_528 : i32
            %swap3A_531 = arith.index_cast %add3A_530 : i32 to index
            %swap3A_532 = tpu.vector_load %arg6[%swap3A_531] {strides = array<i32>} : memref<304xf32, #tpu.memory_space<vmem>>, vector<16xf32>,
            tpu.vector_store %arg6[%swap3A_531], %get3A_106 {strides = array<i32>} : memref<304xf32, #tpu.memory_space<vmem>>, vector<16xf32>,
            %mul3A_533 = arith.constant 5 : i32
            %mul3A_534 = arith.muli %scan3A_81, %mul3A_533 : i32
            %add3A_535 = arith.constant 0 : i32
            %add3A_536 = arith.addi %mul3A_534, %add3A_535 : i32
            %mul3A_537 = arith.constant 5 : i32
            %mul3A_538 = arith.muli %add3A_536, %mul3A_537 : i32
            %add3A_539 = arith.constant 1 : i32
            %add3A_540 = arith.addi %mul3A_538, %add3A_539 : i32
            %mul3A_541 = arith.constant 16 : i32
            %mul3A_542 = arith.muli %add3A_540, %mul3A_541 : i32
            %broadcast_in_dim3A_543 = vector.broadcast %mul3A_542 : i32 to vector<16xi32>
            %add3A_544 = arith.addi %broadcast_in_dim3A_543, %iota3A : vector<16xi32>
            %add3A_545 = arith.constant 1 : i32
            %add3A_546 = arith.addi %scan3A_83, %add3A_545 : i32
            %mul3A_547 = arith.constant 16 : i32
            %mul3A_548 = arith.muli %add3A_546, %mul3A_547 : i32
            %add3A_549 = arith.constant 64 : i32
            %add3A_550 = arith.addi %add3A_549, %mul3A_548 : i32
            %swap3A_551 = arith.index_cast %add3A_550 : i32 to index
            %swap3A_552 = tpu.vector_load %arg7[%swap3A_551] {strides = array<i32>} : memref<304xi32, #tpu.memory_space<vmem>>, vector<16xi32>,
            tpu.vector_store %arg7[%swap3A_551], %add3A_544 {strides = array<i32>} : memref<304xi32, #tpu.memory_space<vmem>>, vector<16xi32>,
            %add3A_553 = arith.constant 2 : i32
            %add3A_554 = arith.addi %scan3A_83, %add3A_553 : i32
            %mul3A_555 = arith.constant 16 : i32
            %mul3A_556 = arith.muli %add3A_554, %mul3A_555 : i32
            %add3A_557 = arith.constant 64 : i32
            %add3A_558 = arith.addi %add3A_557, %mul3A_556 : i32
            %swap3A_559 = arith.index_cast %add3A_558 : i32 to index
            %swap3A_560 = tpu.vector_load %arg6[%swap3A_559] {strides = array<i32>} : memref<304xf32, #tpu.memory_space<vmem>>, vector<16xf32>,
            tpu.vector_store %arg6[%swap3A_559], %get3A_118 {strides = array<i32>} : memref<304xf32, #tpu.memory_space<vmem>>, vector<16xf32>,
            %mul3A_561 = arith.constant 5 : i32
            %mul3A_562 = arith.muli %scan3A_81, %mul3A_561 : i32
            %add3A_563 = arith.constant 0 : i32
            %add3A_564 = arith.addi %mul3A_562, %add3A_563 : i32
            %mul3A_565 = arith.constant 5 : i32
            %mul3A_566 = arith.muli %add3A_564, %mul3A_565 : i32
            %add3A_567 = arith.constant 2 : i32
            %add3A_568 = arith.addi %mul3A_566, %add3A_567 : i32
            %mul3A_569 = arith.constant 16 : i32
            %mul3A_570 = arith.muli %add3A_568, %mul3A_569 : i32
            %broadcast_in_dim3A_571 = vector.broadcast %mul3A_570 : i32 to vector<16xi32>
            %add3A_572 = arith.addi %broadcast_in_dim3A_571, %iota3A : vector<16xi32>
            %add3A_573 = arith.constant 2 : i32
            %add3A_574 = arith.addi %scan3A_83, %add3A_573 : i32
            %mul3A_575 = arith.constant 16 : i32
            %mul3A_576 = arith.muli %add3A_574, %mul3A_575 : i32
            %add3A_577 = arith.constant 64 : i32
            %add3A_578 = arith.addi %add3A_577, %mul3A_576 : i32
            %swap3A_579 = arith.index_cast %add3A_578 : i32 to index
            %swap3A_580 = tpu.vector_load %arg7[%swap3A_579] {strides = array<i32>} : memref<304xi32, #tpu.memory_space<vmem>>, vector<16xi32>,
            tpu.vector_store %arg7[%swap3A_579], %add3A_572 {strides = array<i32>} : memref<304xi32, #tpu.memory_space<vmem>>, vector<16xi32>,
            %add3A_581 = arith.constant 3 : i32
            %add3A_582 = arith.addi %scan3A_83, %add3A_581 : i32
            %mul3A_583 = arith.constant 16 : i32
            %mul3A_584 = arith.muli %add3A_582, %mul3A_583 : i32
            %add3A_585 = arith.constant 64 : i32
            %add3A_586 = arith.addi %add3A_585, %mul3A_584 : i32
            %swap3A_587 = arith.index_cast %add3A_586 : i32 to index
            %swap3A_588 = tpu.vector_load %arg6[%swap3A_587] {strides = array<i32>} : memref<304xf32, #tpu.memory_space<vmem>>, vector<16xf32>,
            tpu.vector_store %arg6[%swap3A_587], %get3A_130 {strides = array<i32>} : memref<304xf32, #tpu.memory_space<vmem>>, vector<16xf32>,
            %mul3A_589 = arith.constant 5 : i32
            %mul3A_590 = arith.muli %scan3A_81, %mul3A_589 : i32
            %add3A_591 = arith.constant 0 : i32
            %add3A_592 = arith.addi %mul3A_590, %add3A_591 : i32
            %mul3A_593 = arith.constant 5 : i32
            %mul3A_594 = arith.muli %add3A_592, %mul3A_593 : i32
            %add3A_595 = arith.constant 3 : i32
            %add3A_596 = arith.addi %mul3A_594, %add3A_595 : i32
            %mul3A_597 = arith.constant 16 : i32
            %mul3A_598 = arith.muli %add3A_596, %mul3A_597 : i32
            %broadcast_in_dim3A_599 = vector.broadcast %mul3A_598 : i32 to vector<16xi32>
            %add3A_600 = arith.addi %broadcast_in_dim3A_599, %iota3A : vector<16xi32>
            %add3A_601 = arith.constant 3 : i32
            %add3A_602 = arith.addi %scan3A_83, %add3A_601 : i32
            %mul3A_603 = arith.constant 16 : i32
            %mul3A_604 = arith.muli %add3A_602, %mul3A_603 : i32
            %add3A_605 = arith.constant 64 : i32
            %add3A_606 = arith.addi %add3A_605, %mul3A_604 : i32
            %swap3A_607 = arith.index_cast %add3A_606 : i32 to index
            %swap3A_608 = tpu.vector_load %arg7[%swap3A_607] {strides = array<i32>} : memref<304xi32, #tpu.memory_space<vmem>>, vector<16xi32>,
            tpu.vector_store %arg7[%swap3A_607], %add3A_600 {strides = array<i32>} : memref<304xi32, #tpu.memory_space<vmem>>, vector<16xi32>,
            %add3A_609 = arith.constant 4 : i32
            %add3A_610 = arith.addi %scan3A_83, %add3A_609 : i32
            %mul3A_611 = arith.constant 16 : i32
            %mul3A_612 = arith.muli %add3A_610, %mul3A_611 : i32
            %add3A_613 = arith.constant 64 : i32
            %add3A_614 = arith.addi %add3A_613, %mul3A_612 : i32
            %swap3A_615 = arith.index_cast %add3A_614 : i32 to index
            %swap3A_616 = tpu.vector_load %arg6[%swap3A_615] {strides = array<i32>} : memref<304xf32, #tpu.memory_space<vmem>>, vector<16xf32>,
            tpu.vector_store %arg6[%swap3A_615], %get3A_142 {strides = array<i32>} : memref<304xf32, #tpu.memory_space<vmem>>, vector<16xf32>,
            %mul3A_617 = arith.constant 5 : i32
            %mul3A_618 = arith.muli %scan3A_81, %mul3A_617 : i32
            %add3A_619 = arith.constant 0 : i32
            %add3A_620 = arith.addi %mul3A_618, %add3A_619 : i32
            %mul3A_621 = arith.constant 5 : i32
            %mul3A_622 = arith.muli %add3A_620, %mul3A_621 : i32
            %add3A_623 = arith.constant 4 : i32
            %add3A_624 = arith.addi %mul3A_622, %add3A_623 : i32
            %mul3A_625 = arith.constant 16 : i32
            %mul3A_626 = arith.muli %add3A_624, %mul3A_625 : i32
            %broadcast_in_dim3A_627 = vector.broadcast %mul3A_626 : i32 to vector<16xi32>
            %add3A_628 = arith.addi %broadcast_in_dim3A_627, %iota3A : vector<16xi32>
            %add3A_629 = arith.constant 4 : i32
            %add3A_630 = arith.addi %scan3A_83, %add3A_629 : i32
            %mul3A_631 = arith.constant 16 : i32
            %mul3A_632 = arith.muli %add3A_630, %mul3A_631 : i32
            %add3A_633 = arith.constant 64 : i32
            %add3A_634 = arith.addi %add3A_633, %mul3A_632 : i32
            %swap3A_635 = arith.index_cast %add3A_634 : i32 to index
            %swap3A_636 = tpu.vector_load %arg7[%swap3A_635] {strides = array<i32>} : memref<304xi32, #tpu.memory_space<vmem>>, vector<16xi32>,
            tpu.vector_store %arg7[%swap3A_635], %add3A_628 {strides = array<i32>} : memref<304xi32, #tpu.memory_space<vmem>>, vector<16xi32>,
            %add3A_637 = arith.constant 5 : i32
            %add3A_638 = arith.addi %scan3A_83, %add3A_637 : i32
            %ge3A_639 = arith.constant 15 : i32
            %ge3A_640 = arith.cmpi sge, %add3A_638, %ge3A_639 : i32
            %convert_element_type3A_641 = arith.extui %ge3A_640 : i1 to i32
            %cond3A_642 = arith.constant 0 : i32
            %cond3A_643 = arith.constant 0 : i32
            %cond3A_644 = arith.cmpi ne, %convert_element_type3A_641, %cond3A_643 : i32
            %cond3A_645:2 = scf.if %cond3A_644 -> (vector<16xf32>, i32) {
              %scan3A_646 = arith.constant 0x7F800000 : f32
              %scan3A_647 = arith.constant 0xFF800000 : f32
              %scan3A_648 = arith.constant 0 : i32
              %scan3A_649 = arith.constant 64 : i32
              %scan3A_650 = arith.addi %scan3A_648, %scan3A_649 : i32
              %scan3A_651 = arith.constant 1 : i32
              %scan3A_652:2 = scf.for %scan3A_692 = %scan3A_648 to %scan3A_650 step %scan3A_651 iter_args(%scan3A_693 = %scan3A_646, %scan3A_694 = %scan3A_647) -> (f32, f32)  : i32 {
                %broadcast_in_dim3A_695 = vector.broadcast %scan3A_693 : f32 to vector<16xf32>
                %broadcast_in_dim3A_696 = arith.constant 0xFF800000 : f32
                %broadcast_in_dim3A_697 = vector.broadcast %broadcast_in_dim3A_696 : f32 to vector<16xf32>
                %broadcast_in_dim3A_698 = arith.constant 0 : i32
                %broadcast_in_dim3A_699 = vector.broadcast %broadcast_in_dim3A_698 : i32 to vector<16xi32>
                %scan3A_700 = arith.constant 0 : i32
                %scan3A_701 = arith.constant 19 : i32
                %scan3A_702 = arith.addi %scan3A_700, %scan3A_701 : i32
                %scan3A_703 = arith.constant 1 : i32
                %scan3A_704:2 = scf.for %scan3A_714 = %scan3A_700 to %scan3A_702 step %scan3A_703 iter_args(%scan3A_715 = %broadcast_in_dim3A_697, %scan3A_716 = %broadcast_in_dim3A_699) -> (vector<16xf32>, vector<16xi32>)  : i32 {
                  %mul3A_717 = arith.constant 16 : i32
                  %mul3A_718 = arith.muli %scan3A_714, %mul3A_717 : i32
                  %get3A_719 = arith.index_cast %mul3A_718 : i32 to index
                  %get3A_720 = tpu.vector_load %arg6[%get3A_719] {strides = array<i32>} : memref<304xf32, #tpu.memory_space<vmem>>, vector<16xf32>,
                  %ge3A_721 = arith.cmpf oge, %get3A_720, %broadcast_in_dim3A_695 : vector<16xf32>
                  %broadcast_in_dim3A_722 = arith.constant 0xFF800000 : f32
                  %broadcast_in_dim3A_723 = vector.broadcast %broadcast_in_dim3A_722 : f32 to vector<16xf32>
                  %select_n3A_724 = arith.select %ge3A_721, %broadcast_in_dim3A_723, %get3A_720 : vector<16xi1>, vector<16xf32>
                  %max3A_725 = arith.maximumf %scan3A_715, %select_n3A_724 : vector<16xf32>
                  %jit3A = arith.constant 1 : i32
                  %jit3A_726 = arith.constant 0 : i32
                  %broadcast_in_dim3A_727 = vector.broadcast %jit3A : i32 to vector<16xi32>
                  %broadcast_in_dim3A_728 = vector.broadcast %jit3A_726 : i32 to vector<16xi32>
                  %select_n3A_729 = arith.select %ge3A_721, %broadcast_in_dim3A_727, %broadcast_in_dim3A_728 : vector<16xi1>, vector<16xi32>
                  %add3A_730 = arith.addi %scan3A_716, %select_n3A_729 : vector<16xi32>
                  scf.yield %max3A_725, %add3A_730 : vector<16xf32>, vector<16xi32>
                }
                %scan3A_705 = arith.constant 19 : i32
                %reduce_max3A = arith.constant true
                %reduce_max3A_706 = vector.broadcast %reduce_max3A : i1 to vector<16xi1>
                %reduce_max3A_707 = tpu.scan <max>, %scan3A_704#0 masked %reduce_max3A_706 : vector<16xf32>, vector<16xi1> -> vector<16xf32>
                %reduce_max3A_708 = vector.extract %reduce_max3A_707[15] : f32 from vector<16xf32>
                %reduce_sum3A_709 = arith.constant true
                %reduce_sum3A_710 = vector.broadcast %reduce_sum3A_709 : i1 to vector<16xi1>
                %reduce_sum3A_711 = tpu.scan <sum>, %scan3A_704#1 masked %reduce_sum3A_710 : vector<16xi32>, vector<16xi1> -> vector<16xi32>
                %reduce_sum3A_712 = vector.extract %reduce_sum3A_711[15] : i32 from vector<16xi32>
                %lt3A = arith.constant 64 : i32
                %lt3A_713 = arith.cmpi slt, %reduce_sum3A_712, %lt3A : i32
                %select_n3A = arith.select %lt3A_713, %reduce_max3A_708, %scan3A_694 : f32
                scf.yield %reduce_max3A_708, %select_n3A : f32, f32
              }
              %scan3A_653 = arith.constant 64 : i32
              %broadcast_in_dim3A_654 = vector.broadcast %scan3A_652#1 : f32 to vector<16xf32>
              %broadcast_in_dim3A_655 = arith.constant 0 : i32
              %broadcast_in_dim3A_656 = vector.broadcast %broadcast_in_dim3A_655 : i32 to vector<16xi32>
              %broadcast_in_dim3A_657 = arith.constant 0 : i32
              %broadcast_in_dim3A_658 = vector.broadcast %broadcast_in_dim3A_657 : i32 to vector<16xi32>
              %scan3A_659 = arith.constant 0 : i32
              %scan3A_660 = arith.constant 19 : i32
              %scan3A_661 = arith.addi %scan3A_659, %scan3A_660 : i32
              %scan3A_662 = arith.constant 1 : i32
              %scan3A_663:2 = scf.for %scan3A_692 = %scan3A_659 to %scan3A_661 step %scan3A_662 iter_args(%scan3A_693 = %broadcast_in_dim3A_656, %scan3A_694 = %broadcast_in_dim3A_658) -> (vector<16xi32>, vector<16xi32>)  : i32 {
                %mul3A_695 = arith.constant 16 : i32
                %mul3A_696 = arith.muli %scan3A_692, %mul3A_695 : i32
                %get3A_697 = arith.index_cast %mul3A_696 : i32 to index
                %get3A_698 = tpu.vector_load %arg6[%get3A_697] {strides = array<i32>} : memref<304xf32, #tpu.memory_space<vmem>>, vector<16xf32>,
                %gt3A = arith.cmpf ogt, %get3A_698, %broadcast_in_dim3A_654 : vector<16xf32>
                %jit3A = arith.constant 1 : i32
                %jit3A_699 = arith.constant 0 : i32
                %broadcast_in_dim3A_700 = vector.broadcast %jit3A : i32 to vector<16xi32>
                %broadcast_in_dim3A_701 = vector.broadcast %jit3A_699 : i32 to vector<16xi32>
                %select_n3A = arith.select %gt3A, %broadcast_in_dim3A_700, %broadcast_in_dim3A_701 : vector<16xi1>, vector<16xi32>
                %add3A_702 = arith.addi %scan3A_693, %select_n3A : vector<16xi32>
                %eq3A = arith.cmpf oeq, %get3A_698, %broadcast_in_dim3A_654 : vector<16xf32>
                %jit3A_703 = arith.constant 1 : i32
                %jit3A_704 = arith.constant 0 : i32
                %broadcast_in_dim3A_705 = vector.broadcast %jit3A_703 : i32 to vector<16xi32>
                %broadcast_in_dim3A_706 = vector.broadcast %jit3A_704 : i32 to vector<16xi32>
                %select_n3A_707 = arith.select %eq3A, %broadcast_in_dim3A_705, %broadcast_in_dim3A_706 : vector<16xi1>, vector<16xi32>
                %add3A_708 = arith.addi %scan3A_694, %select_n3A_707 : vector<16xi32>
                scf.yield %add3A_702, %add3A_708 : vector<16xi32>, vector<16xi32>
              }
              %scan3A_664 = arith.constant 19 : i32
              %reduce_sum3A_665 = arith.constant true
              %reduce_sum3A_666 = vector.broadcast %reduce_sum3A_665 : i1 to vector<16xi1>
              %reduce_sum3A_667 = tpu.scan <sum>, %scan3A_663#1 masked %reduce_sum3A_666 : vector<16xi32>, vector<16xi1> -> vector<16xi32>
              %reduce_sum3A_668 = vector.extract %reduce_sum3A_667[15] : i32 from vector<16xi32>
              %reduce_sum3A_669 = arith.constant true
              %reduce_sum3A_670 = vector.broadcast %reduce_sum3A_669 : i1 to vector<16xi1>
              %reduce_sum3A_671 = tpu.scan <sum>, %scan3A_663#0 masked %reduce_sum3A_670 : vector<16xi32>, vector<16xi1> -> vector<16xi32>
              %reduce_sum3A_672 = vector.extract %reduce_sum3A_671[15] : i32 from vector<16xi32>
              %sub3A_673 = arith.constant 64 : i32
              %sub3A_674 = arith.subi %sub3A_673, %reduce_sum3A_672 : i32
              %sub3A_675 = arith.subi %reduce_sum3A_668, %sub3A_674 : i32
              %scan3A_676 = arith.constant 0 : i32
              %scan3A_677 = arith.constant 0 : i32
              %scan3A_678 = arith.constant 0 : i32
              %scan3A_679 = arith.constant 19 : i32
              %scan3A_680 = arith.addi %scan3A_678, %scan3A_679 : i32
              %scan3A_681 = arith.constant 1 : i32
              %scan3A_682:2 = scf.for %scan3A_692 = %scan3A_678 to %scan3A_680 step %scan3A_681 iter_args(%scan3A_693 = %scan3A_676, %scan3A_694 = %scan3A_677) -> (i32, i32)  : i32 {
                %mul3A_695 = arith.constant 16 : i32
                %mul3A_696 = arith.muli %scan3A_692, %mul3A_695 : i32
                %get3A_697 = arith.index_cast %mul3A_696 : i32 to index
                %get3A_698 = tpu.vector_load %arg6[%get3A_697] {strides = array<i32>} : memref<304xf32, #tpu.memory_space<vmem>>, vector<16xf32>,
                %mul3A_699 = arith.constant 16 : i32
                %mul3A_700 = arith.muli %scan3A_692, %mul3A_699 : i32
                %get3A_701 = arith.index_cast %mul3A_700 : i32 to index
                %get3A_702 = tpu.vector_load %arg7[%get3A_701] {strides = array<i32>} : memref<304xi32, #tpu.memory_space<vmem>>, vector<16xi32>,
                %gt3A = arith.cmpf ogt, %get3A_698, %broadcast_in_dim3A_654 : vector<16xf32>
                %eq3A = arith.cmpf oeq, %get3A_698, %broadcast_in_dim3A_654 : vector<16xf32>
                %jit3A = arith.constant 1 : i32
                %jit3A_703 = arith.constant 0 : i32
                %broadcast_in_dim3A_704 = vector.broadcast %jit3A : i32 to vector<16xi32>
                %broadcast_in_dim3A_705 = vector.broadcast %jit3A_703 : i32 to vector<16xi32>
                %select_n3A = arith.select %eq3A, %broadcast_in_dim3A_704, %broadcast_in_dim3A_705 : vector<16xi1>, vector<16xi32>
                %broadcast_in_dim3A_706 = arith.constant true
                %broadcast_in_dim3A_707 = vector.broadcast %broadcast_in_dim3A_706 : i1 to vector<16xi1>
                %masked_cumsum3A = tpu.scan <sum>, %select_n3A masked %broadcast_in_dim3A_707 : vector<16xi32>, vector<16xi1> -> vector<16xi32>
                %broadcast_in_dim3A_708 = vector.broadcast %scan3A_694 : i32 to vector<16xi32>
                %add3A_709 = arith.addi %masked_cumsum3A, %broadcast_in_dim3A_708 : vector<16xi32>
                %broadcast_in_dim3A_710 = vector.broadcast %sub3A_675 : i32 to vector<16xi32>
                %gt3A_711 = arith.cmpi sgt, %add3A_709, %broadcast_in_dim3A_710 : vector<16xi32>
                %and3A = arith.andi %eq3A, %gt3A_711 : vector<16xi1>
                %or3A = arith.ori %gt3A, %and3A : vector<16xi1>
                %swap3A_712 = arith.index_cast %scan3A_693 : i32 to index
                %swap3A_713 = tpu.vector_load %arg6[%swap3A_712] masked %or3A {strides = array<i32>} : memref<304xf32, #tpu.memory_space<vmem>>, vector<16xf32>, vector<16xi1>
                tpu.vector_store %arg6[%swap3A_712], %get3A_698 masked %or3A {strides = array<i32>} : memref<304xf32, #tpu.memory_space<vmem>>, vector<16xf32>, vector<16xi1>
                %swap3A_714 = arith.index_cast %scan3A_693 : i32 to index
                %swap3A_715 = tpu.vector_load %arg7[%swap3A_714] masked %or3A {strides = array<i32>} : memref<304xi32, #tpu.memory_space<vmem>>, vector<16xi32>, vector<16xi1>
                tpu.vector_store %arg7[%swap3A_714], %get3A_702 masked %or3A {strides = array<i32>} : memref<304xi32, #tpu.memory_space<vmem>>, vector<16xi32>, vector<16xi1>
                %jit3A_716 = arith.constant 1 : i32
                %jit3A_717 = arith.constant 0 : i32
                %broadcast_in_dim3A_718 = vector.broadcast %jit3A_716 : i32 to vector<16xi32>
                %broadcast_in_dim3A_719 = vector.broadcast %jit3A_717 : i32 to vector<16xi32>
                %select_n3A_720 = arith.select %or3A, %broadcast_in_dim3A_718, %broadcast_in_dim3A_719 : vector<16xi1>, vector<16xi32>
                %reduce_sum3A_721 = arith.constant true
                %reduce_sum3A_722 = vector.broadcast %reduce_sum3A_721 : i1 to vector<16xi1>
                %reduce_sum3A_723 = tpu.scan <sum>, %select_n3A_720 masked %reduce_sum3A_722 : vector<16xi32>, vector<16xi1> -> vector<16xi32>
                %reduce_sum3A_724 = vector.extract %reduce_sum3A_723[15] : i32 from vector<16xi32>
                %add3A_725 = arith.addi %scan3A_693, %reduce_sum3A_724 : i32
                %jit3A_726 = arith.constant 1 : i32
                %jit3A_727 = arith.constant 0 : i32
                %broadcast_in_dim3A_728 = vector.broadcast %jit3A_726 : i32 to vector<16xi32>
                %broadcast_in_dim3A_729 = vector.broadcast %jit3A_727 : i32 to vector<16xi32>
                %select_n3A_730 = arith.select %eq3A, %broadcast_in_dim3A_728, %broadcast_in_dim3A_729 : vector<16xi1>, vector<16xi32>
                %reduce_sum3A_731 = arith.constant true
                %reduce_sum3A_732 = vector.broadcast %reduce_sum3A_731 : i1 to vector<16xi1>
                %reduce_sum3A_733 = tpu.scan <sum>, %select_n3A_730 masked %reduce_sum3A_732 : vector<16xi32>, vector<16xi1> -> vector<16xi32>
                %reduce_sum3A_734 = vector.extract %reduce_sum3A_733[15] : i32 from vector<16xi32>
                %add3A_735 = arith.addi %scan3A_694, %reduce_sum3A_734 : i32
                scf.yield %add3A_725, %add3A_735 : i32, i32
              }
              %scan3A_683 = arith.constant 19 : i32
              %scan3A_684 = arith.constant 0 : i32
              %scan3A_685 = arith.constant 0 : i32
              %scan3A_686 = arith.constant 15 : i32
              %scan3A_687 = arith.addi %scan3A_685, %scan3A_686 : i32
              %scan3A_688 = arith.constant 1 : i32
              scf.for %scan3A_692 = %scan3A_685 to %scan3A_687 step %scan3A_688  : i32 {
                %broadcast_in_dim3A_693 = arith.constant 0xFF800000 : f32
                %broadcast_in_dim3A_694 = vector.broadcast %broadcast_in_dim3A_693 : f32 to vector<16xf32>
                %mul3A_695 = arith.constant 16 : i32
                %mul3A_696 = arith.muli %scan3A_692, %mul3A_695 : i32
                %add3A_697 = arith.constant 64 : i32
                %add3A_698 = arith.addi %add3A_697, %mul3A_696 : i32
                %swap3A_699 = arith.index_cast %add3A_698 : i32 to index
                %swap3A_700 = tpu.vector_load %arg6[%swap3A_699] {strides = array<i32>} : memref<304xf32, #tpu.memory_space<vmem>>, vector<16xf32>,
                tpu.vector_store %arg6[%swap3A_699], %broadcast_in_dim3A_694 {strides = array<i32>} : memref<304xf32, #tpu.memory_space<vmem>>, vector<16xf32>,
              }
              %scan3A_689 = arith.constant 15 : i32
              %broadcast_in_dim3A_690 = vector.broadcast %scan3A_652#1 : f32 to vector<16xf32>
              %cond3A_691 = arith.constant 0 : i32
              scf.yield %broadcast_in_dim3A_690, %cond3A_691 : vector<16xf32>, i32
            } else {
              scf.yield %scan3A_82, %add3A_638 : vector<16xf32>, i32
            }
            scf.yield %cond3A_645#0, %cond3A_645#1 : vector<16xf32>, i32
          } else {
            scf.yield %scan3A_82, %scan3A_83 : vector<16xf32>, i32
          }
          %ge3A_434 = arith.cmpf oge, %max3A_209, %cond3A_433#0 : vector<16xf32>
          %reduce_or3A_435 = arith.constant 1.000000e+00 : f32
          %reduce_or3A_436 = arith.constant 0.000000e+00 : f32
          %reduce_or3A_437 = vector.broadcast %reduce_or3A_435 : f32 to vector<16xf32>
          %reduce_or3A_438 = vector.broadcast %reduce_or3A_436 : f32 to vector<16xf32>
          %reduce_or3A_439 = arith.select %ge3A_434, %reduce_or3A_437, %reduce_or3A_438 : vector<16xi1>, vector<16xf32>
          %reduce_or3A_440 = arith.constant true
          %reduce_or3A_441 = vector.broadcast %reduce_or3A_440 : i1 to vector<16xi1>
          %reduce_or3A_442 = tpu.scan <max>, %reduce_or3A_439 masked %reduce_or3A_441 : vector<16xf32>, vector<16xi1> -> vector<16xf32>
          %reduce_or3A_443 = vector.extract %reduce_or3A_442[15] : f32 from vector<16xf32>
          %reduce_or3A_444 = arith.constant 0.000000e+00 : f32
          %reduce_or3A_445 = arith.cmpf ogt, %reduce_or3A_443, %reduce_or3A_444 : f32
          %convert_element_type3A_446 = arith.extui %reduce_or3A_445 : i1 to i32
          %cond3A_447 = arith.constant 0 : i32
          %cond3A_448 = arith.cmpi ne, %convert_element_type3A_446, %cond3A_447 : i32
          %cond3A_449:2 = scf.if %cond3A_448 -> (vector<16xf32>, i32) {
            %add3A_498 = arith.constant 0 : i32
            %add3A_499 = arith.addi %cond3A_433#1, %add3A_498 : i32
            %mul3A_500 = arith.constant 16 : i32
            %mul3A_501 = arith.muli %add3A_499, %mul3A_500 : i32
            %add3A_502 = arith.constant 64 : i32
            %add3A_503 = arith.addi %add3A_502, %mul3A_501 : i32
            %swap3A = arith.index_cast %add3A_503 : i32 to index
            %swap3A_504 = tpu.vector_load %arg6[%swap3A] {strides = array<i32>} : memref<304xf32, #tpu.memory_space<vmem>>, vector<16xf32>,
            tpu.vector_store %arg6[%swap3A], %get3A_157 {strides = array<i32>} : memref<304xf32, #tpu.memory_space<vmem>>, vector<16xf32>,
            %mul3A_505 = arith.constant 5 : i32
            %mul3A_506 = arith.muli %scan3A_81, %mul3A_505 : i32
            %add3A_507 = arith.constant 1 : i32
            %add3A_508 = arith.addi %mul3A_506, %add3A_507 : i32
            %mul3A_509 = arith.constant 5 : i32
            %mul3A_510 = arith.muli %add3A_508, %mul3A_509 : i32
            %add3A_511 = arith.constant 0 : i32
            %add3A_512 = arith.addi %mul3A_510, %add3A_511 : i32
            %mul3A_513 = arith.constant 16 : i32
            %mul3A_514 = arith.muli %add3A_512, %mul3A_513 : i32
            %broadcast_in_dim3A_515 = vector.broadcast %mul3A_514 : i32 to vector<16xi32>
            %add3A_516 = arith.addi %broadcast_in_dim3A_515, %iota3A : vector<16xi32>
            %add3A_517 = arith.constant 0 : i32
            %add3A_518 = arith.addi %cond3A_433#1, %add3A_517 : i32
            %mul3A_519 = arith.constant 16 : i32
            %mul3A_520 = arith.muli %add3A_518, %mul3A_519 : i32
            %add3A_521 = arith.constant 64 : i32
            %add3A_522 = arith.addi %add3A_521, %mul3A_520 : i32
            %swap3A_523 = arith.index_cast %add3A_522 : i32 to index
            %swap3A_524 = tpu.vector_load %arg7[%swap3A_523] {strides = array<i32>} : memref<304xi32, #tpu.memory_space<vmem>>, vector<16xi32>,
            tpu.vector_store %arg7[%swap3A_523], %add3A_516 {strides = array<i32>} : memref<304xi32, #tpu.memory_space<vmem>>, vector<16xi32>,
            %add3A_525 = arith.constant 1 : i32
            %add3A_526 = arith.addi %cond3A_433#1, %add3A_525 : i32
            %mul3A_527 = arith.constant 16 : i32
            %mul3A_528 = arith.muli %add3A_526, %mul3A_527 : i32
            %add3A_529 = arith.constant 64 : i32
            %add3A_530 = arith.addi %add3A_529, %mul3A_528 : i32
            %swap3A_531 = arith.index_cast %add3A_530 : i32 to index
            %swap3A_532 = tpu.vector_load %arg6[%swap3A_531] {strides = array<i32>} : memref<304xf32, #tpu.memory_space<vmem>>, vector<16xf32>,
            tpu.vector_store %arg6[%swap3A_531], %get3A_169 {strides = array<i32>} : memref<304xf32, #tpu.memory_space<vmem>>, vector<16xf32>,
            %mul3A_533 = arith.constant 5 : i32
            %mul3A_534 = arith.muli %scan3A_81, %mul3A_533 : i32
            %add3A_535 = arith.constant 1 : i32
            %add3A_536 = arith.addi %mul3A_534, %add3A_535 : i32
            %mul3A_537 = arith.constant 5 : i32
            %mul3A_538 = arith.muli %add3A_536, %mul3A_537 : i32
            %add3A_539 = arith.constant 1 : i32
            %add3A_540 = arith.addi %mul3A_538, %add3A_539 : i32
            %mul3A_541 = arith.constant 16 : i32
            %mul3A_542 = arith.muli %add3A_540, %mul3A_541 : i32
            %broadcast_in_dim3A_543 = vector.broadcast %mul3A_542 : i32 to vector<16xi32>
            %add3A_544 = arith.addi %broadcast_in_dim3A_543, %iota3A : vector<16xi32>
            %add3A_545 = arith.constant 1 : i32
            %add3A_546 = arith.addi %cond3A_433#1, %add3A_545 : i32
            %mul3A_547 = arith.constant 16 : i32
            %mul3A_548 = arith.muli %add3A_546, %mul3A_547 : i32
            %add3A_549 = arith.constant 64 : i32
            %add3A_550 = arith.addi %add3A_549, %mul3A_548 : i32
            %swap3A_551 = arith.index_cast %add3A_550 : i32 to index
            %swap3A_552 = tpu.vector_load %arg7[%swap3A_551] {strides = array<i32>} : memref<304xi32, #tpu.memory_space<vmem>>, vector<16xi32>,
            tpu.vector_store %arg7[%swap3A_551], %add3A_544 {strides = array<i32>} : memref<304xi32, #tpu.memory_space<vmem>>, vector<16xi32>,
            %add3A_553 = arith.constant 2 : i32
            %add3A_554 = arith.addi %cond3A_433#1, %add3A_553 : i32
            %mul3A_555 = arith.constant 16 : i32
            %mul3A_556 = arith.muli %add3A_554, %mul3A_555 : i32
            %add3A_557 = arith.constant 64 : i32
            %add3A_558 = arith.addi %add3A_557, %mul3A_556 : i32
            %swap3A_559 = arith.index_cast %add3A_558 : i32 to index
            %swap3A_560 = tpu.vector_load %arg6[%swap3A_559] {strides = array<i32>} : memref<304xf32, #tpu.memory_space<vmem>>, vector<16xf32>,
            tpu.vector_store %arg6[%swap3A_559], %get3A_181 {strides = array<i32>} : memref<304xf32, #tpu.memory_space<vmem>>, vector<16xf32>,
            %mul3A_561 = arith.constant 5 : i32
            %mul3A_562 = arith.muli %scan3A_81, %mul3A_561 : i32
            %add3A_563 = arith.constant 1 : i32
            %add3A_564 = arith.addi %mul3A_562, %add3A_563 : i32
            %mul3A_565 = arith.constant 5 : i32
            %mul3A_566 = arith.muli %add3A_564, %mul3A_565 : i32
            %add3A_567 = arith.constant 2 : i32
            %add3A_568 = arith.addi %mul3A_566, %add3A_567 : i32
            %mul3A_569 = arith.constant 16 : i32
            %mul3A_570 = arith.muli %add3A_568, %mul3A_569 : i32
            %broadcast_in_dim3A_571 = vector.broadcast %mul3A_570 : i32 to vector<16xi32>
            %add3A_572 = arith.addi %broadcast_in_dim3A_571, %iota3A : vector<16xi32>
            %add3A_573 = arith.constant 2 : i32
            %add3A_574 = arith.addi %cond3A_433#1, %add3A_573 : i32
            %mul3A_575 = arith.constant 16 : i32
            %mul3A_576 = arith.muli %add3A_574, %mul3A_575 : i32
            %add3A_577 = arith.constant 64 : i32
            %add3A_578 = arith.addi %add3A_577, %mul3A_576 : i32
            %swap3A_579 = arith.index_cast %add3A_578 : i32 to index
            %swap3A_580 = tpu.vector_load %arg7[%swap3A_579] {strides = array<i32>} : memref<304xi32, #tpu.memory_space<vmem>>, vector<16xi32>,
            tpu.vector_store %arg7[%swap3A_579], %add3A_572 {strides = array<i32>} : memref<304xi32, #tpu.memory_space<vmem>>, vector<16xi32>,
            %add3A_581 = arith.constant 3 : i32
            %add3A_582 = arith.addi %cond3A_433#1, %add3A_581 : i32
            %mul3A_583 = arith.constant 16 : i32
            %mul3A_584 = arith.muli %add3A_582, %mul3A_583 : i32
            %add3A_585 = arith.constant 64 : i32
            %add3A_586 = arith.addi %add3A_585, %mul3A_584 : i32
            %swap3A_587 = arith.index_cast %add3A_586 : i32 to index
            %swap3A_588 = tpu.vector_load %arg6[%swap3A_587] {strides = array<i32>} : memref<304xf32, #tpu.memory_space<vmem>>, vector<16xf32>,
            tpu.vector_store %arg6[%swap3A_587], %get3A_193 {strides = array<i32>} : memref<304xf32, #tpu.memory_space<vmem>>, vector<16xf32>,
            %mul3A_589 = arith.constant 5 : i32
            %mul3A_590 = arith.muli %scan3A_81, %mul3A_589 : i32
            %add3A_591 = arith.constant 1 : i32
            %add3A_592 = arith.addi %mul3A_590, %add3A_591 : i32
            %mul3A_593 = arith.constant 5 : i32
            %mul3A_594 = arith.muli %add3A_592, %mul3A_593 : i32
            %add3A_595 = arith.constant 3 : i32
            %add3A_596 = arith.addi %mul3A_594, %add3A_595 : i32
            %mul3A_597 = arith.constant 16 : i32
            %mul3A_598 = arith.muli %add3A_596, %mul3A_597 : i32
            %broadcast_in_dim3A_599 = vector.broadcast %mul3A_598 : i32 to vector<16xi32>
            %add3A_600 = arith.addi %broadcast_in_dim3A_599, %iota3A : vector<16xi32>
            %add3A_601 = arith.constant 3 : i32
            %add3A_602 = arith.addi %cond3A_433#1, %add3A_601 : i32
            %mul3A_603 = arith.constant 16 : i32
            %mul3A_604 = arith.muli %add3A_602, %mul3A_603 : i32
            %add3A_605 = arith.constant 64 : i32
            %add3A_606 = arith.addi %add3A_605, %mul3A_604 : i32
            %swap3A_607 = arith.index_cast %add3A_606 : i32 to index
            %swap3A_608 = tpu.vector_load %arg7[%swap3A_607] {strides = array<i32>} : memref<304xi32, #tpu.memory_space<vmem>>, vector<16xi32>,
            tpu.vector_store %arg7[%swap3A_607], %add3A_600 {strides = array<i32>} : memref<304xi32, #tpu.memory_space<vmem>>, vector<16xi32>,
            %add3A_609 = arith.constant 4 : i32
            %add3A_610 = arith.addi %cond3A_433#1, %add3A_609 : i32
            %mul3A_611 = arith.constant 16 : i32
            %mul3A_612 = arith.muli %add3A_610, %mul3A_611 : i32
            %add3A_613 = arith.constant 64 : i32
            %add3A_614 = arith.addi %add3A_613, %mul3A_612 : i32
            %swap3A_615 = arith.index_cast %add3A_614 : i32 to index
            %swap3A_616 = tpu.vector_load %arg6[%swap3A_615] {strides = array<i32>} : memref<304xf32, #tpu.memory_space<vmem>>, vector<16xf32>,
            tpu.vector_store %arg6[%swap3A_615], %get3A_205 {strides = array<i32>} : memref<304xf32, #tpu.memory_space<vmem>>, vector<16xf32>,
            %mul3A_617 = arith.constant 5 : i32
            %mul3A_618 = arith.muli %scan3A_81, %mul3A_617 : i32
            %add3A_619 = arith.constant 1 : i32
            %add3A_620 = arith.addi %mul3A_618, %add3A_619 : i32
            %mul3A_621 = arith.constant 5 : i32
            %mul3A_622 = arith.muli %add3A_620, %mul3A_621 : i32
            %add3A_623 = arith.constant 4 : i32
            %add3A_624 = arith.addi %mul3A_622, %add3A_623 : i32
            %mul3A_625 = arith.constant 16 : i32
            %mul3A_626 = arith.muli %add3A_624, %mul3A_625 : i32
            %broadcast_in_dim3A_627 = vector.broadcast %mul3A_626 : i32 to vector<16xi32>
            %add3A_628 = arith.addi %broadcast_in_dim3A_627, %iota3A : vector<16xi32>
            %add3A_629 = arith.constant 4 : i32
            %add3A_630 = arith.addi %cond3A_433#1, %add3A_629 : i32
            %mul3A_631 = arith.constant 16 : i32
            %mul3A_632 = arith.muli %add3A_630, %mul3A_631 : i32
            %add3A_633 = arith.constant 64 : i32
            %add3A_634 = arith.addi %add3A_633, %mul3A_632 : i32
            %swap3A_635 = arith.index_cast %add3A_634 : i32 to index
            %swap3A_636 = tpu.vector_load %arg7[%swap3A_635] {strides = array<i32>} : memref<304xi32, #tpu.memory_space<vmem>>, vector<16xi32>,
            tpu.vector_store %arg7[%swap3A_635], %add3A_628 {strides = array<i32>} : memref<304xi32, #tpu.memory_space<vmem>>, vector<16xi32>,
            %add3A_637 = arith.constant 5 : i32
            %add3A_638 = arith.addi %cond3A_433#1, %add3A_637 : i32
            %ge3A_639 = arith.constant 15 : i32
            %ge3A_640 = arith.cmpi sge, %add3A_638, %ge3A_639 : i32
            %convert_element_type3A_641 = arith.extui %ge3A_640 : i1 to i32
            %cond3A_642 = arith.constant 0 : i32
            %cond3A_643 = arith.constant 0 : i32
            %cond3A_644 = arith.cmpi ne, %convert_element_type3A_641, %cond3A_643 : i32
            %cond3A_645:2 = scf.if %cond3A_644 -> (vector<16xf32>, i32) {
              %scan3A_646 = arith.constant 0x7F800000 : f32
              %scan3A_647 = arith.constant 0xFF800000 : f32
              %scan3A_648 = arith.constant 0 : i32
              %scan3A_649 = arith.constant 64 : i32
              %scan3A_650 = arith.addi %scan3A_648, %scan3A_649 : i32
              %scan3A_651 = arith.constant 1 : i32
              %scan3A_652:2 = scf.for %scan3A_692 = %scan3A_648 to %scan3A_650 step %scan3A_651 iter_args(%scan3A_693 = %scan3A_646, %scan3A_694 = %scan3A_647) -> (f32, f32)  : i32 {
                %broadcast_in_dim3A_695 = vector.broadcast %scan3A_693 : f32 to vector<16xf32>
                %broadcast_in_dim3A_696 = arith.constant 0xFF800000 : f32
                %broadcast_in_dim3A_697 = vector.broadcast %broadcast_in_dim3A_696 : f32 to vector<16xf32>
                %broadcast_in_dim3A_698 = arith.constant 0 : i32
                %broadcast_in_dim3A_699 = vector.broadcast %broadcast_in_dim3A_698 : i32 to vector<16xi32>
                %scan3A_700 = arith.constant 0 : i32
                %scan3A_701 = arith.constant 19 : i32
                %scan3A_702 = arith.addi %scan3A_700, %scan3A_701 : i32
                %scan3A_703 = arith.constant 1 : i32
                %scan3A_704:2 = scf.for %scan3A_714 = %scan3A_700 to %scan3A_702 step %scan3A_703 iter_args(%scan3A_715 = %broadcast_in_dim3A_697, %scan3A_716 = %broadcast_in_dim3A_699) -> (vector<16xf32>, vector<16xi32>)  : i32 {
                  %mul3A_717 = arith.constant 16 : i32
                  %mul3A_718 = arith.muli %scan3A_714, %mul3A_717 : i32
                  %get3A_719 = arith.index_cast %mul3A_718 : i32 to index
                  %get3A_720 = tpu.vector_load %arg6[%get3A_719] {strides = array<i32>} : memref<304xf32, #tpu.memory_space<vmem>>, vector<16xf32>,
                  %ge3A_721 = arith.cmpf oge, %get3A_720, %broadcast_in_dim3A_695 : vector<16xf32>
                  %broadcast_in_dim3A_722 = arith.constant 0xFF800000 : f32
                  %broadcast_in_dim3A_723 = vector.broadcast %broadcast_in_dim3A_722 : f32 to vector<16xf32>
                  %select_n3A_724 = arith.select %ge3A_721, %broadcast_in_dim3A_723, %get3A_720 : vector<16xi1>, vector<16xf32>
                  %max3A_725 = arith.maximumf %scan3A_715, %select_n3A_724 : vector<16xf32>
                  %jit3A = arith.constant 1 : i32
                  %jit3A_726 = arith.constant 0 : i32
                  %broadcast_in_dim3A_727 = vector.broadcast %jit3A : i32 to vector<16xi32>
                  %broadcast_in_dim3A_728 = vector.broadcast %jit3A_726 : i32 to vector<16xi32>
                  %select_n3A_729 = arith.select %ge3A_721, %broadcast_in_dim3A_727, %broadcast_in_dim3A_728 : vector<16xi1>, vector<16xi32>
                  %add3A_730 = arith.addi %scan3A_716, %select_n3A_729 : vector<16xi32>
                  scf.yield %max3A_725, %add3A_730 : vector<16xf32>, vector<16xi32>
                }
                %scan3A_705 = arith.constant 19 : i32
                %reduce_max3A = arith.constant true
                %reduce_max3A_706 = vector.broadcast %reduce_max3A : i1 to vector<16xi1>
                %reduce_max3A_707 = tpu.scan <max>, %scan3A_704#0 masked %reduce_max3A_706 : vector<16xf32>, vector<16xi1> -> vector<16xf32>
                %reduce_max3A_708 = vector.extract %reduce_max3A_707[15] : f32 from vector<16xf32>
                %reduce_sum3A_709 = arith.constant true
                %reduce_sum3A_710 = vector.broadcast %reduce_sum3A_709 : i1 to vector<16xi1>
                %reduce_sum3A_711 = tpu.scan <sum>, %scan3A_704#1 masked %reduce_sum3A_710 : vector<16xi32>, vector<16xi1> -> vector<16xi32>
                %reduce_sum3A_712 = vector.extract %reduce_sum3A_711[15] : i32 from vector<16xi32>
                %lt3A = arith.constant 64 : i32
                %lt3A_713 = arith.cmpi slt, %reduce_sum3A_712, %lt3A : i32
                %select_n3A = arith.select %lt3A_713, %reduce_max3A_708, %scan3A_694 : f32
                scf.yield %reduce_max3A_708, %select_n3A : f32, f32
              }
              %scan3A_653 = arith.constant 64 : i32
              %broadcast_in_dim3A_654 = vector.broadcast %scan3A_652#1 : f32 to vector<16xf32>
              %broadcast_in_dim3A_655 = arith.constant 0 : i32
              %broadcast_in_dim3A_656 = vector.broadcast %broadcast_in_dim3A_655 : i32 to vector<16xi32>
              %broadcast_in_dim3A_657 = arith.constant 0 : i32
              %broadcast_in_dim3A_658 = vector.broadcast %broadcast_in_dim3A_657 : i32 to vector<16xi32>
              %scan3A_659 = arith.constant 0 : i32
              %scan3A_660 = arith.constant 19 : i32
              %scan3A_661 = arith.addi %scan3A_659, %scan3A_660 : i32
              %scan3A_662 = arith.constant 1 : i32
              %scan3A_663:2 = scf.for %scan3A_692 = %scan3A_659 to %scan3A_661 step %scan3A_662 iter_args(%scan3A_693 = %broadcast_in_dim3A_656, %scan3A_694 = %broadcast_in_dim3A_658) -> (vector<16xi32>, vector<16xi32>)  : i32 {
                %mul3A_695 = arith.constant 16 : i32
                %mul3A_696 = arith.muli %scan3A_692, %mul3A_695 : i32
                %get3A_697 = arith.index_cast %mul3A_696 : i32 to index
                %get3A_698 = tpu.vector_load %arg6[%get3A_697] {strides = array<i32>} : memref<304xf32, #tpu.memory_space<vmem>>, vector<16xf32>,
                %gt3A = arith.cmpf ogt, %get3A_698, %broadcast_in_dim3A_654 : vector<16xf32>
                %jit3A = arith.constant 1 : i32
                %jit3A_699 = arith.constant 0 : i32
                %broadcast_in_dim3A_700 = vector.broadcast %jit3A : i32 to vector<16xi32>
                %broadcast_in_dim3A_701 = vector.broadcast %jit3A_699 : i32 to vector<16xi32>
                %select_n3A = arith.select %gt3A, %broadcast_in_dim3A_700, %broadcast_in_dim3A_701 : vector<16xi1>, vector<16xi32>
                %add3A_702 = arith.addi %scan3A_693, %select_n3A : vector<16xi32>
                %eq3A = arith.cmpf oeq, %get3A_698, %broadcast_in_dim3A_654 : vector<16xf32>
                %jit3A_703 = arith.constant 1 : i32
                %jit3A_704 = arith.constant 0 : i32
                %broadcast_in_dim3A_705 = vector.broadcast %jit3A_703 : i32 to vector<16xi32>
                %broadcast_in_dim3A_706 = vector.broadcast %jit3A_704 : i32 to vector<16xi32>
                %select_n3A_707 = arith.select %eq3A, %broadcast_in_dim3A_705, %broadcast_in_dim3A_706 : vector<16xi1>, vector<16xi32>
                %add3A_708 = arith.addi %scan3A_694, %select_n3A_707 : vector<16xi32>
                scf.yield %add3A_702, %add3A_708 : vector<16xi32>, vector<16xi32>
              }
              %scan3A_664 = arith.constant 19 : i32
              %reduce_sum3A_665 = arith.constant true
              %reduce_sum3A_666 = vector.broadcast %reduce_sum3A_665 : i1 to vector<16xi1>
              %reduce_sum3A_667 = tpu.scan <sum>, %scan3A_663#1 masked %reduce_sum3A_666 : vector<16xi32>, vector<16xi1> -> vector<16xi32>
              %reduce_sum3A_668 = vector.extract %reduce_sum3A_667[15] : i32 from vector<16xi32>
              %reduce_sum3A_669 = arith.constant true
              %reduce_sum3A_670 = vector.broadcast %reduce_sum3A_669 : i1 to vector<16xi1>
              %reduce_sum3A_671 = tpu.scan <sum>, %scan3A_663#0 masked %reduce_sum3A_670 : vector<16xi32>, vector<16xi1> -> vector<16xi32>
              %reduce_sum3A_672 = vector.extract %reduce_sum3A_671[15] : i32 from vector<16xi32>
              %sub3A_673 = arith.constant 64 : i32
              %sub3A_674 = arith.subi %sub3A_673, %reduce_sum3A_672 : i32
              %sub3A_675 = arith.subi %reduce_sum3A_668, %sub3A_674 : i32
              %scan3A_676 = arith.constant 0 : i32
              %scan3A_677 = arith.constant 0 : i32
              %scan3A_678 = arith.constant 0 : i32
              %scan3A_679 = arith.constant 19 : i32
              %scan3A_680 = arith.addi %scan3A_678, %scan3A_679 : i32
              %scan3A_681 = arith.constant 1 : i32
              %scan3A_682:2 = scf.for %scan3A_692 = %scan3A_678 to %scan3A_680 step %scan3A_681 iter_args(%scan3A_693 = %scan3A_676, %scan3A_694 = %scan3A_677) -> (i32, i32)  : i32 {
                %mul3A_695 = arith.constant 16 : i32
                %mul3A_696 = arith.muli %scan3A_692, %mul3A_695 : i32
                %get3A_697 = arith.index_cast %mul3A_696 : i32 to index
                %get3A_698 = tpu.vector_load %arg6[%get3A_697] {strides = array<i32>} : memref<304xf32, #tpu.memory_space<vmem>>, vector<16xf32>,
                %mul3A_699 = arith.constant 16 : i32
                %mul3A_700 = arith.muli %scan3A_692, %mul3A_699 : i32
                %get3A_701 = arith.index_cast %mul3A_700 : i32 to index
                %get3A_702 = tpu.vector_load %arg7[%get3A_701] {strides = array<i32>} : memref<304xi32, #tpu.memory_space<vmem>>, vector<16xi32>,
                %gt3A = arith.cmpf ogt, %get3A_698, %broadcast_in_dim3A_654 : vector<16xf32>
                %eq3A = arith.cmpf oeq, %get3A_698, %broadcast_in_dim3A_654 : vector<16xf32>
                %jit3A = arith.constant 1 : i32
                %jit3A_703 = arith.constant 0 : i32
                %broadcast_in_dim3A_704 = vector.broadcast %jit3A : i32 to vector<16xi32>
                %broadcast_in_dim3A_705 = vector.broadcast %jit3A_703 : i32 to vector<16xi32>
                %select_n3A = arith.select %eq3A, %broadcast_in_dim3A_704, %broadcast_in_dim3A_705 : vector<16xi1>, vector<16xi32>
                %broadcast_in_dim3A_706 = arith.constant true
                %broadcast_in_dim3A_707 = vector.broadcast %broadcast_in_dim3A_706 : i1 to vector<16xi1>
                %masked_cumsum3A = tpu.scan <sum>, %select_n3A masked %broadcast_in_dim3A_707 : vector<16xi32>, vector<16xi1> -> vector<16xi32>
                %broadcast_in_dim3A_708 = vector.broadcast %scan3A_694 : i32 to vector<16xi32>
                %add3A_709 = arith.addi %masked_cumsum3A, %broadcast_in_dim3A_708 : vector<16xi32>
                %broadcast_in_dim3A_710 = vector.broadcast %sub3A_675 : i32 to vector<16xi32>
                %gt3A_711 = arith.cmpi sgt, %add3A_709, %broadcast_in_dim3A_710 : vector<16xi32>
                %and3A = arith.andi %eq3A, %gt3A_711 : vector<16xi1>
                %or3A = arith.ori %gt3A, %and3A : vector<16xi1>
                %swap3A_712 = arith.index_cast %scan3A_693 : i32 to index
                %swap3A_713 = tpu.vector_load %arg6[%swap3A_712] masked %or3A {strides = array<i32>} : memref<304xf32, #tpu.memory_space<vmem>>, vector<16xf32>, vector<16xi1>
                tpu.vector_store %arg6[%swap3A_712], %get3A_698 masked %or3A {strides = array<i32>} : memref<304xf32, #tpu.memory_space<vmem>>, vector<16xf32>, vector<16xi1>
                %swap3A_714 = arith.index_cast %scan3A_693 : i32 to index
                %swap3A_715 = tpu.vector_load %arg7[%swap3A_714] masked %or3A {strides = array<i32>} : memref<304xi32, #tpu.memory_space<vmem>>, vector<16xi32>, vector<16xi1>
                tpu.vector_store %arg7[%swap3A_714], %get3A_702 masked %or3A {strides = array<i32>} : memref<304xi32, #tpu.memory_space<vmem>>, vector<16xi32>, vector<16xi1>
                %jit3A_716 = arith.constant 1 : i32
                %jit3A_717 = arith.constant 0 : i32
                %broadcast_in_dim3A_718 = vector.broadcast %jit3A_716 : i32 to vector<16xi32>
                %broadcast_in_dim3A_719 = vector.broadcast %jit3A_717 : i32 to vector<16xi32>
                %select_n3A_720 = arith.select %or3A, %broadcast_in_dim3A_718, %broadcast_in_dim3A_719 : vector<16xi1>, vector<16xi32>
                %reduce_sum3A_721 = arith.constant true
                %reduce_sum3A_722 = vector.broadcast %reduce_sum3A_721 : i1 to vector<16xi1>
                %reduce_sum3A_723 = tpu.scan <sum>, %select_n3A_720 masked %reduce_sum3A_722 : vector<16xi32>, vector<16xi1> -> vector<16xi32>
                %reduce_sum3A_724 = vector.extract %reduce_sum3A_723[15] : i32 from vector<16xi32>
                %add3A_725 = arith.addi %scan3A_693, %reduce_sum3A_724 : i32
                %jit3A_726 = arith.constant 1 : i32
                %jit3A_727 = arith.constant 0 : i32
                %broadcast_in_dim3A_728 = vector.broadcast %jit3A_726 : i32 to vector<16xi32>
                %broadcast_in_dim3A_729 = vector.broadcast %jit3A_727 : i32 to vector<16xi32>
                %select_n3A_730 = arith.select %eq3A, %broadcast_in_dim3A_728, %broadcast_in_dim3A_729 : vector<16xi1>, vector<16xi32>
                %reduce_sum3A_731 = arith.constant true
                %reduce_sum3A_732 = vector.broadcast %reduce_sum3A_731 : i1 to vector<16xi1>
                %reduce_sum3A_733 = tpu.scan <sum>, %select_n3A_730 masked %reduce_sum3A_732 : vector<16xi32>, vector<16xi1> -> vector<16xi32>
                %reduce_sum3A_734 = vector.extract %reduce_sum3A_733[15] : i32 from vector<16xi32>
                %add3A_735 = arith.addi %scan3A_694, %reduce_sum3A_734 : i32
                scf.yield %add3A_725, %add3A_735 : i32, i32
              }
              %scan3A_683 = arith.constant 19 : i32
              %scan3A_684 = arith.constant 0 : i32
              %scan3A_685 = arith.constant 0 : i32
              %scan3A_686 = arith.constant 15 : i32
              %scan3A_687 = arith.addi %scan3A_685, %scan3A_686 : i32
              %scan3A_688 = arith.constant 1 : i32
              scf.for %scan3A_692 = %scan3A_685 to %scan3A_687 step %scan3A_688  : i32 {
                %broadcast_in_dim3A_693 = arith.constant 0xFF800000 : f32
                %broadcast_in_dim3A_694 = vector.broadcast %broadcast_in_dim3A_693 : f32 to vector<16xf32>
                %mul3A_695 = arith.constant 16 : i32
                %mul3A_696 = arith.muli %scan3A_692, %mul3A_695 : i32
                %add3A_697 = arith.constant 64 : i32
                %add3A_698 = arith.addi %add3A_697, %mul3A_696 : i32
                %swap3A_699 = arith.index_cast %add3A_698 : i32 to index
                %swap3A_700 = tpu.vector_load %arg6[%swap3A_699] {strides = array<i32>} : memref<304xf32, #tpu.memory_space<vmem>>, vector<16xf32>,
                tpu.vector_store %arg6[%swap3A_699], %broadcast_in_dim3A_694 {strides = array<i32>} : memref<304xf32, #tpu.memory_space<vmem>>, vector<16xf32>,
              }
              %scan3A_689 = arith.constant 15 : i32
              %broadcast_in_dim3A_690 = vector.broadcast %scan3A_652#1 : f32 to vector<16xf32>
              %cond3A_691 = arith.constant 0 : i32
              scf.yield %broadcast_in_dim3A_690, %cond3A_691 : vector<16xf32>, i32
            } else {
              scf.yield %cond3A_433#0, %add3A_638 : vector<16xf32>, i32
            }
            scf.yield %cond3A_645#0, %cond3A_645#1 : vector<16xf32>, i32
          } else {
            scf.yield %cond3A_433#0, %cond3A_433#1 : vector<16xf32>, i32
          }
          %ge3A_450 = arith.cmpf oge, %max3A_274, %cond3A_449#0 : vector<16xf32>
          %reduce_or3A_451 = arith.constant 1.000000e+00 : f32
          %reduce_or3A_452 = arith.constant 0.000000e+00 : f32
          %reduce_or3A_453 = vector.broadcast %reduce_or3A_451 : f32 to vector<16xf32>
          %reduce_or3A_454 = vector.broadcast %reduce_or3A_452 : f32 to vector<16xf32>
          %reduce_or3A_455 = arith.select %ge3A_450, %reduce_or3A_453, %reduce_or3A_454 : vector<16xi1>, vector<16xf32>
          %reduce_or3A_456 = arith.constant true
          %reduce_or3A_457 = vector.broadcast %reduce_or3A_456 : i1 to vector<16xi1>
          %reduce_or3A_458 = tpu.scan <max>, %reduce_or3A_455 masked %reduce_or3A_457 : vector<16xf32>, vector<16xi1> -> vector<16xf32>
          %reduce_or3A_459 = vector.extract %reduce_or3A_458[15] : f32 from vector<16xf32>
          %reduce_or3A_460 = arith.constant 0.000000e+00 : f32
          %reduce_or3A_461 = arith.cmpf ogt, %reduce_or3A_459, %reduce_or3A_460 : f32
          %convert_element_type3A_462 = arith.extui %reduce_or3A_461 : i1 to i32
          %cond3A_463 = arith.constant 0 : i32
          %cond3A_464 = arith.cmpi ne, %convert_element_type3A_462, %cond3A_463 : i32
          %cond3A_465:2 = scf.if %cond3A_464 -> (vector<16xf32>, i32) {
            %add3A_498 = arith.constant 0 : i32
            %add3A_499 = arith.addi %cond3A_449#1, %add3A_498 : i32
            %mul3A_500 = arith.constant 16 : i32
            %mul3A_501 = arith.muli %add3A_499, %mul3A_500 : i32
            %add3A_502 = arith.constant 64 : i32
            %add3A_503 = arith.addi %add3A_502, %mul3A_501 : i32
            %swap3A = arith.index_cast %add3A_503 : i32 to index
            %swap3A_504 = tpu.vector_load %arg6[%swap3A] {strides = array<i32>} : memref<304xf32, #tpu.memory_space<vmem>>, vector<16xf32>,
            tpu.vector_store %arg6[%swap3A], %get3A_222 {strides = array<i32>} : memref<304xf32, #tpu.memory_space<vmem>>, vector<16xf32>,
            %mul3A_505 = arith.constant 5 : i32
            %mul3A_506 = arith.muli %scan3A_81, %mul3A_505 : i32
            %add3A_507 = arith.constant 2 : i32
            %add3A_508 = arith.addi %mul3A_506, %add3A_507 : i32
            %mul3A_509 = arith.constant 5 : i32
            %mul3A_510 = arith.muli %add3A_508, %mul3A_509 : i32
            %add3A_511 = arith.constant 0 : i32
            %add3A_512 = arith.addi %mul3A_510, %add3A_511 : i32
            %mul3A_513 = arith.constant 16 : i32
            %mul3A_514 = arith.muli %add3A_512, %mul3A_513 : i32
            %broadcast_in_dim3A_515 = vector.broadcast %mul3A_514 : i32 to vector<16xi32>
            %add3A_516 = arith.addi %broadcast_in_dim3A_515, %iota3A : vector<16xi32>
            %add3A_517 = arith.constant 0 : i32
            %add3A_518 = arith.addi %cond3A_449#1, %add3A_517 : i32
            %mul3A_519 = arith.constant 16 : i32
            %mul3A_520 = arith.muli %add3A_518, %mul3A_519 : i32
            %add3A_521 = arith.constant 64 : i32
            %add3A_522 = arith.addi %add3A_521, %mul3A_520 : i32
            %swap3A_523 = arith.index_cast %add3A_522 : i32 to index
            %swap3A_524 = tpu.vector_load %arg7[%swap3A_523] {strides = array<i32>} : memref<304xi32, #tpu.memory_space<vmem>>, vector<16xi32>,
            tpu.vector_store %arg7[%swap3A_523], %add3A_516 {strides = array<i32>} : memref<304xi32, #tpu.memory_space<vmem>>, vector<16xi32>,
            %add3A_525 = arith.constant 1 : i32
            %add3A_526 = arith.addi %cond3A_449#1, %add3A_525 : i32
            %mul3A_527 = arith.constant 16 : i32
            %mul3A_528 = arith.muli %add3A_526, %mul3A_527 : i32
            %add3A_529 = arith.constant 64 : i32
            %add3A_530 = arith.addi %add3A_529, %mul3A_528 : i32
            %swap3A_531 = arith.index_cast %add3A_530 : i32 to index
            %swap3A_532 = tpu.vector_load %arg6[%swap3A_531] {strides = array<i32>} : memref<304xf32, #tpu.memory_space<vmem>>, vector<16xf32>,
            tpu.vector_store %arg6[%swap3A_531], %get3A_234 {strides = array<i32>} : memref<304xf32, #tpu.memory_space<vmem>>, vector<16xf32>,
            %mul3A_533 = arith.constant 5 : i32
            %mul3A_534 = arith.muli %scan3A_81, %mul3A_533 : i32
            %add3A_535 = arith.constant 2 : i32
            %add3A_536 = arith.addi %mul3A_534, %add3A_535 : i32
            %mul3A_537 = arith.constant 5 : i32
            %mul3A_538 = arith.muli %add3A_536, %mul3A_537 : i32
            %add3A_539 = arith.constant 1 : i32
            %add3A_540 = arith.addi %mul3A_538, %add3A_539 : i32
            %mul3A_541 = arith.constant 16 : i32
            %mul3A_542 = arith.muli %add3A_540, %mul3A_541 : i32
            %broadcast_in_dim3A_543 = vector.broadcast %mul3A_542 : i32 to vector<16xi32>
            %add3A_544 = arith.addi %broadcast_in_dim3A_543, %iota3A : vector<16xi32>
            %add3A_545 = arith.constant 1 : i32
            %add3A_546 = arith.addi %cond3A_449#1, %add3A_545 : i32
            %mul3A_547 = arith.constant 16 : i32
            %mul3A_548 = arith.muli %add3A_546, %mul3A_547 : i32
            %add3A_549 = arith.constant 64 : i32
            %add3A_550 = arith.addi %add3A_549, %mul3A_548 : i32
            %swap3A_551 = arith.index_cast %add3A_550 : i32 to index
            %swap3A_552 = tpu.vector_load %arg7[%swap3A_551] {strides = array<i32>} : memref<304xi32, #tpu.memory_space<vmem>>, vector<16xi32>,
            tpu.vector_store %arg7[%swap3A_551], %add3A_544 {strides = array<i32>} : memref<304xi32, #tpu.memory_space<vmem>>, vector<16xi32>,
            %add3A_553 = arith.constant 2 : i32
            %add3A_554 = arith.addi %cond3A_449#1, %add3A_553 : i32
            %mul3A_555 = arith.constant 16 : i32
            %mul3A_556 = arith.muli %add3A_554, %mul3A_555 : i32
            %add3A_557 = arith.constant 64 : i32
            %add3A_558 = arith.addi %add3A_557, %mul3A_556 : i32
            %swap3A_559 = arith.index_cast %add3A_558 : i32 to index
            %swap3A_560 = tpu.vector_load %arg6[%swap3A_559] {strides = array<i32>} : memref<304xf32, #tpu.memory_space<vmem>>, vector<16xf32>,
            tpu.vector_store %arg6[%swap3A_559], %get3A_246 {strides = array<i32>} : memref<304xf32, #tpu.memory_space<vmem>>, vector<16xf32>,
            %mul3A_561 = arith.constant 5 : i32
            %mul3A_562 = arith.muli %scan3A_81, %mul3A_561 : i32
            %add3A_563 = arith.constant 2 : i32
            %add3A_564 = arith.addi %mul3A_562, %add3A_563 : i32
            %mul3A_565 = arith.constant 5 : i32
            %mul3A_566 = arith.muli %add3A_564, %mul3A_565 : i32
            %add3A_567 = arith.constant 2 : i32
            %add3A_568 = arith.addi %mul3A_566, %add3A_567 : i32
            %mul3A_569 = arith.constant 16 : i32
            %mul3A_570 = arith.muli %add3A_568, %mul3A_569 : i32
            %broadcast_in_dim3A_571 = vector.broadcast %mul3A_570 : i32 to vector<16xi32>
            %add3A_572 = arith.addi %broadcast_in_dim3A_571, %iota3A : vector<16xi32>
            %add3A_573 = arith.constant 2 : i32
            %add3A_574 = arith.addi %cond3A_449#1, %add3A_573 : i32
            %mul3A_575 = arith.constant 16 : i32
            %mul3A_576 = arith.muli %add3A_574, %mul3A_575 : i32
            %add3A_577 = arith.constant 64 : i32
            %add3A_578 = arith.addi %add3A_577, %mul3A_576 : i32
            %swap3A_579 = arith.index_cast %add3A_578 : i32 to index
            %swap3A_580 = tpu.vector_load %arg7[%swap3A_579] {strides = array<i32>} : memref<304xi32, #tpu.memory_space<vmem>>, vector<16xi32>,
            tpu.vector_store %arg7[%swap3A_579], %add3A_572 {strides = array<i32>} : memref<304xi32, #tpu.memory_space<vmem>>, vector<16xi32>,
            %add3A_581 = arith.constant 3 : i32
            %add3A_582 = arith.addi %cond3A_449#1, %add3A_581 : i32
            %mul3A_583 = arith.constant 16 : i32
            %mul3A_584 = arith.muli %add3A_582, %mul3A_583 : i32
            %add3A_585 = arith.constant 64 : i32
            %add3A_586 = arith.addi %add3A_585, %mul3A_584 : i32
            %swap3A_587 = arith.index_cast %add3A_586 : i32 to index
            %swap3A_588 = tpu.vector_load %arg6[%swap3A_587] {strides = array<i32>} : memref<304xf32, #tpu.memory_space<vmem>>, vector<16xf32>,
            tpu.vector_store %arg6[%swap3A_587], %get3A_258 {strides = array<i32>} : memref<304xf32, #tpu.memory_space<vmem>>, vector<16xf32>,
            %mul3A_589 = arith.constant 5 : i32
            %mul3A_590 = arith.muli %scan3A_81, %mul3A_589 : i32
            %add3A_591 = arith.constant 2 : i32
            %add3A_592 = arith.addi %mul3A_590, %add3A_591 : i32
            %mul3A_593 = arith.constant 5 : i32
            %mul3A_594 = arith.muli %add3A_592, %mul3A_593 : i32
            %add3A_595 = arith.constant 3 : i32
            %add3A_596 = arith.addi %mul3A_594, %add3A_595 : i32
            %mul3A_597 = arith.constant 16 : i32
            %mul3A_598 = arith.muli %add3A_596, %mul3A_597 : i32
            %broadcast_in_dim3A_599 = vector.broadcast %mul3A_598 : i32 to vector<16xi32>
            %add3A_600 = arith.addi %broadcast_in_dim3A_599, %iota3A : vector<16xi32>
            %add3A_601 = arith.constant 3 : i32
            %add3A_602 = arith.addi %cond3A_449#1, %add3A_601 : i32
            %mul3A_603 = arith.constant 16 : i32
            %mul3A_604 = arith.muli %add3A_602, %mul3A_603 : i32
            %add3A_605 = arith.constant 64 : i32
            %add3A_606 = arith.addi %add3A_605, %mul3A_604 : i32
            %swap3A_607 = arith.index_cast %add3A_606 : i32 to index
            %swap3A_608 = tpu.vector_load %arg7[%swap3A_607] {strides = array<i32>} : memref<304xi32, #tpu.memory_space<vmem>>, vector<16xi32>,
            tpu.vector_store %arg7[%swap3A_607], %add3A_600 {strides = array<i32>} : memref<304xi32, #tpu.memory_space<vmem>>, vector<16xi32>,
            %add3A_609 = arith.constant 4 : i32
            %add3A_610 = arith.addi %cond3A_449#1, %add3A_609 : i32
            %mul3A_611 = arith.constant 16 : i32
            %mul3A_612 = arith.muli %add3A_610, %mul3A_611 : i32
            %add3A_613 = arith.constant 64 : i32
            %add3A_614 = arith.addi %add3A_613, %mul3A_612 : i32
            %swap3A_615 = arith.index_cast %add3A_614 : i32 to index
            %swap3A_616 = tpu.vector_load %arg6[%swap3A_615] {strides = array<i32>} : memref<304xf32, #tpu.memory_space<vmem>>, vector<16xf32>,
            tpu.vector_store %arg6[%swap3A_615], %get3A_270 {strides = array<i32>} : memref<304xf32, #tpu.memory_space<vmem>>, vector<16xf32>,
            %mul3A_617 = arith.constant 5 : i32
            %mul3A_618 = arith.muli %scan3A_81, %mul3A_617 : i32
            %add3A_619 = arith.constant 2 : i32
            %add3A_620 = arith.addi %mul3A_618, %add3A_619 : i32
            %mul3A_621 = arith.constant 5 : i32
            %mul3A_622 = arith.muli %add3A_620, %mul3A_621 : i32
            %add3A_623 = arith.constant 4 : i32
            %add3A_624 = arith.addi %mul3A_622, %add3A_623 : i32
            %mul3A_625 = arith.constant 16 : i32
            %mul3A_626 = arith.muli %add3A_624, %mul3A_625 : i32
            %broadcast_in_dim3A_627 = vector.broadcast %mul3A_626 : i32 to vector<16xi32>
            %add3A_628 = arith.addi %broadcast_in_dim3A_627, %iota3A : vector<16xi32>
            %add3A_629 = arith.constant 4 : i32
            %add3A_630 = arith.addi %cond3A_449#1, %add3A_629 : i32
            %mul3A_631 = arith.constant 16 : i32
            %mul3A_632 = arith.muli %add3A_630, %mul3A_631 : i32
            %add3A_633 = arith.constant 64 : i32
            %add3A_634 = arith.addi %add3A_633, %mul3A_632 : i32
            %swap3A_635 = arith.index_cast %add3A_634 : i32 to index
            %swap3A_636 = tpu.vector_load %arg7[%swap3A_635] {strides = array<i32>} : memref<304xi32, #tpu.memory_space<vmem>>, vector<16xi32>,
            tpu.vector_store %arg7[%swap3A_635], %add3A_628 {strides = array<i32>} : memref<304xi32, #tpu.memory_space<vmem>>, vector<16xi32>,
            %add3A_637 = arith.constant 5 : i32
            %add3A_638 = arith.addi %cond3A_449#1, %add3A_637 : i32
            %ge3A_639 = arith.constant 15 : i32
            %ge3A_640 = arith.cmpi sge, %add3A_638, %ge3A_639 : i32
            %convert_element_type3A_641 = arith.extui %ge3A_640 : i1 to i32
            %cond3A_642 = arith.constant 0 : i32
            %cond3A_643 = arith.constant 0 : i32
            %cond3A_644 = arith.cmpi ne, %convert_element_type3A_641, %cond3A_643 : i32
            %cond3A_645:2 = scf.if %cond3A_644 -> (vector<16xf32>, i32) {
              %scan3A_646 = arith.constant 0x7F800000 : f32
              %scan3A_647 = arith.constant 0xFF800000 : f32
              %scan3A_648 = arith.constant 0 : i32
              %scan3A_649 = arith.constant 64 : i32
              %scan3A_650 = arith.addi %scan3A_648, %scan3A_649 : i32
              %scan3A_651 = arith.constant 1 : i32
              %scan3A_652:2 = scf.for %scan3A_692 = %scan3A_648 to %scan3A_650 step %scan3A_651 iter_args(%scan3A_693 = %scan3A_646, %scan3A_694 = %scan3A_647) -> (f32, f32)  : i32 {
                %broadcast_in_dim3A_695 = vector.broadcast %scan3A_693 : f32 to vector<16xf32>
                %broadcast_in_dim3A_696 = arith.constant 0xFF800000 : f32
                %broadcast_in_dim3A_697 = vector.broadcast %broadcast_in_dim3A_696 : f32 to vector<16xf32>
                %broadcast_in_dim3A_698 = arith.constant 0 : i32
                %broadcast_in_dim3A_699 = vector.broadcast %broadcast_in_dim3A_698 : i32 to vector<16xi32>
                %scan3A_700 = arith.constant 0 : i32
                %scan3A_701 = arith.constant 19 : i32
                %scan3A_702 = arith.addi %scan3A_700, %scan3A_701 : i32
                %scan3A_703 = arith.constant 1 : i32
                %scan3A_704:2 = scf.for %scan3A_714 = %scan3A_700 to %scan3A_702 step %scan3A_703 iter_args(%scan3A_715 = %broadcast_in_dim3A_697, %scan3A_716 = %broadcast_in_dim3A_699) -> (vector<16xf32>, vector<16xi32>)  : i32 {
                  %mul3A_717 = arith.constant 16 : i32
                  %mul3A_718 = arith.muli %scan3A_714, %mul3A_717 : i32
                  %get3A_719 = arith.index_cast %mul3A_718 : i32 to index
                  %get3A_720 = tpu.vector_load %arg6[%get3A_719] {strides = array<i32>} : memref<304xf32, #tpu.memory_space<vmem>>, vector<16xf32>,
                  %ge3A_721 = arith.cmpf oge, %get3A_720, %broadcast_in_dim3A_695 : vector<16xf32>
                  %broadcast_in_dim3A_722 = arith.constant 0xFF800000 : f32
                  %broadcast_in_dim3A_723 = vector.broadcast %broadcast_in_dim3A_722 : f32 to vector<16xf32>
                  %select_n3A_724 = arith.select %ge3A_721, %broadcast_in_dim3A_723, %get3A_720 : vector<16xi1>, vector<16xf32>
                  %max3A_725 = arith.maximumf %scan3A_715, %select_n3A_724 : vector<16xf32>
                  %jit3A = arith.constant 1 : i32
                  %jit3A_726 = arith.constant 0 : i32
                  %broadcast_in_dim3A_727 = vector.broadcast %jit3A : i32 to vector<16xi32>
                  %broadcast_in_dim3A_728 = vector.broadcast %jit3A_726 : i32 to vector<16xi32>
                  %select_n3A_729 = arith.select %ge3A_721, %broadcast_in_dim3A_727, %broadcast_in_dim3A_728 : vector<16xi1>, vector<16xi32>
                  %add3A_730 = arith.addi %scan3A_716, %select_n3A_729 : vector<16xi32>
                  scf.yield %max3A_725, %add3A_730 : vector<16xf32>, vector<16xi32>
                }
                %scan3A_705 = arith.constant 19 : i32
                %reduce_max3A = arith.constant true
                %reduce_max3A_706 = vector.broadcast %reduce_max3A : i1 to vector<16xi1>
                %reduce_max3A_707 = tpu.scan <max>, %scan3A_704#0 masked %reduce_max3A_706 : vector<16xf32>, vector<16xi1> -> vector<16xf32>
                %reduce_max3A_708 = vector.extract %reduce_max3A_707[15] : f32 from vector<16xf32>
                %reduce_sum3A_709 = arith.constant true
                %reduce_sum3A_710 = vector.broadcast %reduce_sum3A_709 : i1 to vector<16xi1>
                %reduce_sum3A_711 = tpu.scan <sum>, %scan3A_704#1 masked %reduce_sum3A_710 : vector<16xi32>, vector<16xi1> -> vector<16xi32>
                %reduce_sum3A_712 = vector.extract %reduce_sum3A_711[15] : i32 from vector<16xi32>
                %lt3A = arith.constant 64 : i32
                %lt3A_713 = arith.cmpi slt, %reduce_sum3A_712, %lt3A : i32
                %select_n3A = arith.select %lt3A_713, %reduce_max3A_708, %scan3A_694 : f32
                scf.yield %reduce_max3A_708, %select_n3A : f32, f32
              }
              %scan3A_653 = arith.constant 64 : i32
              %broadcast_in_dim3A_654 = vector.broadcast %scan3A_652#1 : f32 to vector<16xf32>
              %broadcast_in_dim3A_655 = arith.constant 0 : i32
              %broadcast_in_dim3A_656 = vector.broadcast %broadcast_in_dim3A_655 : i32 to vector<16xi32>
              %broadcast_in_dim3A_657 = arith.constant 0 : i32
              %broadcast_in_dim3A_658 = vector.broadcast %broadcast_in_dim3A_657 : i32 to vector<16xi32>
              %scan3A_659 = arith.constant 0 : i32
              %scan3A_660 = arith.constant 19 : i32
              %scan3A_661 = arith.addi %scan3A_659, %scan3A_660 : i32
              %scan3A_662 = arith.constant 1 : i32
              %scan3A_663:2 = scf.for %scan3A_692 = %scan3A_659 to %scan3A_661 step %scan3A_662 iter_args(%scan3A_693 = %broadcast_in_dim3A_656, %scan3A_694 = %broadcast_in_dim3A_658) -> (vector<16xi32>, vector<16xi32>)  : i32 {
                %mul3A_695 = arith.constant 16 : i32
                %mul3A_696 = arith.muli %scan3A_692, %mul3A_695 : i32
                %get3A_697 = arith.index_cast %mul3A_696 : i32 to index
                %get3A_698 = tpu.vector_load %arg6[%get3A_697] {strides = array<i32>} : memref<304xf32, #tpu.memory_space<vmem>>, vector<16xf32>,
                %gt3A = arith.cmpf ogt, %get3A_698, %broadcast_in_dim3A_654 : vector<16xf32>
                %jit3A = arith.constant 1 : i32
                %jit3A_699 = arith.constant 0 : i32
                %broadcast_in_dim3A_700 = vector.broadcast %jit3A : i32 to vector<16xi32>
                %broadcast_in_dim3A_701 = vector.broadcast %jit3A_699 : i32 to vector<16xi32>
                %select_n3A = arith.select %gt3A, %broadcast_in_dim3A_700, %broadcast_in_dim3A_701 : vector<16xi1>, vector<16xi32>
                %add3A_702 = arith.addi %scan3A_693, %select_n3A : vector<16xi32>
                %eq3A = arith.cmpf oeq, %get3A_698, %broadcast_in_dim3A_654 : vector<16xf32>
                %jit3A_703 = arith.constant 1 : i32
                %jit3A_704 = arith.constant 0 : i32
                %broadcast_in_dim3A_705 = vector.broadcast %jit3A_703 : i32 to vector<16xi32>
                %broadcast_in_dim3A_706 = vector.broadcast %jit3A_704 : i32 to vector<16xi32>
                %select_n3A_707 = arith.select %eq3A, %broadcast_in_dim3A_705, %broadcast_in_dim3A_706 : vector<16xi1>, vector<16xi32>
                %add3A_708 = arith.addi %scan3A_694, %select_n3A_707 : vector<16xi32>
                scf.yield %add3A_702, %add3A_708 : vector<16xi32>, vector<16xi32>
              }
              %scan3A_664 = arith.constant 19 : i32
              %reduce_sum3A_665 = arith.constant true
              %reduce_sum3A_666 = vector.broadcast %reduce_sum3A_665 : i1 to vector<16xi1>
              %reduce_sum3A_667 = tpu.scan <sum>, %scan3A_663#1 masked %reduce_sum3A_666 : vector<16xi32>, vector<16xi1> -> vector<16xi32>
              %reduce_sum3A_668 = vector.extract %reduce_sum3A_667[15] : i32 from vector<16xi32>
              %reduce_sum3A_669 = arith.constant true
              %reduce_sum3A_670 = vector.broadcast %reduce_sum3A_669 : i1 to vector<16xi1>
              %reduce_sum3A_671 = tpu.scan <sum>, %scan3A_663#0 masked %reduce_sum3A_670 : vector<16xi32>, vector<16xi1> -> vector<16xi32>
              %reduce_sum3A_672 = vector.extract %reduce_sum3A_671[15] : i32 from vector<16xi32>
              %sub3A_673 = arith.constant 64 : i32
              %sub3A_674 = arith.subi %sub3A_673, %reduce_sum3A_672 : i32
              %sub3A_675 = arith.subi %reduce_sum3A_668, %sub3A_674 : i32
              %scan3A_676 = arith.constant 0 : i32
              %scan3A_677 = arith.constant 0 : i32
              %scan3A_678 = arith.constant 0 : i32
              %scan3A_679 = arith.constant 19 : i32
              %scan3A_680 = arith.addi %scan3A_678, %scan3A_679 : i32
              %scan3A_681 = arith.constant 1 : i32
              %scan3A_682:2 = scf.for %scan3A_692 = %scan3A_678 to %scan3A_680 step %scan3A_681 iter_args(%scan3A_693 = %scan3A_676, %scan3A_694 = %scan3A_677) -> (i32, i32)  : i32 {
                %mul3A_695 = arith.constant 16 : i32
                %mul3A_696 = arith.muli %scan3A_692, %mul3A_695 : i32
                %get3A_697 = arith.index_cast %mul3A_696 : i32 to index
                %get3A_698 = tpu.vector_load %arg6[%get3A_697] {strides = array<i32>} : memref<304xf32, #tpu.memory_space<vmem>>, vector<16xf32>,
                %mul3A_699 = arith.constant 16 : i32
                %mul3A_700 = arith.muli %scan3A_692, %mul3A_699 : i32
                %get3A_701 = arith.index_cast %mul3A_700 : i32 to index
                %get3A_702 = tpu.vector_load %arg7[%get3A_701] {strides = array<i32>} : memref<304xi32, #tpu.memory_space<vmem>>, vector<16xi32>,
                %gt3A = arith.cmpf ogt, %get3A_698, %broadcast_in_dim3A_654 : vector<16xf32>
                %eq3A = arith.cmpf oeq, %get3A_698, %broadcast_in_dim3A_654 : vector<16xf32>
                %jit3A = arith.constant 1 : i32
                %jit3A_703 = arith.constant 0 : i32
                %broadcast_in_dim3A_704 = vector.broadcast %jit3A : i32 to vector<16xi32>
                %broadcast_in_dim3A_705 = vector.broadcast %jit3A_703 : i32 to vector<16xi32>
                %select_n3A = arith.select %eq3A, %broadcast_in_dim3A_704, %broadcast_in_dim3A_705 : vector<16xi1>, vector<16xi32>
                %broadcast_in_dim3A_706 = arith.constant true
                %broadcast_in_dim3A_707 = vector.broadcast %broadcast_in_dim3A_706 : i1 to vector<16xi1>
                %masked_cumsum3A = tpu.scan <sum>, %select_n3A masked %broadcast_in_dim3A_707 : vector<16xi32>, vector<16xi1> -> vector<16xi32>
                %broadcast_in_dim3A_708 = vector.broadcast %scan3A_694 : i32 to vector<16xi32>
                %add3A_709 = arith.addi %masked_cumsum3A, %broadcast_in_dim3A_708 : vector<16xi32>
                %broadcast_in_dim3A_710 = vector.broadcast %sub3A_675 : i32 to vector<16xi32>
                %gt3A_711 = arith.cmpi sgt, %add3A_709, %broadcast_in_dim3A_710 : vector<16xi32>
                %and3A = arith.andi %eq3A, %gt3A_711 : vector<16xi1>
                %or3A = arith.ori %gt3A, %and3A : vector<16xi1>
                %swap3A_712 = arith.index_cast %scan3A_693 : i32 to index
                %swap3A_713 = tpu.vector_load %arg6[%swap3A_712] masked %or3A {strides = array<i32>} : memref<304xf32, #tpu.memory_space<vmem>>, vector<16xf32>, vector<16xi1>
                tpu.vector_store %arg6[%swap3A_712], %get3A_698 masked %or3A {strides = array<i32>} : memref<304xf32, #tpu.memory_space<vmem>>, vector<16xf32>, vector<16xi1>
                %swap3A_714 = arith.index_cast %scan3A_693 : i32 to index
                %swap3A_715 = tpu.vector_load %arg7[%swap3A_714] masked %or3A {strides = array<i32>} : memref<304xi32, #tpu.memory_space<vmem>>, vector<16xi32>, vector<16xi1>
                tpu.vector_store %arg7[%swap3A_714], %get3A_702 masked %or3A {strides = array<i32>} : memref<304xi32, #tpu.memory_space<vmem>>, vector<16xi32>, vector<16xi1>
                %jit3A_716 = arith.constant 1 : i32
                %jit3A_717 = arith.constant 0 : i32
                %broadcast_in_dim3A_718 = vector.broadcast %jit3A_716 : i32 to vector<16xi32>
                %broadcast_in_dim3A_719 = vector.broadcast %jit3A_717 : i32 to vector<16xi32>
                %select_n3A_720 = arith.select %or3A, %broadcast_in_dim3A_718, %broadcast_in_dim3A_719 : vector<16xi1>, vector<16xi32>
                %reduce_sum3A_721 = arith.constant true
                %reduce_sum3A_722 = vector.broadcast %reduce_sum3A_721 : i1 to vector<16xi1>
                %reduce_sum3A_723 = tpu.scan <sum>, %select_n3A_720 masked %reduce_sum3A_722 : vector<16xi32>, vector<16xi1> -> vector<16xi32>
                %reduce_sum3A_724 = vector.extract %reduce_sum3A_723[15] : i32 from vector<16xi32>
                %add3A_725 = arith.addi %scan3A_693, %reduce_sum3A_724 : i32
                %jit3A_726 = arith.constant 1 : i32
                %jit3A_727 = arith.constant 0 : i32
                %broadcast_in_dim3A_728 = vector.broadcast %jit3A_726 : i32 to vector<16xi32>
                %broadcast_in_dim3A_729 = vector.broadcast %jit3A_727 : i32 to vector<16xi32>
                %select_n3A_730 = arith.select %eq3A, %broadcast_in_dim3A_728, %broadcast_in_dim3A_729 : vector<16xi1>, vector<16xi32>
                %reduce_sum3A_731 = arith.constant true
                %reduce_sum3A_732 = vector.broadcast %reduce_sum3A_731 : i1 to vector<16xi1>
                %reduce_sum3A_733 = tpu.scan <sum>, %select_n3A_730 masked %reduce_sum3A_732 : vector<16xi32>, vector<16xi1> -> vector<16xi32>
                %reduce_sum3A_734 = vector.extract %reduce_sum3A_733[15] : i32 from vector<16xi32>
                %add3A_735 = arith.addi %scan3A_694, %reduce_sum3A_734 : i32
                scf.yield %add3A_725, %add3A_735 : i32, i32
              }
              %scan3A_683 = arith.constant 19 : i32
              %scan3A_684 = arith.constant 0 : i32
              %scan3A_685 = arith.constant 0 : i32
              %scan3A_686 = arith.constant 15 : i32
              %scan3A_687 = arith.addi %scan3A_685, %scan3A_686 : i32
              %scan3A_688 = arith.constant 1 : i32
              scf.for %scan3A_692 = %scan3A_685 to %scan3A_687 step %scan3A_688  : i32 {
                %broadcast_in_dim3A_693 = arith.constant 0xFF800000 : f32
                %broadcast_in_dim3A_694 = vector.broadcast %broadcast_in_dim3A_693 : f32 to vector<16xf32>
                %mul3A_695 = arith.constant 16 : i32
                %mul3A_696 = arith.muli %scan3A_692, %mul3A_695 : i32
                %add3A_697 = arith.constant 64 : i32
                %add3A_698 = arith.addi %add3A_697, %mul3A_696 : i32
                %swap3A_699 = arith.index_cast %add3A_698 : i32 to index
                %swap3A_700 = tpu.vector_load %arg6[%swap3A_699] {strides = array<i32>} : memref<304xf32, #tpu.memory_space<vmem>>, vector<16xf32>,
                tpu.vector_store %arg6[%swap3A_699], %broadcast_in_dim3A_694 {strides = array<i32>} : memref<304xf32, #tpu.memory_space<vmem>>, vector<16xf32>,
              }
              %scan3A_689 = arith.constant 15 : i32
              %broadcast_in_dim3A_690 = vector.broadcast %scan3A_652#1 : f32 to vector<16xf32>
              %cond3A_691 = arith.constant 0 : i32
              scf.yield %broadcast_in_dim3A_690, %cond3A_691 : vector<16xf32>, i32
            } else {
              scf.yield %cond3A_449#0, %add3A_638 : vector<16xf32>, i32
            }
            scf.yield %cond3A_645#0, %cond3A_645#1 : vector<16xf32>, i32
          } else {
            scf.yield %cond3A_449#0, %cond3A_449#1 : vector<16xf32>, i32
          }
          %ge3A_466 = arith.cmpf oge, %max3A_339, %cond3A_465#0 : vector<16xf32>
          %reduce_or3A_467 = arith.constant 1.000000e+00 : f32
          %reduce_or3A_468 = arith.constant 0.000000e+00 : f32
          %reduce_or3A_469 = vector.broadcast %reduce_or3A_467 : f32 to vector<16xf32>
          %reduce_or3A_470 = vector.broadcast %reduce_or3A_468 : f32 to vector<16xf32>
          %reduce_or3A_471 = arith.select %ge3A_466, %reduce_or3A_469, %reduce_or3A_470 : vector<16xi1>, vector<16xf32>
          %reduce_or3A_472 = arith.constant true
          %reduce_or3A_473 = vector.broadcast %reduce_or3A_472 : i1 to vector<16xi1>
          %reduce_or3A_474 = tpu.scan <max>, %reduce_or3A_471 masked %reduce_or3A_473 : vector<16xf32>, vector<16xi1> -> vector<16xf32>
          %reduce_or3A_475 = vector.extract %reduce_or3A_474[15] : f32 from vector<16xf32>
          %reduce_or3A_476 = arith.constant 0.000000e+00 : f32
          %reduce_or3A_477 = arith.cmpf ogt, %reduce_or3A_475, %reduce_or3A_476 : f32
          %convert_element_type3A_478 = arith.extui %reduce_or3A_477 : i1 to i32
          %cond3A_479 = arith.constant 0 : i32
          %cond3A_480 = arith.cmpi ne, %convert_element_type3A_478, %cond3A_479 : i32
          %cond3A_481:2 = scf.if %cond3A_480 -> (vector<16xf32>, i32) {
            %add3A_498 = arith.constant 0 : i32
            %add3A_499 = arith.addi %cond3A_465#1, %add3A_498 : i32
            %mul3A_500 = arith.constant 16 : i32
            %mul3A_501 = arith.muli %add3A_499, %mul3A_500 : i32
            %add3A_502 = arith.constant 64 : i32
            %add3A_503 = arith.addi %add3A_502, %mul3A_501 : i32
            %swap3A = arith.index_cast %add3A_503 : i32 to index
            %swap3A_504 = tpu.vector_load %arg6[%swap3A] {strides = array<i32>} : memref<304xf32, #tpu.memory_space<vmem>>, vector<16xf32>,
            tpu.vector_store %arg6[%swap3A], %get3A_287 {strides = array<i32>} : memref<304xf32, #tpu.memory_space<vmem>>, vector<16xf32>,
            %mul3A_505 = arith.constant 5 : i32
            %mul3A_506 = arith.muli %scan3A_81, %mul3A_505 : i32
            %add3A_507 = arith.constant 3 : i32
            %add3A_508 = arith.addi %mul3A_506, %add3A_507 : i32
            %mul3A_509 = arith.constant 5 : i32
            %mul3A_510 = arith.muli %add3A_508, %mul3A_509 : i32
            %add3A_511 = arith.constant 0 : i32
            %add3A_512 = arith.addi %mul3A_510, %add3A_511 : i32
            %mul3A_513 = arith.constant 16 : i32
            %mul3A_514 = arith.muli %add3A_512, %mul3A_513 : i32
            %broadcast_in_dim3A_515 = vector.broadcast %mul3A_514 : i32 to vector<16xi32>
            %add3A_516 = arith.addi %broadcast_in_dim3A_515, %iota3A : vector<16xi32>
            %add3A_517 = arith.constant 0 : i32
            %add3A_518 = arith.addi %cond3A_465#1, %add3A_517 : i32
            %mul3A_519 = arith.constant 16 : i32
            %mul3A_520 = arith.muli %add3A_518, %mul3A_519 : i32
            %add3A_521 = arith.constant 64 : i32
            %add3A_522 = arith.addi %add3A_521, %mul3A_520 : i32
            %swap3A_523 = arith.index_cast %add3A_522 : i32 to index
            %swap3A_524 = tpu.vector_load %arg7[%swap3A_523] {strides = array<i32>} : memref<304xi32, #tpu.memory_space<vmem>>, vector<16xi32>,
            tpu.vector_store %arg7[%swap3A_523], %add3A_516 {strides = array<i32>} : memref<304xi32, #tpu.memory_space<vmem>>, vector<16xi32>,
            %add3A_525 = arith.constant 1 : i32
            %add3A_526 = arith.addi %cond3A_465#1, %add3A_525 : i32
            %mul3A_527 = arith.constant 16 : i32
            %mul3A_528 = arith.muli %add3A_526, %mul3A_527 : i32
            %add3A_529 = arith.constant 64 : i32
            %add3A_530 = arith.addi %add3A_529, %mul3A_528 : i32
            %swap3A_531 = arith.index_cast %add3A_530 : i32 to index
            %swap3A_532 = tpu.vector_load %arg6[%swap3A_531] {strides = array<i32>} : memref<304xf32, #tpu.memory_space<vmem>>, vector<16xf32>,
            tpu.vector_store %arg6[%swap3A_531], %get3A_299 {strides = array<i32>} : memref<304xf32, #tpu.memory_space<vmem>>, vector<16xf32>,
            %mul3A_533 = arith.constant 5 : i32
            %mul3A_534 = arith.muli %scan3A_81, %mul3A_533 : i32
            %add3A_535 = arith.constant 3 : i32
            %add3A_536 = arith.addi %mul3A_534, %add3A_535 : i32
            %mul3A_537 = arith.constant 5 : i32
            %mul3A_538 = arith.muli %add3A_536, %mul3A_537 : i32
            %add3A_539 = arith.constant 1 : i32
            %add3A_540 = arith.addi %mul3A_538, %add3A_539 : i32
            %mul3A_541 = arith.constant 16 : i32
            %mul3A_542 = arith.muli %add3A_540, %mul3A_541 : i32
            %broadcast_in_dim3A_543 = vector.broadcast %mul3A_542 : i32 to vector<16xi32>
            %add3A_544 = arith.addi %broadcast_in_dim3A_543, %iota3A : vector<16xi32>
            %add3A_545 = arith.constant 1 : i32
            %add3A_546 = arith.addi %cond3A_465#1, %add3A_545 : i32
            %mul3A_547 = arith.constant 16 : i32
            %mul3A_548 = arith.muli %add3A_546, %mul3A_547 : i32
            %add3A_549 = arith.constant 64 : i32
            %add3A_550 = arith.addi %add3A_549, %mul3A_548 : i32
            %swap3A_551 = arith.index_cast %add3A_550 : i32 to index
            %swap3A_552 = tpu.vector_load %arg7[%swap3A_551] {strides = array<i32>} : memref<304xi32, #tpu.memory_space<vmem>>, vector<16xi32>,
            tpu.vector_store %arg7[%swap3A_551], %add3A_544 {strides = array<i32>} : memref<304xi32, #tpu.memory_space<vmem>>, vector<16xi32>,
            %add3A_553 = arith.constant 2 : i32
            %add3A_554 = arith.addi %cond3A_465#1, %add3A_553 : i32
            %mul3A_555 = arith.constant 16 : i32
            %mul3A_556 = arith.muli %add3A_554, %mul3A_555 : i32
            %add3A_557 = arith.constant 64 : i32
            %add3A_558 = arith.addi %add3A_557, %mul3A_556 : i32
            %swap3A_559 = arith.index_cast %add3A_558 : i32 to index
            %swap3A_560 = tpu.vector_load %arg6[%swap3A_559] {strides = array<i32>} : memref<304xf32, #tpu.memory_space<vmem>>, vector<16xf32>,
            tpu.vector_store %arg6[%swap3A_559], %get3A_311 {strides = array<i32>} : memref<304xf32, #tpu.memory_space<vmem>>, vector<16xf32>,
            %mul3A_561 = arith.constant 5 : i32
            %mul3A_562 = arith.muli %scan3A_81, %mul3A_561 : i32
            %add3A_563 = arith.constant 3 : i32
            %add3A_564 = arith.addi %mul3A_562, %add3A_563 : i32
            %mul3A_565 = arith.constant 5 : i32
            %mul3A_566 = arith.muli %add3A_564, %mul3A_565 : i32
            %add3A_567 = arith.constant 2 : i32
            %add3A_568 = arith.addi %mul3A_566, %add3A_567 : i32
            %mul3A_569 = arith.constant 16 : i32
            %mul3A_570 = arith.muli %add3A_568, %mul3A_569 : i32
            %broadcast_in_dim3A_571 = vector.broadcast %mul3A_570 : i32 to vector<16xi32>
            %add3A_572 = arith.addi %broadcast_in_dim3A_571, %iota3A : vector<16xi32>
            %add3A_573 = arith.constant 2 : i32
            %add3A_574 = arith.addi %cond3A_465#1, %add3A_573 : i32
            %mul3A_575 = arith.constant 16 : i32
            %mul3A_576 = arith.muli %add3A_574, %mul3A_575 : i32
            %add3A_577 = arith.constant 64 : i32
            %add3A_578 = arith.addi %add3A_577, %mul3A_576 : i32
            %swap3A_579 = arith.index_cast %add3A_578 : i32 to index
            %swap3A_580 = tpu.vector_load %arg7[%swap3A_579] {strides = array<i32>} : memref<304xi32, #tpu.memory_space<vmem>>, vector<16xi32>,
            tpu.vector_store %arg7[%swap3A_579], %add3A_572 {strides = array<i32>} : memref<304xi32, #tpu.memory_space<vmem>>, vector<16xi32>,
            %add3A_581 = arith.constant 3 : i32
            %add3A_582 = arith.addi %cond3A_465#1, %add3A_581 : i32
            %mul3A_583 = arith.constant 16 : i32
            %mul3A_584 = arith.muli %add3A_582, %mul3A_583 : i32
            %add3A_585 = arith.constant 64 : i32
            %add3A_586 = arith.addi %add3A_585, %mul3A_584 : i32
            %swap3A_587 = arith.index_cast %add3A_586 : i32 to index
            %swap3A_588 = tpu.vector_load %arg6[%swap3A_587] {strides = array<i32>} : memref<304xf32, #tpu.memory_space<vmem>>, vector<16xf32>,
            tpu.vector_store %arg6[%swap3A_587], %get3A_323 {strides = array<i32>} : memref<304xf32, #tpu.memory_space<vmem>>, vector<16xf32>,
            %mul3A_589 = arith.constant 5 : i32
            %mul3A_590 = arith.muli %scan3A_81, %mul3A_589 : i32
            %add3A_591 = arith.constant 3 : i32
            %add3A_592 = arith.addi %mul3A_590, %add3A_591 : i32
            %mul3A_593 = arith.constant 5 : i32
            %mul3A_594 = arith.muli %add3A_592, %mul3A_593 : i32
            %add3A_595 = arith.constant 3 : i32
            %add3A_596 = arith.addi %mul3A_594, %add3A_595 : i32
            %mul3A_597 = arith.constant 16 : i32
            %mul3A_598 = arith.muli %add3A_596, %mul3A_597 : i32
            %broadcast_in_dim3A_599 = vector.broadcast %mul3A_598 : i32 to vector<16xi32>
            %add3A_600 = arith.addi %broadcast_in_dim3A_599, %iota3A : vector<16xi32>
            %add3A_601 = arith.constant 3 : i32
            %add3A_602 = arith.addi %cond3A_465#1, %add3A_601 : i32
            %mul3A_603 = arith.constant 16 : i32
            %mul3A_604 = arith.muli %add3A_602, %mul3A_603 : i32
            %add3A_605 = arith.constant 64 : i32
            %add3A_606 = arith.addi %add3A_605, %mul3A_604 : i32
            %swap3A_607 = arith.index_cast %add3A_606 : i32 to index
            %swap3A_608 = tpu.vector_load %arg7[%swap3A_607] {strides = array<i32>} : memref<304xi32, #tpu.memory_space<vmem>>, vector<16xi32>,
            tpu.vector_store %arg7[%swap3A_607], %add3A_600 {strides = array<i32>} : memref<304xi32, #tpu.memory_space<vmem>>, vector<16xi32>,
            %add3A_609 = arith.constant 4 : i32
            %add3A_610 = arith.addi %cond3A_465#1, %add3A_609 : i32
            %mul3A_611 = arith.constant 16 : i32
            %mul3A_612 = arith.muli %add3A_610, %mul3A_611 : i32
            %add3A_613 = arith.constant 64 : i32
            %add3A_614 = arith.addi %add3A_613, %mul3A_612 : i32
            %swap3A_615 = arith.index_cast %add3A_614 : i32 to index
            %swap3A_616 = tpu.vector_load %arg6[%swap3A_615] {strides = array<i32>} : memref<304xf32, #tpu.memory_space<vmem>>, vector<16xf32>,
            tpu.vector_store %arg6[%swap3A_615], %get3A_335 {strides = array<i32>} : memref<304xf32, #tpu.memory_space<vmem>>, vector<16xf32>,
            %mul3A_617 = arith.constant 5 : i32
            %mul3A_618 = arith.muli %scan3A_81, %mul3A_617 : i32
            %add3A_619 = arith.constant 3 : i32
            %add3A_620 = arith.addi %mul3A_618, %add3A_619 : i32
            %mul3A_621 = arith.constant 5 : i32
            %mul3A_622 = arith.muli %add3A_620, %mul3A_621 : i32
            %add3A_623 = arith.constant 4 : i32
            %add3A_624 = arith.addi %mul3A_622, %add3A_623 : i32
            %mul3A_625 = arith.constant 16 : i32
            %mul3A_626 = arith.muli %add3A_624, %mul3A_625 : i32
            %broadcast_in_dim3A_627 = vector.broadcast %mul3A_626 : i32 to vector<16xi32>
            %add3A_628 = arith.addi %broadcast_in_dim3A_627, %iota3A : vector<16xi32>
            %add3A_629 = arith.constant 4 : i32
            %add3A_630 = arith.addi %cond3A_465#1, %add3A_629 : i32
            %mul3A_631 = arith.constant 16 : i32
            %mul3A_632 = arith.muli %add3A_630, %mul3A_631 : i32
            %add3A_633 = arith.constant 64 : i32
            %add3A_634 = arith.addi %add3A_633, %mul3A_632 : i32
            %swap3A_635 = arith.index_cast %add3A_634 : i32 to index
            %swap3A_636 = tpu.vector_load %arg7[%swap3A_635] {strides = array<i32>} : memref<304xi32, #tpu.memory_space<vmem>>, vector<16xi32>,
            tpu.vector_store %arg7[%swap3A_635], %add3A_628 {strides = array<i32>} : memref<304xi32, #tpu.memory_space<vmem>>, vector<16xi32>,
            %add3A_637 = arith.constant 5 : i32
            %add3A_638 = arith.addi %cond3A_465#1, %add3A_637 : i32
            %ge3A_639 = arith.constant 15 : i32
            %ge3A_640 = arith.cmpi sge, %add3A_638, %ge3A_639 : i32
            %convert_element_type3A_641 = arith.extui %ge3A_640 : i1 to i32
            %cond3A_642 = arith.constant 0 : i32
            %cond3A_643 = arith.constant 0 : i32
            %cond3A_644 = arith.cmpi ne, %convert_element_type3A_641, %cond3A_643 : i32
            %cond3A_645:2 = scf.if %cond3A_644 -> (vector<16xf32>, i32) {
              %scan3A_646 = arith.constant 0x7F800000 : f32
              %scan3A_647 = arith.constant 0xFF800000 : f32
              %scan3A_648 = arith.constant 0 : i32
              %scan3A_649 = arith.constant 64 : i32
              %scan3A_650 = arith.addi %scan3A_648, %scan3A_649 : i32
              %scan3A_651 = arith.constant 1 : i32
              %scan3A_652:2 = scf.for %scan3A_692 = %scan3A_648 to %scan3A_650 step %scan3A_651 iter_args(%scan3A_693 = %scan3A_646, %scan3A_694 = %scan3A_647) -> (f32, f32)  : i32 {
                %broadcast_in_dim3A_695 = vector.broadcast %scan3A_693 : f32 to vector<16xf32>
                %broadcast_in_dim3A_696 = arith.constant 0xFF800000 : f32
                %broadcast_in_dim3A_697 = vector.broadcast %broadcast_in_dim3A_696 : f32 to vector<16xf32>
                %broadcast_in_dim3A_698 = arith.constant 0 : i32
                %broadcast_in_dim3A_699 = vector.broadcast %broadcast_in_dim3A_698 : i32 to vector<16xi32>
                %scan3A_700 = arith.constant 0 : i32
                %scan3A_701 = arith.constant 19 : i32
                %scan3A_702 = arith.addi %scan3A_700, %scan3A_701 : i32
                %scan3A_703 = arith.constant 1 : i32
                %scan3A_704:2 = scf.for %scan3A_714 = %scan3A_700 to %scan3A_702 step %scan3A_703 iter_args(%scan3A_715 = %broadcast_in_dim3A_697, %scan3A_716 = %broadcast_in_dim3A_699) -> (vector<16xf32>, vector<16xi32>)  : i32 {
                  %mul3A_717 = arith.constant 16 : i32
                  %mul3A_718 = arith.muli %scan3A_714, %mul3A_717 : i32
                  %get3A_719 = arith.index_cast %mul3A_718 : i32 to index
                  %get3A_720 = tpu.vector_load %arg6[%get3A_719] {strides = array<i32>} : memref<304xf32, #tpu.memory_space<vmem>>, vector<16xf32>,
                  %ge3A_721 = arith.cmpf oge, %get3A_720, %broadcast_in_dim3A_695 : vector<16xf32>
                  %broadcast_in_dim3A_722 = arith.constant 0xFF800000 : f32
                  %broadcast_in_dim3A_723 = vector.broadcast %broadcast_in_dim3A_722 : f32 to vector<16xf32>
                  %select_n3A_724 = arith.select %ge3A_721, %broadcast_in_dim3A_723, %get3A_720 : vector<16xi1>, vector<16xf32>
                  %max3A_725 = arith.maximumf %scan3A_715, %select_n3A_724 : vector<16xf32>
                  %jit3A = arith.constant 1 : i32
                  %jit3A_726 = arith.constant 0 : i32
                  %broadcast_in_dim3A_727 = vector.broadcast %jit3A : i32 to vector<16xi32>
                  %broadcast_in_dim3A_728 = vector.broadcast %jit3A_726 : i32 to vector<16xi32>
                  %select_n3A_729 = arith.select %ge3A_721, %broadcast_in_dim3A_727, %broadcast_in_dim3A_728 : vector<16xi1>, vector<16xi32>
                  %add3A_730 = arith.addi %scan3A_716, %select_n3A_729 : vector<16xi32>
                  scf.yield %max3A_725, %add3A_730 : vector<16xf32>, vector<16xi32>
                }
                %scan3A_705 = arith.constant 19 : i32
                %reduce_max3A = arith.constant true
                %reduce_max3A_706 = vector.broadcast %reduce_max3A : i1 to vector<16xi1>
                %reduce_max3A_707 = tpu.scan <max>, %scan3A_704#0 masked %reduce_max3A_706 : vector<16xf32>, vector<16xi1> -> vector<16xf32>
                %reduce_max3A_708 = vector.extract %reduce_max3A_707[15] : f32 from vector<16xf32>
                %reduce_sum3A_709 = arith.constant true
                %reduce_sum3A_710 = vector.broadcast %reduce_sum3A_709 : i1 to vector<16xi1>
                %reduce_sum3A_711 = tpu.scan <sum>, %scan3A_704#1 masked %reduce_sum3A_710 : vector<16xi32>, vector<16xi1> -> vector<16xi32>
                %reduce_sum3A_712 = vector.extract %reduce_sum3A_711[15] : i32 from vector<16xi32>
                %lt3A = arith.constant 64 : i32
                %lt3A_713 = arith.cmpi slt, %reduce_sum3A_712, %lt3A : i32
                %select_n3A = arith.select %lt3A_713, %reduce_max3A_708, %scan3A_694 : f32
                scf.yield %reduce_max3A_708, %select_n3A : f32, f32
              }
              %scan3A_653 = arith.constant 64 : i32
              %broadcast_in_dim3A_654 = vector.broadcast %scan3A_652#1 : f32 to vector<16xf32>
              %broadcast_in_dim3A_655 = arith.constant 0 : i32
              %broadcast_in_dim3A_656 = vector.broadcast %broadcast_in_dim3A_655 : i32 to vector<16xi32>
              %broadcast_in_dim3A_657 = arith.constant 0 : i32
              %broadcast_in_dim3A_658 = vector.broadcast %broadcast_in_dim3A_657 : i32 to vector<16xi32>
              %scan3A_659 = arith.constant 0 : i32
              %scan3A_660 = arith.constant 19 : i32
              %scan3A_661 = arith.addi %scan3A_659, %scan3A_660 : i32
              %scan3A_662 = arith.constant 1 : i32
              %scan3A_663:2 = scf.for %scan3A_692 = %scan3A_659 to %scan3A_661 step %scan3A_662 iter_args(%scan3A_693 = %broadcast_in_dim3A_656, %scan3A_694 = %broadcast_in_dim3A_658) -> (vector<16xi32>, vector<16xi32>)  : i32 {
                %mul3A_695 = arith.constant 16 : i32
                %mul3A_696 = arith.muli %scan3A_692, %mul3A_695 : i32
                %get3A_697 = arith.index_cast %mul3A_696 : i32 to index
                %get3A_698 = tpu.vector_load %arg6[%get3A_697] {strides = array<i32>} : memref<304xf32, #tpu.memory_space<vmem>>, vector<16xf32>,
                %gt3A = arith.cmpf ogt, %get3A_698, %broadcast_in_dim3A_654 : vector<16xf32>
                %jit3A = arith.constant 1 : i32
                %jit3A_699 = arith.constant 0 : i32
                %broadcast_in_dim3A_700 = vector.broadcast %jit3A : i32 to vector<16xi32>
                %broadcast_in_dim3A_701 = vector.broadcast %jit3A_699 : i32 to vector<16xi32>
                %select_n3A = arith.select %gt3A, %broadcast_in_dim3A_700, %broadcast_in_dim3A_701 : vector<16xi1>, vector<16xi32>
                %add3A_702 = arith.addi %scan3A_693, %select_n3A : vector<16xi32>
                %eq3A = arith.cmpf oeq, %get3A_698, %broadcast_in_dim3A_654 : vector<16xf32>
                %jit3A_703 = arith.constant 1 : i32
                %jit3A_704 = arith.constant 0 : i32
                %broadcast_in_dim3A_705 = vector.broadcast %jit3A_703 : i32 to vector<16xi32>
                %broadcast_in_dim3A_706 = vector.broadcast %jit3A_704 : i32 to vector<16xi32>
                %select_n3A_707 = arith.select %eq3A, %broadcast_in_dim3A_705, %broadcast_in_dim3A_706 : vector<16xi1>, vector<16xi32>
                %add3A_708 = arith.addi %scan3A_694, %select_n3A_707 : vector<16xi32>
                scf.yield %add3A_702, %add3A_708 : vector<16xi32>, vector<16xi32>
              }
              %scan3A_664 = arith.constant 19 : i32
              %reduce_sum3A_665 = arith.constant true
              %reduce_sum3A_666 = vector.broadcast %reduce_sum3A_665 : i1 to vector<16xi1>
              %reduce_sum3A_667 = tpu.scan <sum>, %scan3A_663#1 masked %reduce_sum3A_666 : vector<16xi32>, vector<16xi1> -> vector<16xi32>
              %reduce_sum3A_668 = vector.extract %reduce_sum3A_667[15] : i32 from vector<16xi32>
              %reduce_sum3A_669 = arith.constant true
              %reduce_sum3A_670 = vector.broadcast %reduce_sum3A_669 : i1 to vector<16xi1>
              %reduce_sum3A_671 = tpu.scan <sum>, %scan3A_663#0 masked %reduce_sum3A_670 : vector<16xi32>, vector<16xi1> -> vector<16xi32>
              %reduce_sum3A_672 = vector.extract %reduce_sum3A_671[15] : i32 from vector<16xi32>
              %sub3A_673 = arith.constant 64 : i32
              %sub3A_674 = arith.subi %sub3A_673, %reduce_sum3A_672 : i32
              %sub3A_675 = arith.subi %reduce_sum3A_668, %sub3A_674 : i32
              %scan3A_676 = arith.constant 0 : i32
              %scan3A_677 = arith.constant 0 : i32
              %scan3A_678 = arith.constant 0 : i32
              %scan3A_679 = arith.constant 19 : i32
              %scan3A_680 = arith.addi %scan3A_678, %scan3A_679 : i32
              %scan3A_681 = arith.constant 1 : i32
              %scan3A_682:2 = scf.for %scan3A_692 = %scan3A_678 to %scan3A_680 step %scan3A_681 iter_args(%scan3A_693 = %scan3A_676, %scan3A_694 = %scan3A_677) -> (i32, i32)  : i32 {
                %mul3A_695 = arith.constant 16 : i32
                %mul3A_696 = arith.muli %scan3A_692, %mul3A_695 : i32
                %get3A_697 = arith.index_cast %mul3A_696 : i32 to index
                %get3A_698 = tpu.vector_load %arg6[%get3A_697] {strides = array<i32>} : memref<304xf32, #tpu.memory_space<vmem>>, vector<16xf32>,
                %mul3A_699 = arith.constant 16 : i32
                %mul3A_700 = arith.muli %scan3A_692, %mul3A_699 : i32
                %get3A_701 = arith.index_cast %mul3A_700 : i32 to index
                %get3A_702 = tpu.vector_load %arg7[%get3A_701] {strides = array<i32>} : memref<304xi32, #tpu.memory_space<vmem>>, vector<16xi32>,
                %gt3A = arith.cmpf ogt, %get3A_698, %broadcast_in_dim3A_654 : vector<16xf32>
                %eq3A = arith.cmpf oeq, %get3A_698, %broadcast_in_dim3A_654 : vector<16xf32>
                %jit3A = arith.constant 1 : i32
                %jit3A_703 = arith.constant 0 : i32
                %broadcast_in_dim3A_704 = vector.broadcast %jit3A : i32 to vector<16xi32>
                %broadcast_in_dim3A_705 = vector.broadcast %jit3A_703 : i32 to vector<16xi32>
                %select_n3A = arith.select %eq3A, %broadcast_in_dim3A_704, %broadcast_in_dim3A_705 : vector<16xi1>, vector<16xi32>
                %broadcast_in_dim3A_706 = arith.constant true
                %broadcast_in_dim3A_707 = vector.broadcast %broadcast_in_dim3A_706 : i1 to vector<16xi1>
                %masked_cumsum3A = tpu.scan <sum>, %select_n3A masked %broadcast_in_dim3A_707 : vector<16xi32>, vector<16xi1> -> vector<16xi32>
                %broadcast_in_dim3A_708 = vector.broadcast %scan3A_694 : i32 to vector<16xi32>
                %add3A_709 = arith.addi %masked_cumsum3A, %broadcast_in_dim3A_708 : vector<16xi32>
                %broadcast_in_dim3A_710 = vector.broadcast %sub3A_675 : i32 to vector<16xi32>
                %gt3A_711 = arith.cmpi sgt, %add3A_709, %broadcast_in_dim3A_710 : vector<16xi32>
                %and3A = arith.andi %eq3A, %gt3A_711 : vector<16xi1>
                %or3A = arith.ori %gt3A, %and3A : vector<16xi1>
                %swap3A_712 = arith.index_cast %scan3A_693 : i32 to index
                %swap3A_713 = tpu.vector_load %arg6[%swap3A_712] masked %or3A {strides = array<i32>} : memref<304xf32, #tpu.memory_space<vmem>>, vector<16xf32>, vector<16xi1>
                tpu.vector_store %arg6[%swap3A_712], %get3A_698 masked %or3A {strides = array<i32>} : memref<304xf32, #tpu.memory_space<vmem>>, vector<16xf32>, vector<16xi1>
                %swap3A_714 = arith.index_cast %scan3A_693 : i32 to index
                %swap3A_715 = tpu.vector_load %arg7[%swap3A_714] masked %or3A {strides = array<i32>} : memref<304xi32, #tpu.memory_space<vmem>>, vector<16xi32>, vector<16xi1>
                tpu.vector_store %arg7[%swap3A_714], %get3A_702 masked %or3A {strides = array<i32>} : memref<304xi32, #tpu.memory_space<vmem>>, vector<16xi32>, vector<16xi1>
                %jit3A_716 = arith.constant 1 : i32
                %jit3A_717 = arith.constant 0 : i32
                %broadcast_in_dim3A_718 = vector.broadcast %jit3A_716 : i32 to vector<16xi32>
                %broadcast_in_dim3A_719 = vector.broadcast %jit3A_717 : i32 to vector<16xi32>
                %select_n3A_720 = arith.select %or3A, %broadcast_in_dim3A_718, %broadcast_in_dim3A_719 : vector<16xi1>, vector<16xi32>
                %reduce_sum3A_721 = arith.constant true
                %reduce_sum3A_722 = vector.broadcast %reduce_sum3A_721 : i1 to vector<16xi1>
                %reduce_sum3A_723 = tpu.scan <sum>, %select_n3A_720 masked %reduce_sum3A_722 : vector<16xi32>, vector<16xi1> -> vector<16xi32>
                %reduce_sum3A_724 = vector.extract %reduce_sum3A_723[15] : i32 from vector<16xi32>
                %add3A_725 = arith.addi %scan3A_693, %reduce_sum3A_724 : i32
                %jit3A_726 = arith.constant 1 : i32
                %jit3A_727 = arith.constant 0 : i32
                %broadcast_in_dim3A_728 = vector.broadcast %jit3A_726 : i32 to vector<16xi32>
                %broadcast_in_dim3A_729 = vector.broadcast %jit3A_727 : i32 to vector<16xi32>
                %select_n3A_730 = arith.select %eq3A, %broadcast_in_dim3A_728, %broadcast_in_dim3A_729 : vector<16xi1>, vector<16xi32>
                %reduce_sum3A_731 = arith.constant true
                %reduce_sum3A_732 = vector.broadcast %reduce_sum3A_731 : i1 to vector<16xi1>
                %reduce_sum3A_733 = tpu.scan <sum>, %select_n3A_730 masked %reduce_sum3A_732 : vector<16xi32>, vector<16xi1> -> vector<16xi32>
                %reduce_sum3A_734 = vector.extract %reduce_sum3A_733[15] : i32 from vector<16xi32>
                %add3A_735 = arith.addi %scan3A_694, %reduce_sum3A_734 : i32
                scf.yield %add3A_725, %add3A_735 : i32, i32
              }
              %scan3A_683 = arith.constant 19 : i32
              %scan3A_684 = arith.constant 0 : i32
              %scan3A_685 = arith.constant 0 : i32
              %scan3A_686 = arith.constant 15 : i32
              %scan3A_687 = arith.addi %scan3A_685, %scan3A_686 : i32
              %scan3A_688 = arith.constant 1 : i32
              scf.for %scan3A_692 = %scan3A_685 to %scan3A_687 step %scan3A_688  : i32 {
                %broadcast_in_dim3A_693 = arith.constant 0xFF800000 : f32
                %broadcast_in_dim3A_694 = vector.broadcast %broadcast_in_dim3A_693 : f32 to vector<16xf32>
                %mul3A_695 = arith.constant 16 : i32
                %mul3A_696 = arith.muli %scan3A_692, %mul3A_695 : i32
                %add3A_697 = arith.constant 64 : i32
                %add3A_698 = arith.addi %add3A_697, %mul3A_696 : i32
                %swap3A_699 = arith.index_cast %add3A_698 : i32 to index
                %swap3A_700 = tpu.vector_load %arg6[%swap3A_699] {strides = array<i32>} : memref<304xf32, #tpu.memory_space<vmem>>, vector<16xf32>,
                tpu.vector_store %arg6[%swap3A_699], %broadcast_in_dim3A_694 {strides = array<i32>} : memref<304xf32, #tpu.memory_space<vmem>>, vector<16xf32>,
              }
              %scan3A_689 = arith.constant 15 : i32
              %broadcast_in_dim3A_690 = vector.broadcast %scan3A_652#1 : f32 to vector<16xf32>
              %cond3A_691 = arith.constant 0 : i32
              scf.yield %broadcast_in_dim3A_690, %cond3A_691 : vector<16xf32>, i32
            } else {
              scf.yield %cond3A_465#0, %add3A_638 : vector<16xf32>, i32
            }
            scf.yield %cond3A_645#0, %cond3A_645#1 : vector<16xf32>, i32
          } else {
            scf.yield %cond3A_465#0, %cond3A_465#1 : vector<16xf32>, i32
          }
          %ge3A_482 = arith.cmpf oge, %max3A_404, %cond3A_481#0 : vector<16xf32>
          %reduce_or3A_483 = arith.constant 1.000000e+00 : f32
          %reduce_or3A_484 = arith.constant 0.000000e+00 : f32
          %reduce_or3A_485 = vector.broadcast %reduce_or3A_483 : f32 to vector<16xf32>
          %reduce_or3A_486 = vector.broadcast %reduce_or3A_484 : f32 to vector<16xf32>
          %reduce_or3A_487 = arith.select %ge3A_482, %reduce_or3A_485, %reduce_or3A_486 : vector<16xi1>, vector<16xf32>
          %reduce_or3A_488 = arith.constant true
          %reduce_or3A_489 = vector.broadcast %reduce_or3A_488 : i1 to vector<16xi1>
          %reduce_or3A_490 = tpu.scan <max>, %reduce_or3A_487 masked %reduce_or3A_489 : vector<16xf32>, vector<16xi1> -> vector<16xf32>
          %reduce_or3A_491 = vector.extract %reduce_or3A_490[15] : f32 from vector<16xf32>
          %reduce_or3A_492 = arith.constant 0.000000e+00 : f32
          %reduce_or3A_493 = arith.cmpf ogt, %reduce_or3A_491, %reduce_or3A_492 : f32
          %convert_element_type3A_494 = arith.extui %reduce_or3A_493 : i1 to i32
          %cond3A_495 = arith.constant 0 : i32
          %cond3A_496 = arith.cmpi ne, %convert_element_type3A_494, %cond3A_495 : i32
          %cond3A_497:2 = scf.if %cond3A_496 -> (vector<16xf32>, i32) {
            %add3A_498 = arith.constant 0 : i32
            %add3A_499 = arith.addi %cond3A_481#1, %add3A_498 : i32
            %mul3A_500 = arith.constant 16 : i32
            %mul3A_501 = arith.muli %add3A_499, %mul3A_500 : i32
            %add3A_502 = arith.constant 64 : i32
            %add3A_503 = arith.addi %add3A_502, %mul3A_501 : i32
            %swap3A = arith.index_cast %add3A_503 : i32 to index
            %swap3A_504 = tpu.vector_load %arg6[%swap3A] {strides = array<i32>} : memref<304xf32, #tpu.memory_space<vmem>>, vector<16xf32>,
            tpu.vector_store %arg6[%swap3A], %get3A_352 {strides = array<i32>} : memref<304xf32, #tpu.memory_space<vmem>>, vector<16xf32>,
            %mul3A_505 = arith.constant 5 : i32
            %mul3A_506 = arith.muli %scan3A_81, %mul3A_505 : i32
            %add3A_507 = arith.constant 4 : i32
            %add3A_508 = arith.addi %mul3A_506, %add3A_507 : i32
            %mul3A_509 = arith.constant 5 : i32
            %mul3A_510 = arith.muli %add3A_508, %mul3A_509 : i32
            %add3A_511 = arith.constant 0 : i32
            %add3A_512 = arith.addi %mul3A_510, %add3A_511 : i32
            %mul3A_513 = arith.constant 16 : i32
            %mul3A_514 = arith.muli %add3A_512, %mul3A_513 : i32
            %broadcast_in_dim3A_515 = vector.broadcast %mul3A_514 : i32 to vector<16xi32>
            %add3A_516 = arith.addi %broadcast_in_dim3A_515, %iota3A : vector<16xi32>
            %add3A_517 = arith.constant 0 : i32
            %add3A_518 = arith.addi %cond3A_481#1, %add3A_517 : i32
            %mul3A_519 = arith.constant 16 : i32
            %mul3A_520 = arith.muli %add3A_518, %mul3A_519 : i32
            %add3A_521 = arith.constant 64 : i32
            %add3A_522 = arith.addi %add3A_521, %mul3A_520 : i32
            %swap3A_523 = arith.index_cast %add3A_522 : i32 to index
            %swap3A_524 = tpu.vector_load %arg7[%swap3A_523] {strides = array<i32>} : memref<304xi32, #tpu.memory_space<vmem>>, vector<16xi32>,
            tpu.vector_store %arg7[%swap3A_523], %add3A_516 {strides = array<i32>} : memref<304xi32, #tpu.memory_space<vmem>>, vector<16xi32>,
            %add3A_525 = arith.constant 1 : i32
            %add3A_526 = arith.addi %cond3A_481#1, %add3A_525 : i32
            %mul3A_527 = arith.constant 16 : i32
            %mul3A_528 = arith.muli %add3A_526, %mul3A_527 : i32
            %add3A_529 = arith.constant 64 : i32
            %add3A_530 = arith.addi %add3A_529, %mul3A_528 : i32
            %swap3A_531 = arith.index_cast %add3A_530 : i32 to index
            %swap3A_532 = tpu.vector_load %arg6[%swap3A_531] {strides = array<i32>} : memref<304xf32, #tpu.memory_space<vmem>>, vector<16xf32>,
            tpu.vector_store %arg6[%swap3A_531], %get3A_364 {strides = array<i32>} : memref<304xf32, #tpu.memory_space<vmem>>, vector<16xf32>,
            %mul3A_533 = arith.constant 5 : i32
            %mul3A_534 = arith.muli %scan3A_81, %mul3A_533 : i32
            %add3A_535 = arith.constant 4 : i32
            %add3A_536 = arith.addi %mul3A_534, %add3A_535 : i32
            %mul3A_537 = arith.constant 5 : i32
            %mul3A_538 = arith.muli %add3A_536, %mul3A_537 : i32
            %add3A_539 = arith.constant 1 : i32
            %add3A_540 = arith.addi %mul3A_538, %add3A_539 : i32
            %mul3A_541 = arith.constant 16 : i32
            %mul3A_542 = arith.muli %add3A_540, %mul3A_541 : i32
            %broadcast_in_dim3A_543 = vector.broadcast %mul3A_542 : i32 to vector<16xi32>
            %add3A_544 = arith.addi %broadcast_in_dim3A_543, %iota3A : vector<16xi32>
            %add3A_545 = arith.constant 1 : i32
            %add3A_546 = arith.addi %cond3A_481#1, %add3A_545 : i32
            %mul3A_547 = arith.constant 16 : i32
            %mul3A_548 = arith.muli %add3A_546, %mul3A_547 : i32
            %add3A_549 = arith.constant 64 : i32
            %add3A_550 = arith.addi %add3A_549, %mul3A_548 : i32
            %swap3A_551 = arith.index_cast %add3A_550 : i32 to index
            %swap3A_552 = tpu.vector_load %arg7[%swap3A_551] {strides = array<i32>} : memref<304xi32, #tpu.memory_space<vmem>>, vector<16xi32>,
            tpu.vector_store %arg7[%swap3A_551], %add3A_544 {strides = array<i32>} : memref<304xi32, #tpu.memory_space<vmem>>, vector<16xi32>,
            %add3A_553 = arith.constant 2 : i32
            %add3A_554 = arith.addi %cond3A_481#1, %add3A_553 : i32
            %mul3A_555 = arith.constant 16 : i32
            %mul3A_556 = arith.muli %add3A_554, %mul3A_555 : i32
            %add3A_557 = arith.constant 64 : i32
            %add3A_558 = arith.addi %add3A_557, %mul3A_556 : i32
            %swap3A_559 = arith.index_cast %add3A_558 : i32 to index
            %swap3A_560 = tpu.vector_load %arg6[%swap3A_559] {strides = array<i32>} : memref<304xf32, #tpu.memory_space<vmem>>, vector<16xf32>,
            tpu.vector_store %arg6[%swap3A_559], %get3A_376 {strides = array<i32>} : memref<304xf32, #tpu.memory_space<vmem>>, vector<16xf32>,
            %mul3A_561 = arith.constant 5 : i32
            %mul3A_562 = arith.muli %scan3A_81, %mul3A_561 : i32
            %add3A_563 = arith.constant 4 : i32
            %add3A_564 = arith.addi %mul3A_562, %add3A_563 : i32
            %mul3A_565 = arith.constant 5 : i32
            %mul3A_566 = arith.muli %add3A_564, %mul3A_565 : i32
            %add3A_567 = arith.constant 2 : i32
            %add3A_568 = arith.addi %mul3A_566, %add3A_567 : i32
            %mul3A_569 = arith.constant 16 : i32
            %mul3A_570 = arith.muli %add3A_568, %mul3A_569 : i32
            %broadcast_in_dim3A_571 = vector.broadcast %mul3A_570 : i32 to vector<16xi32>
            %add3A_572 = arith.addi %broadcast_in_dim3A_571, %iota3A : vector<16xi32>
            %add3A_573 = arith.constant 2 : i32
            %add3A_574 = arith.addi %cond3A_481#1, %add3A_573 : i32
            %mul3A_575 = arith.constant 16 : i32
            %mul3A_576 = arith.muli %add3A_574, %mul3A_575 : i32
            %add3A_577 = arith.constant 64 : i32
            %add3A_578 = arith.addi %add3A_577, %mul3A_576 : i32
            %swap3A_579 = arith.index_cast %add3A_578 : i32 to index
            %swap3A_580 = tpu.vector_load %arg7[%swap3A_579] {strides = array<i32>} : memref<304xi32, #tpu.memory_space<vmem>>, vector<16xi32>,
            tpu.vector_store %arg7[%swap3A_579], %add3A_572 {strides = array<i32>} : memref<304xi32, #tpu.memory_space<vmem>>, vector<16xi32>,
            %add3A_581 = arith.constant 3 : i32
            %add3A_582 = arith.addi %cond3A_481#1, %add3A_581 : i32
            %mul3A_583 = arith.constant 16 : i32
            %mul3A_584 = arith.muli %add3A_582, %mul3A_583 : i32
            %add3A_585 = arith.constant 64 : i32
            %add3A_586 = arith.addi %add3A_585, %mul3A_584 : i32
            %swap3A_587 = arith.index_cast %add3A_586 : i32 to index
            %swap3A_588 = tpu.vector_load %arg6[%swap3A_587] {strides = array<i32>} : memref<304xf32, #tpu.memory_space<vmem>>, vector<16xf32>,
            tpu.vector_store %arg6[%swap3A_587], %get3A_388 {strides = array<i32>} : memref<304xf32, #tpu.memory_space<vmem>>, vector<16xf32>,
            %mul3A_589 = arith.constant 5 : i32
            %mul3A_590 = arith.muli %scan3A_81, %mul3A_589 : i32
            %add3A_591 = arith.constant 4 : i32
            %add3A_592 = arith.addi %mul3A_590, %add3A_591 : i32
            %mul3A_593 = arith.constant 5 : i32
            %mul3A_594 = arith.muli %add3A_592, %mul3A_593 : i32
            %add3A_595 = arith.constant 3 : i32
            %add3A_596 = arith.addi %mul3A_594, %add3A_595 : i32
            %mul3A_597 = arith.constant 16 : i32
            %mul3A_598 = arith.muli %add3A_596, %mul3A_597 : i32
            %broadcast_in_dim3A_599 = vector.broadcast %mul3A_598 : i32 to vector<16xi32>
            %add3A_600 = arith.addi %broadcast_in_dim3A_599, %iota3A : vector<16xi32>
            %add3A_601 = arith.constant 3 : i32
            %add3A_602 = arith.addi %cond3A_481#1, %add3A_601 : i32
            %mul3A_603 = arith.constant 16 : i32
            %mul3A_604 = arith.muli %add3A_602, %mul3A_603 : i32
            %add3A_605 = arith.constant 64 : i32
            %add3A_606 = arith.addi %add3A_605, %mul3A_604 : i32
            %swap3A_607 = arith.index_cast %add3A_606 : i32 to index
            %swap3A_608 = tpu.vector_load %arg7[%swap3A_607] {strides = array<i32>} : memref<304xi32, #tpu.memory_space<vmem>>, vector<16xi32>,
            tpu.vector_store %arg7[%swap3A_607], %add3A_600 {strides = array<i32>} : memref<304xi32, #tpu.memory_space<vmem>>, vector<16xi32>,
            %add3A_609 = arith.constant 4 : i32
            %add3A_610 = arith.addi %cond3A_481#1, %add3A_609 : i32
            %mul3A_611 = arith.constant 16 : i32
            %mul3A_612 = arith.muli %add3A_610, %mul3A_611 : i32
            %add3A_613 = arith.constant 64 : i32
            %add3A_614 = arith.addi %add3A_613, %mul3A_612 : i32
            %swap3A_615 = arith.index_cast %add3A_614 : i32 to index
            %swap3A_616 = tpu.vector_load %arg6[%swap3A_615] {strides = array<i32>} : memref<304xf32, #tpu.memory_space<vmem>>, vector<16xf32>,
            tpu.vector_store %arg6[%swap3A_615], %get3A_400 {strides = array<i32>} : memref<304xf32, #tpu.memory_space<vmem>>, vector<16xf32>,
            %mul3A_617 = arith.constant 5 : i32
            %mul3A_618 = arith.muli %scan3A_81, %mul3A_617 : i32
            %add3A_619 = arith.constant 4 : i32
            %add3A_620 = arith.addi %mul3A_618, %add3A_619 : i32
            %mul3A_621 = arith.constant 5 : i32
            %mul3A_622 = arith.muli %add3A_620, %mul3A_621 : i32
            %add3A_623 = arith.constant 4 : i32
            %add3A_624 = arith.addi %mul3A_622, %add3A_623 : i32
            %mul3A_625 = arith.constant 16 : i32
            %mul3A_626 = arith.muli %add3A_624, %mul3A_625 : i32
            %broadcast_in_dim3A_627 = vector.broadcast %mul3A_626 : i32 to vector<16xi32>
            %add3A_628 = arith.addi %broadcast_in_dim3A_627, %iota3A : vector<16xi32>
            %add3A_629 = arith.constant 4 : i32
            %add3A_630 = arith.addi %cond3A_481#1, %add3A_629 : i32
            %mul3A_631 = arith.constant 16 : i32
            %mul3A_632 = arith.muli %add3A_630, %mul3A_631 : i32
            %add3A_633 = arith.constant 64 : i32
            %add3A_634 = arith.addi %add3A_633, %mul3A_632 : i32
            %swap3A_635 = arith.index_cast %add3A_634 : i32 to index
            %swap3A_636 = tpu.vector_load %arg7[%swap3A_635] {strides = array<i32>} : memref<304xi32, #tpu.memory_space<vmem>>, vector<16xi32>,
            tpu.vector_store %arg7[%swap3A_635], %add3A_628 {strides = array<i32>} : memref<304xi32, #tpu.memory_space<vmem>>, vector<16xi32>,
            %add3A_637 = arith.constant 5 : i32
            %add3A_638 = arith.addi %cond3A_481#1, %add3A_637 : i32
            %ge3A_639 = arith.constant 15 : i32
            %ge3A_640 = arith.cmpi sge, %add3A_638, %ge3A_639 : i32
            %convert_element_type3A_641 = arith.extui %ge3A_640 : i1 to i32
            %cond3A_642 = arith.constant 0 : i32
            %cond3A_643 = arith.constant 0 : i32
            %cond3A_644 = arith.cmpi ne, %convert_element_type3A_641, %cond3A_643 : i32
            %cond3A_645:2 = scf.if %cond3A_644 -> (vector<16xf32>, i32) {
              %scan3A_646 = arith.constant 0x7F800000 : f32
              %scan3A_647 = arith.constant 0xFF800000 : f32
              %scan3A_648 = arith.constant 0 : i32
              %scan3A_649 = arith.constant 64 : i32
              %scan3A_650 = arith.addi %scan3A_648, %scan3A_649 : i32
              %scan3A_651 = arith.constant 1 : i32
              %scan3A_652:2 = scf.for %scan3A_692 = %scan3A_648 to %scan3A_650 step %scan3A_651 iter_args(%scan3A_693 = %scan3A_646, %scan3A_694 = %scan3A_647) -> (f32, f32)  : i32 {
                %broadcast_in_dim3A_695 = vector.broadcast %scan3A_693 : f32 to vector<16xf32>
                %broadcast_in_dim3A_696 = arith.constant 0xFF800000 : f32
                %broadcast_in_dim3A_697 = vector.broadcast %broadcast_in_dim3A_696 : f32 to vector<16xf32>
                %broadcast_in_dim3A_698 = arith.constant 0 : i32
                %broadcast_in_dim3A_699 = vector.broadcast %broadcast_in_dim3A_698 : i32 to vector<16xi32>
                %scan3A_700 = arith.constant 0 : i32
                %scan3A_701 = arith.constant 19 : i32
                %scan3A_702 = arith.addi %scan3A_700, %scan3A_701 : i32
                %scan3A_703 = arith.constant 1 : i32
                %scan3A_704:2 = scf.for %scan3A_714 = %scan3A_700 to %scan3A_702 step %scan3A_703 iter_args(%scan3A_715 = %broadcast_in_dim3A_697, %scan3A_716 = %broadcast_in_dim3A_699) -> (vector<16xf32>, vector<16xi32>)  : i32 {
                  %mul3A_717 = arith.constant 16 : i32
                  %mul3A_718 = arith.muli %scan3A_714, %mul3A_717 : i32
                  %get3A_719 = arith.index_cast %mul3A_718 : i32 to index
                  %get3A_720 = tpu.vector_load %arg6[%get3A_719] {strides = array<i32>} : memref<304xf32, #tpu.memory_space<vmem>>, vector<16xf32>,
                  %ge3A_721 = arith.cmpf oge, %get3A_720, %broadcast_in_dim3A_695 : vector<16xf32>
                  %broadcast_in_dim3A_722 = arith.constant 0xFF800000 : f32
                  %broadcast_in_dim3A_723 = vector.broadcast %broadcast_in_dim3A_722 : f32 to vector<16xf32>
                  %select_n3A_724 = arith.select %ge3A_721, %broadcast_in_dim3A_723, %get3A_720 : vector<16xi1>, vector<16xf32>
                  %max3A_725 = arith.maximumf %scan3A_715, %select_n3A_724 : vector<16xf32>
                  %jit3A = arith.constant 1 : i32
                  %jit3A_726 = arith.constant 0 : i32
                  %broadcast_in_dim3A_727 = vector.broadcast %jit3A : i32 to vector<16xi32>
                  %broadcast_in_dim3A_728 = vector.broadcast %jit3A_726 : i32 to vector<16xi32>
                  %select_n3A_729 = arith.select %ge3A_721, %broadcast_in_dim3A_727, %broadcast_in_dim3A_728 : vector<16xi1>, vector<16xi32>
                  %add3A_730 = arith.addi %scan3A_716, %select_n3A_729 : vector<16xi32>
                  scf.yield %max3A_725, %add3A_730 : vector<16xf32>, vector<16xi32>
                }
                %scan3A_705 = arith.constant 19 : i32
                %reduce_max3A = arith.constant true
                %reduce_max3A_706 = vector.broadcast %reduce_max3A : i1 to vector<16xi1>
                %reduce_max3A_707 = tpu.scan <max>, %scan3A_704#0 masked %reduce_max3A_706 : vector<16xf32>, vector<16xi1> -> vector<16xf32>
                %reduce_max3A_708 = vector.extract %reduce_max3A_707[15] : f32 from vector<16xf32>
                %reduce_sum3A_709 = arith.constant true
                %reduce_sum3A_710 = vector.broadcast %reduce_sum3A_709 : i1 to vector<16xi1>
                %reduce_sum3A_711 = tpu.scan <sum>, %scan3A_704#1 masked %reduce_sum3A_710 : vector<16xi32>, vector<16xi1> -> vector<16xi32>
                %reduce_sum3A_712 = vector.extract %reduce_sum3A_711[15] : i32 from vector<16xi32>
                %lt3A = arith.constant 64 : i32
                %lt3A_713 = arith.cmpi slt, %reduce_sum3A_712, %lt3A : i32
                %select_n3A = arith.select %lt3A_713, %reduce_max3A_708, %scan3A_694 : f32
                scf.yield %reduce_max3A_708, %select_n3A : f32, f32
              }
              %scan3A_653 = arith.constant 64 : i32
              %broadcast_in_dim3A_654 = vector.broadcast %scan3A_652#1 : f32 to vector<16xf32>
              %broadcast_in_dim3A_655 = arith.constant 0 : i32
              %broadcast_in_dim3A_656 = vector.broadcast %broadcast_in_dim3A_655 : i32 to vector<16xi32>
              %broadcast_in_dim3A_657 = arith.constant 0 : i32
              %broadcast_in_dim3A_658 = vector.broadcast %broadcast_in_dim3A_657 : i32 to vector<16xi32>
              %scan3A_659 = arith.constant 0 : i32
              %scan3A_660 = arith.constant 19 : i32
              %scan3A_661 = arith.addi %scan3A_659, %scan3A_660 : i32
              %scan3A_662 = arith.constant 1 : i32
              %scan3A_663:2 = scf.for %scan3A_692 = %scan3A_659 to %scan3A_661 step %scan3A_662 iter_args(%scan3A_693 = %broadcast_in_dim3A_656, %scan3A_694 = %broadcast_in_dim3A_658) -> (vector<16xi32>, vector<16xi32>)  : i32 {
                %mul3A_695 = arith.constant 16 : i32
                %mul3A_696 = arith.muli %scan3A_692, %mul3A_695 : i32
                %get3A_697 = arith.index_cast %mul3A_696 : i32 to index
                %get3A_698 = tpu.vector_load %arg6[%get3A_697] {strides = array<i32>} : memref<304xf32, #tpu.memory_space<vmem>>, vector<16xf32>,
                %gt3A = arith.cmpf ogt, %get3A_698, %broadcast_in_dim3A_654 : vector<16xf32>
                %jit3A = arith.constant 1 : i32
                %jit3A_699 = arith.constant 0 : i32
                %broadcast_in_dim3A_700 = vector.broadcast %jit3A : i32 to vector<16xi32>
                %broadcast_in_dim3A_701 = vector.broadcast %jit3A_699 : i32 to vector<16xi32>
                %select_n3A = arith.select %gt3A, %broadcast_in_dim3A_700, %broadcast_in_dim3A_701 : vector<16xi1>, vector<16xi32>
                %add3A_702 = arith.addi %scan3A_693, %select_n3A : vector<16xi32>
                %eq3A = arith.cmpf oeq, %get3A_698, %broadcast_in_dim3A_654 : vector<16xf32>
                %jit3A_703 = arith.constant 1 : i32
                %jit3A_704 = arith.constant 0 : i32
                %broadcast_in_dim3A_705 = vector.broadcast %jit3A_703 : i32 to vector<16xi32>
                %broadcast_in_dim3A_706 = vector.broadcast %jit3A_704 : i32 to vector<16xi32>
                %select_n3A_707 = arith.select %eq3A, %broadcast_in_dim3A_705, %broadcast_in_dim3A_706 : vector<16xi1>, vector<16xi32>
                %add3A_708 = arith.addi %scan3A_694, %select_n3A_707 : vector<16xi32>
                scf.yield %add3A_702, %add3A_708 : vector<16xi32>, vector<16xi32>
              }
              %scan3A_664 = arith.constant 19 : i32
              %reduce_sum3A_665 = arith.constant true
              %reduce_sum3A_666 = vector.broadcast %reduce_sum3A_665 : i1 to vector<16xi1>
              %reduce_sum3A_667 = tpu.scan <sum>, %scan3A_663#1 masked %reduce_sum3A_666 : vector<16xi32>, vector<16xi1> -> vector<16xi32>
              %reduce_sum3A_668 = vector.extract %reduce_sum3A_667[15] : i32 from vector<16xi32>
              %reduce_sum3A_669 = arith.constant true
              %reduce_sum3A_670 = vector.broadcast %reduce_sum3A_669 : i1 to vector<16xi1>
              %reduce_sum3A_671 = tpu.scan <sum>, %scan3A_663#0 masked %reduce_sum3A_670 : vector<16xi32>, vector<16xi1> -> vector<16xi32>
              %reduce_sum3A_672 = vector.extract %reduce_sum3A_671[15] : i32 from vector<16xi32>
              %sub3A_673 = arith.constant 64 : i32
              %sub3A_674 = arith.subi %sub3A_673, %reduce_sum3A_672 : i32
              %sub3A_675 = arith.subi %reduce_sum3A_668, %sub3A_674 : i32
              %scan3A_676 = arith.constant 0 : i32
              %scan3A_677 = arith.constant 0 : i32
              %scan3A_678 = arith.constant 0 : i32
              %scan3A_679 = arith.constant 19 : i32
              %scan3A_680 = arith.addi %scan3A_678, %scan3A_679 : i32
              %scan3A_681 = arith.constant 1 : i32
              %scan3A_682:2 = scf.for %scan3A_692 = %scan3A_678 to %scan3A_680 step %scan3A_681 iter_args(%scan3A_693 = %scan3A_676, %scan3A_694 = %scan3A_677) -> (i32, i32)  : i32 {
                %mul3A_695 = arith.constant 16 : i32
                %mul3A_696 = arith.muli %scan3A_692, %mul3A_695 : i32
                %get3A_697 = arith.index_cast %mul3A_696 : i32 to index
                %get3A_698 = tpu.vector_load %arg6[%get3A_697] {strides = array<i32>} : memref<304xf32, #tpu.memory_space<vmem>>, vector<16xf32>,
                %mul3A_699 = arith.constant 16 : i32
                %mul3A_700 = arith.muli %scan3A_692, %mul3A_699 : i32
                %get3A_701 = arith.index_cast %mul3A_700 : i32 to index
                %get3A_702 = tpu.vector_load %arg7[%get3A_701] {strides = array<i32>} : memref<304xi32, #tpu.memory_space<vmem>>, vector<16xi32>,
                %gt3A = arith.cmpf ogt, %get3A_698, %broadcast_in_dim3A_654 : vector<16xf32>
                %eq3A = arith.cmpf oeq, %get3A_698, %broadcast_in_dim3A_654 : vector<16xf32>
                %jit3A = arith.constant 1 : i32
                %jit3A_703 = arith.constant 0 : i32
                %broadcast_in_dim3A_704 = vector.broadcast %jit3A : i32 to vector<16xi32>
                %broadcast_in_dim3A_705 = vector.broadcast %jit3A_703 : i32 to vector<16xi32>
                %select_n3A = arith.select %eq3A, %broadcast_in_dim3A_704, %broadcast_in_dim3A_705 : vector<16xi1>, vector<16xi32>
                %broadcast_in_dim3A_706 = arith.constant true
                %broadcast_in_dim3A_707 = vector.broadcast %broadcast_in_dim3A_706 : i1 to vector<16xi1>
                %masked_cumsum3A = tpu.scan <sum>, %select_n3A masked %broadcast_in_dim3A_707 : vector<16xi32>, vector<16xi1> -> vector<16xi32>
                %broadcast_in_dim3A_708 = vector.broadcast %scan3A_694 : i32 to vector<16xi32>
                %add3A_709 = arith.addi %masked_cumsum3A, %broadcast_in_dim3A_708 : vector<16xi32>
                %broadcast_in_dim3A_710 = vector.broadcast %sub3A_675 : i32 to vector<16xi32>
                %gt3A_711 = arith.cmpi sgt, %add3A_709, %broadcast_in_dim3A_710 : vector<16xi32>
                %and3A = arith.andi %eq3A, %gt3A_711 : vector<16xi1>
                %or3A = arith.ori %gt3A, %and3A : vector<16xi1>
                %swap3A_712 = arith.index_cast %scan3A_693 : i32 to index
                %swap3A_713 = tpu.vector_load %arg6[%swap3A_712] masked %or3A {strides = array<i32>} : memref<304xf32, #tpu.memory_space<vmem>>, vector<16xf32>, vector<16xi1>
                tpu.vector_store %arg6[%swap3A_712], %get3A_698 masked %or3A {strides = array<i32>} : memref<304xf32, #tpu.memory_space<vmem>>, vector<16xf32>, vector<16xi1>
                %swap3A_714 = arith.index_cast %scan3A_693 : i32 to index
                %swap3A_715 = tpu.vector_load %arg7[%swap3A_714] masked %or3A {strides = array<i32>} : memref<304xi32, #tpu.memory_space<vmem>>, vector<16xi32>, vector<16xi1>
                tpu.vector_store %arg7[%swap3A_714], %get3A_702 masked %or3A {strides = array<i32>} : memref<304xi32, #tpu.memory_space<vmem>>, vector<16xi32>, vector<16xi1>
                %jit3A_716 = arith.constant 1 : i32
                %jit3A_717 = arith.constant 0 : i32
                %broadcast_in_dim3A_718 = vector.broadcast %jit3A_716 : i32 to vector<16xi32>
                %broadcast_in_dim3A_719 = vector.broadcast %jit3A_717 : i32 to vector<16xi32>
                %select_n3A_720 = arith.select %or3A, %broadcast_in_dim3A_718, %broadcast_in_dim3A_719 : vector<16xi1>, vector<16xi32>
                %reduce_sum3A_721 = arith.constant true
                %reduce_sum3A_722 = vector.broadcast %reduce_sum3A_721 : i1 to vector<16xi1>
                %reduce_sum3A_723 = tpu.scan <sum>, %select_n3A_720 masked %reduce_sum3A_722 : vector<16xi32>, vector<16xi1> -> vector<16xi32>
                %reduce_sum3A_724 = vector.extract %reduce_sum3A_723[15] : i32 from vector<16xi32>
                %add3A_725 = arith.addi %scan3A_693, %reduce_sum3A_724 : i32
                %jit3A_726 = arith.constant 1 : i32
                %jit3A_727 = arith.constant 0 : i32
                %broadcast_in_dim3A_728 = vector.broadcast %jit3A_726 : i32 to vector<16xi32>
                %broadcast_in_dim3A_729 = vector.broadcast %jit3A_727 : i32 to vector<16xi32>
                %select_n3A_730 = arith.select %eq3A, %broadcast_in_dim3A_728, %broadcast_in_dim3A_729 : vector<16xi1>, vector<16xi32>
                %reduce_sum3A_731 = arith.constant true
                %reduce_sum3A_732 = vector.broadcast %reduce_sum3A_731 : i1 to vector<16xi1>
                %reduce_sum3A_733 = tpu.scan <sum>, %select_n3A_730 masked %reduce_sum3A_732 : vector<16xi32>, vector<16xi1> -> vector<16xi32>
                %reduce_sum3A_734 = vector.extract %reduce_sum3A_733[15] : i32 from vector<16xi32>
                %add3A_735 = arith.addi %scan3A_694, %reduce_sum3A_734 : i32
                scf.yield %add3A_725, %add3A_735 : i32, i32
              }
              %scan3A_683 = arith.constant 19 : i32
              %scan3A_684 = arith.constant 0 : i32
              %scan3A_685 = arith.constant 0 : i32
              %scan3A_686 = arith.constant 15 : i32
              %scan3A_687 = arith.addi %scan3A_685, %scan3A_686 : i32
              %scan3A_688 = arith.constant 1 : i32
              scf.for %scan3A_692 = %scan3A_685 to %scan3A_687 step %scan3A_688  : i32 {
                %broadcast_in_dim3A_693 = arith.constant 0xFF800000 : f32
                %broadcast_in_dim3A_694 = vector.broadcast %broadcast_in_dim3A_693 : f32 to vector<16xf32>
                %mul3A_695 = arith.constant 16 : i32
                %mul3A_696 = arith.muli %scan3A_692, %mul3A_695 : i32
                %add3A_697 = arith.constant 64 : i32
                %add3A_698 = arith.addi %add3A_697, %mul3A_696 : i32
                %swap3A_699 = arith.index_cast %add3A_698 : i32 to index
                %swap3A_700 = tpu.vector_load %arg6[%swap3A_699] {strides = array<i32>} : memref<304xf32, #tpu.memory_space<vmem>>, vector<16xf32>,
                tpu.vector_store %arg6[%swap3A_699], %broadcast_in_dim3A_694 {strides = array<i32>} : memref<304xf32, #tpu.memory_space<vmem>>, vector<16xf32>,
              }
              %scan3A_689 = arith.constant 15 : i32
              %broadcast_in_dim3A_690 = vector.broadcast %scan3A_652#1 : f32 to vector<16xf32>
              %cond3A_691 = arith.constant 0 : i32
              scf.yield %broadcast_in_dim3A_690, %cond3A_691 : vector<16xf32>, i32
            } else {
              scf.yield %cond3A_481#0, %add3A_638 : vector<16xf32>, i32
            }
            scf.yield %cond3A_645#0, %cond3A_645#1 : vector<16xf32>, i32
          } else {
            scf.yield %cond3A_481#0, %cond3A_481#1 : vector<16xf32>, i32
          }
          scf.yield %cond3A_497#0, %cond3A_497#1 : vector<16xf32>, i32
        } else {
          scf.yield %scan3A_82, %scan3A_83 : vector<16xf32>, i32
        }
        scf.yield %cond3A_417#0, %cond3A_417#1 : vector<16xf32>, i32
      }
      %scan3A_25 = arith.constant 250 : i32
      %scan3A_26 = arith.constant 0x7F800000 : f32
      %scan3A_27 = arith.constant 0xFF800000 : f32
      %scan3A_28 = arith.constant 0 : i32
      %scan3A_29 = arith.constant 64 : i32
      %scan3A_30 = arith.addi %scan3A_28, %scan3A_29 : i32
      %scan3A_31 = arith.constant 1 : i32
      %scan3A_32:2 = scf.for %scan3A_81 = %scan3A_28 to %scan3A_30 step %scan3A_31 iter_args(%scan3A_82 = %scan3A_26, %scan3A_83 = %scan3A_27) -> (f32, f32)  : i32 {
        %broadcast_in_dim3A_84 = vector.broadcast %scan3A_82 : f32 to vector<16xf32>
        %broadcast_in_dim3A_85 = arith.constant 0xFF800000 : f32
        %broadcast_in_dim3A_86 = vector.broadcast %broadcast_in_dim3A_85 : f32 to vector<16xf32>
        %broadcast_in_dim3A_87 = arith.constant 0 : i32
        %broadcast_in_dim3A_88 = vector.broadcast %broadcast_in_dim3A_87 : i32 to vector<16xi32>
        %scan3A_89 = arith.constant 0 : i32
        %scan3A_90 = arith.constant 19 : i32
        %scan3A_91 = arith.addi %scan3A_89, %scan3A_90 : i32
        %scan3A_92 = arith.constant 1 : i32
        %scan3A_93:2 = scf.for %scan3A_103 = %scan3A_89 to %scan3A_91 step %scan3A_92 iter_args(%scan3A_104 = %broadcast_in_dim3A_86, %scan3A_105 = %broadcast_in_dim3A_88) -> (vector<16xf32>, vector<16xi32>)  : i32 {
          %mul3A_106 = arith.constant 16 : i32
          %mul3A_107 = arith.muli %scan3A_103, %mul3A_106 : i32
          %get3A = arith.index_cast %mul3A_107 : i32 to index
          %get3A_108 = tpu.vector_load %arg6[%get3A] {strides = array<i32>} : memref<304xf32, #tpu.memory_space<vmem>>, vector<16xf32>,
          %ge3A = arith.cmpf oge, %get3A_108, %broadcast_in_dim3A_84 : vector<16xf32>
          %broadcast_in_dim3A_109 = arith.constant 0xFF800000 : f32
          %broadcast_in_dim3A_110 = vector.broadcast %broadcast_in_dim3A_109 : f32 to vector<16xf32>
          %select_n3A_111 = arith.select %ge3A, %broadcast_in_dim3A_110, %get3A_108 : vector<16xi1>, vector<16xf32>
          %max3A = arith.maximumf %scan3A_104, %select_n3A_111 : vector<16xf32>
          %jit3A = arith.constant 1 : i32
          %jit3A_112 = arith.constant 0 : i32
          %broadcast_in_dim3A_113 = vector.broadcast %jit3A : i32 to vector<16xi32>
          %broadcast_in_dim3A_114 = vector.broadcast %jit3A_112 : i32 to vector<16xi32>
          %select_n3A_115 = arith.select %ge3A, %broadcast_in_dim3A_113, %broadcast_in_dim3A_114 : vector<16xi1>, vector<16xi32>
          %add3A_116 = arith.addi %scan3A_105, %select_n3A_115 : vector<16xi32>
          scf.yield %max3A, %add3A_116 : vector<16xf32>, vector<16xi32>
        }
        %scan3A_94 = arith.constant 19 : i32
        %reduce_max3A = arith.constant true
        %reduce_max3A_95 = vector.broadcast %reduce_max3A : i1 to vector<16xi1>
        %reduce_max3A_96 = tpu.scan <max>, %scan3A_93#0 masked %reduce_max3A_95 : vector<16xf32>, vector<16xi1> -> vector<16xf32>
        %reduce_max3A_97 = vector.extract %reduce_max3A_96[15] : f32 from vector<16xf32>
        %reduce_sum3A_98 = arith.constant true
        %reduce_sum3A_99 = vector.broadcast %reduce_sum3A_98 : i1 to vector<16xi1>
        %reduce_sum3A_100 = tpu.scan <sum>, %scan3A_93#1 masked %reduce_sum3A_99 : vector<16xi32>, vector<16xi1> -> vector<16xi32>
        %reduce_sum3A_101 = vector.extract %reduce_sum3A_100[15] : i32 from vector<16xi32>
        %lt3A = arith.constant 64 : i32
        %lt3A_102 = arith.cmpi slt, %reduce_sum3A_101, %lt3A : i32
        %select_n3A = arith.select %lt3A_102, %reduce_max3A_97, %scan3A_83 : f32
        scf.yield %reduce_max3A_97, %select_n3A : f32, f32
      }
      %scan3A_33 = arith.constant 64 : i32
      %broadcast_in_dim3A_34 = vector.broadcast %scan3A_32#1 : f32 to vector<16xf32>
      %broadcast_in_dim3A_35 = arith.constant 0 : i32
      %broadcast_in_dim3A_36 = vector.broadcast %broadcast_in_dim3A_35 : i32 to vector<16xi32>
      %broadcast_in_dim3A_37 = arith.constant 0 : i32
      %broadcast_in_dim3A_38 = vector.broadcast %broadcast_in_dim3A_37 : i32 to vector<16xi32>
      %scan3A_39 = arith.constant 0 : i32
      %scan3A_40 = arith.constant 19 : i32
      %scan3A_41 = arith.addi %scan3A_39, %scan3A_40 : i32
      %scan3A_42 = arith.constant 1 : i32
      %scan3A_43:2 = scf.for %scan3A_81 = %scan3A_39 to %scan3A_41 step %scan3A_42 iter_args(%scan3A_82 = %broadcast_in_dim3A_36, %scan3A_83 = %broadcast_in_dim3A_38) -> (vector<16xi32>, vector<16xi32>)  : i32 {
        %mul3A_84 = arith.constant 16 : i32
        %mul3A_85 = arith.muli %scan3A_81, %mul3A_84 : i32
        %get3A = arith.index_cast %mul3A_85 : i32 to index
        %get3A_86 = tpu.vector_load %arg6[%get3A] {strides = array<i32>} : memref<304xf32, #tpu.memory_space<vmem>>, vector<16xf32>,
        %gt3A = arith.cmpf ogt, %get3A_86, %broadcast_in_dim3A_34 : vector<16xf32>
        %jit3A = arith.constant 1 : i32
        %jit3A_87 = arith.constant 0 : i32
        %broadcast_in_dim3A_88 = vector.broadcast %jit3A : i32 to vector<16xi32>
        %broadcast_in_dim3A_89 = vector.broadcast %jit3A_87 : i32 to vector<16xi32>
        %select_n3A = arith.select %gt3A, %broadcast_in_dim3A_88, %broadcast_in_dim3A_89 : vector<16xi1>, vector<16xi32>
        %add3A_90 = arith.addi %scan3A_82, %select_n3A : vector<16xi32>
        %eq3A = arith.cmpf oeq, %get3A_86, %broadcast_in_dim3A_34 : vector<16xf32>
        %jit3A_91 = arith.constant 1 : i32
        %jit3A_92 = arith.constant 0 : i32
        %broadcast_in_dim3A_93 = vector.broadcast %jit3A_91 : i32 to vector<16xi32>
        %broadcast_in_dim3A_94 = vector.broadcast %jit3A_92 : i32 to vector<16xi32>
        %select_n3A_95 = arith.select %eq3A, %broadcast_in_dim3A_93, %broadcast_in_dim3A_94 : vector<16xi1>, vector<16xi32>
        %add3A_96 = arith.addi %scan3A_83, %select_n3A_95 : vector<16xi32>
        scf.yield %add3A_90, %add3A_96 : vector<16xi32>, vector<16xi32>
      }
      %scan3A_44 = arith.constant 19 : i32
      %reduce_sum3A = arith.constant true
      %reduce_sum3A_45 = vector.broadcast %reduce_sum3A : i1 to vector<16xi1>
      %reduce_sum3A_46 = tpu.scan <sum>, %scan3A_43#1 masked %reduce_sum3A_45 : vector<16xi32>, vector<16xi1> -> vector<16xi32>
      %reduce_sum3A_47 = vector.extract %reduce_sum3A_46[15] : i32 from vector<16xi32>
      %reduce_sum3A_48 = arith.constant true
      %reduce_sum3A_49 = vector.broadcast %reduce_sum3A_48 : i1 to vector<16xi1>
      %reduce_sum3A_50 = tpu.scan <sum>, %scan3A_43#0 masked %reduce_sum3A_49 : vector<16xi32>, vector<16xi1> -> vector<16xi32>
      %reduce_sum3A_51 = vector.extract %reduce_sum3A_50[15] : i32 from vector<16xi32>
      %sub3A = arith.constant 64 : i32
      %sub3A_52 = arith.subi %sub3A, %reduce_sum3A_51 : i32
      %sub3A_53 = arith.subi %reduce_sum3A_47, %sub3A_52 : i32
      %scan3A_54 = arith.constant 0 : i32
      %scan3A_55 = arith.constant 0 : i32
      %scan3A_56 = arith.constant 0 : i32
      %scan3A_57 = arith.constant 19 : i32
      %scan3A_58 = arith.addi %scan3A_56, %scan3A_57 : i32
      %scan3A_59 = arith.constant 1 : i32
      %scan3A_60:2 = scf.for %scan3A_81 = %scan3A_56 to %scan3A_58 step %scan3A_59 iter_args(%scan3A_82 = %scan3A_54, %scan3A_83 = %scan3A_55) -> (i32, i32)  : i32 {
        %mul3A_84 = arith.constant 16 : i32
        %mul3A_85 = arith.muli %scan3A_81, %mul3A_84 : i32
        %get3A = arith.index_cast %mul3A_85 : i32 to index
        %get3A_86 = tpu.vector_load %arg6[%get3A] {strides = array<i32>} : memref<304xf32, #tpu.memory_space<vmem>>, vector<16xf32>,
        %mul3A_87 = arith.constant 16 : i32
        %mul3A_88 = arith.muli %scan3A_81, %mul3A_87 : i32
        %get3A_89 = arith.index_cast %mul3A_88 : i32 to index
        %get3A_90 = tpu.vector_load %arg7[%get3A_89] {strides = array<i32>} : memref<304xi32, #tpu.memory_space<vmem>>, vector<16xi32>,
        %gt3A = arith.cmpf ogt, %get3A_86, %broadcast_in_dim3A_34 : vector<16xf32>
        %eq3A = arith.cmpf oeq, %get3A_86, %broadcast_in_dim3A_34 : vector<16xf32>
        %jit3A = arith.constant 1 : i32
        %jit3A_91 = arith.constant 0 : i32
        %broadcast_in_dim3A_92 = vector.broadcast %jit3A : i32 to vector<16xi32>
        %broadcast_in_dim3A_93 = vector.broadcast %jit3A_91 : i32 to vector<16xi32>
        %select_n3A = arith.select %eq3A, %broadcast_in_dim3A_92, %broadcast_in_dim3A_93 : vector<16xi1>, vector<16xi32>
        %broadcast_in_dim3A_94 = arith.constant true
        %broadcast_in_dim3A_95 = vector.broadcast %broadcast_in_dim3A_94 : i1 to vector<16xi1>
        %masked_cumsum3A = tpu.scan <sum>, %select_n3A masked %broadcast_in_dim3A_95 : vector<16xi32>, vector<16xi1> -> vector<16xi32>
        %broadcast_in_dim3A_96 = vector.broadcast %scan3A_83 : i32 to vector<16xi32>
        %add3A_97 = arith.addi %masked_cumsum3A, %broadcast_in_dim3A_96 : vector<16xi32>
        %broadcast_in_dim3A_98 = vector.broadcast %sub3A_53 : i32 to vector<16xi32>
        %gt3A_99 = arith.cmpi sgt, %add3A_97, %broadcast_in_dim3A_98 : vector<16xi32>
        %and3A = arith.andi %eq3A, %gt3A_99 : vector<16xi1>
        %or3A = arith.ori %gt3A, %and3A : vector<16xi1>
        %swap3A = arith.index_cast %scan3A_82 : i32 to index
        %swap3A_100 = tpu.vector_load %arg6[%swap3A] masked %or3A {strides = array<i32>} : memref<304xf32, #tpu.memory_space<vmem>>, vector<16xf32>, vector<16xi1>
        tpu.vector_store %arg6[%swap3A], %get3A_86 masked %or3A {strides = array<i32>} : memref<304xf32, #tpu.memory_space<vmem>>, vector<16xf32>, vector<16xi1>
        %swap3A_101 = arith.index_cast %scan3A_82 : i32 to index
        %swap3A_102 = tpu.vector_load %arg7[%swap3A_101] masked %or3A {strides = array<i32>} : memref<304xi32, #tpu.memory_space<vmem>>, vector<16xi32>, vector<16xi1>
        tpu.vector_store %arg7[%swap3A_101], %get3A_90 masked %or3A {strides = array<i32>} : memref<304xi32, #tpu.memory_space<vmem>>, vector<16xi32>, vector<16xi1>
        %jit3A_103 = arith.constant 1 : i32
        %jit3A_104 = arith.constant 0 : i32
        %broadcast_in_dim3A_105 = vector.broadcast %jit3A_103 : i32 to vector<16xi32>
        %broadcast_in_dim3A_106 = vector.broadcast %jit3A_104 : i32 to vector<16xi32>
        %select_n3A_107 = arith.select %or3A, %broadcast_in_dim3A_105, %broadcast_in_dim3A_106 : vector<16xi1>, vector<16xi32>
        %reduce_sum3A_108 = arith.constant true
        %reduce_sum3A_109 = vector.broadcast %reduce_sum3A_108 : i1 to vector<16xi1>
        %reduce_sum3A_110 = tpu.scan <sum>, %select_n3A_107 masked %reduce_sum3A_109 : vector<16xi32>, vector<16xi1> -> vector<16xi32>
        %reduce_sum3A_111 = vector.extract %reduce_sum3A_110[15] : i32 from vector<16xi32>
        %add3A_112 = arith.addi %scan3A_82, %reduce_sum3A_111 : i32
        %jit3A_113 = arith.constant 1 : i32
        %jit3A_114 = arith.constant 0 : i32
        %broadcast_in_dim3A_115 = vector.broadcast %jit3A_113 : i32 to vector<16xi32>
        %broadcast_in_dim3A_116 = vector.broadcast %jit3A_114 : i32 to vector<16xi32>
        %select_n3A_117 = arith.select %eq3A, %broadcast_in_dim3A_115, %broadcast_in_dim3A_116 : vector<16xi1>, vector<16xi32>
        %reduce_sum3A_118 = arith.constant true
        %reduce_sum3A_119 = vector.broadcast %reduce_sum3A_118 : i1 to vector<16xi1>
        %reduce_sum3A_120 = tpu.scan <sum>, %select_n3A_117 masked %reduce_sum3A_119 : vector<16xi32>, vector<16xi1> -> vector<16xi32>
        %reduce_sum3A_121 = vector.extract %reduce_sum3A_120[15] : i32 from vector<16xi32>
        %add3A_122 = arith.addi %scan3A_83, %reduce_sum3A_121 : i32
        scf.yield %add3A_112, %add3A_122 : i32, i32
      }
      %scan3A_61 = arith.constant 19 : i32
      %scan3A_62 = arith.constant 0 : i32
      %scan3A_63 = arith.constant 0 : i32
      %scan3A_64 = arith.constant 15 : i32
      %scan3A_65 = arith.addi %scan3A_63, %scan3A_64 : i32
      %scan3A_66 = arith.constant 1 : i32
      scf.for %scan3A_81 = %scan3A_63 to %scan3A_65 step %scan3A_66  : i32 {
        %broadcast_in_dim3A_82 = arith.constant 0xFF800000 : f32
        %broadcast_in_dim3A_83 = vector.broadcast %broadcast_in_dim3A_82 : f32 to vector<16xf32>
        %mul3A_84 = arith.constant 16 : i32
        %mul3A_85 = arith.muli %scan3A_81, %mul3A_84 : i32
        %add3A_86 = arith.constant 64 : i32
        %add3A_87 = arith.addi %add3A_86, %mul3A_85 : i32
        %swap3A = arith.index_cast %add3A_87 : i32 to index
        %swap3A_88 = tpu.vector_load %arg6[%swap3A] {strides = array<i32>} : memref<304xf32, #tpu.memory_space<vmem>>, vector<16xf32>,
        tpu.vector_store %arg6[%swap3A], %broadcast_in_dim3A_83 {strides = array<i32>} : memref<304xf32, #tpu.memory_space<vmem>>, vector<16xf32>,
      }
      %scan3A_67 = arith.constant 15 : i32
      %scan3A_68 = arith.constant 0x7F800000 : f32
      %scan3A_69 = arith.constant 0 : i32
      %scan3A_70 = arith.constant 1073741824 : i32
      %scan3A_71 = arith.constant 0 : i32
      %scan3A_72 = arith.constant 64 : i32
      %scan3A_73 = arith.addi %scan3A_71, %scan3A_72 : i32
      %scan3A_74 = arith.constant 1 : i32
      %scan3A_75:3 = scf.for %scan3A_81 = %scan3A_71 to %scan3A_73 step %scan3A_74 iter_args(%scan3A_82 = %scan3A_68, %scan3A_83 = %scan3A_69, %scan3A_84 = %scan3A_70) -> (f32, i32, i32)  : i32 {
        %eq3A = arith.constant 0 : i32
        %eq3A_85 = arith.cmpi eq, %scan3A_83, %eq3A : i32
        %convert_element_type3A = arith.extui %eq3A_85 : i1 to i32
        %cond3A = arith.constant 0 : i32
        %cond3A_86 = arith.constant 0 : i32
        %cond3A_87 = arith.cmpi ne, %convert_element_type3A, %cond3A_86 : i32
        %cond3A_88:3 = scf.if %cond3A_87 -> (f32, i32, i32) {
          %broadcast_in_dim3A_150 = vector.broadcast %scan3A_82 : f32 to vector<16xf32>
          %broadcast_in_dim3A_151 = arith.constant 0xFF800000 : f32
          %broadcast_in_dim3A_152 = vector.broadcast %broadcast_in_dim3A_151 : f32 to vector<16xf32>
          %get3A_153 = arith.constant 0 : index
          %get3A_154 = tpu.vector_load %arg6[%get3A_153] {strides = array<i32>} : memref<304xf32, #tpu.memory_space<vmem>>, vector<16xf32>,
          %lt3A_155 = arith.cmpf olt, %get3A_154, %broadcast_in_dim3A_150 : vector<16xf32>
          %broadcast_in_dim3A_156 = arith.constant 0xFF800000 : f32
          %broadcast_in_dim3A_157 = vector.broadcast %broadcast_in_dim3A_156 : f32 to vector<16xf32>
          %select_n3A_158 = arith.select %lt3A_155, %get3A_154, %broadcast_in_dim3A_157 : vector<16xi1>, vector<16xf32>
          %max3A_159 = arith.maximumf %broadcast_in_dim3A_152, %select_n3A_158 : vector<16xf32>
          %get3A_160 = arith.constant 16 : index
          %get3A_161 = tpu.vector_load %arg6[%get3A_160] {strides = array<i32>} : memref<304xf32, #tpu.memory_space<vmem>>, vector<16xf32>,
          %lt3A_162 = arith.cmpf olt, %get3A_161, %broadcast_in_dim3A_150 : vector<16xf32>
          %broadcast_in_dim3A_163 = arith.constant 0xFF800000 : f32
          %broadcast_in_dim3A_164 = vector.broadcast %broadcast_in_dim3A_163 : f32 to vector<16xf32>
          %select_n3A_165 = arith.select %lt3A_162, %get3A_161, %broadcast_in_dim3A_164 : vector<16xi1>, vector<16xf32>
          %max3A_166 = arith.maximumf %max3A_159, %select_n3A_165 : vector<16xf32>
          %get3A_167 = arith.constant 32 : index
          %get3A_168 = tpu.vector_load %arg6[%get3A_167] {strides = array<i32>} : memref<304xf32, #tpu.memory_space<vmem>>, vector<16xf32>,
          %lt3A_169 = arith.cmpf olt, %get3A_168, %broadcast_in_dim3A_150 : vector<16xf32>
          %broadcast_in_dim3A_170 = arith.constant 0xFF800000 : f32
          %broadcast_in_dim3A_171 = vector.broadcast %broadcast_in_dim3A_170 : f32 to vector<16xf32>
          %select_n3A_172 = arith.select %lt3A_169, %get3A_168, %broadcast_in_dim3A_171 : vector<16xi1>, vector<16xf32>
          %max3A_173 = arith.maximumf %max3A_166, %select_n3A_172 : vector<16xf32>
          %get3A_174 = arith.constant 48 : index
          %get3A_175 = tpu.vector_load %arg6[%get3A_174] {strides = array<i32>} : memref<304xf32, #tpu.memory_space<vmem>>, vector<16xf32>,
          %lt3A_176 = arith.cmpf olt, %get3A_175, %broadcast_in_dim3A_150 : vector<16xf32>
          %broadcast_in_dim3A_177 = arith.constant 0xFF800000 : f32
          %broadcast_in_dim3A_178 = vector.broadcast %broadcast_in_dim3A_177 : f32 to vector<16xf32>
          %select_n3A_179 = arith.select %lt3A_176, %get3A_175, %broadcast_in_dim3A_178 : vector<16xi1>, vector<16xf32>
          %max3A_180 = arith.maximumf %max3A_173, %select_n3A_179 : vector<16xf32>
          %reduce_max3A_181 = arith.constant true
          %reduce_max3A_182 = vector.broadcast %reduce_max3A_181 : i1 to vector<16xi1>
          %reduce_max3A_183 = tpu.scan <max>, %max3A_180 masked %reduce_max3A_182 : vector<16xf32>, vector<16xi1> -> vector<16xf32>
          %reduce_max3A_184 = vector.extract %reduce_max3A_183[15] : f32 from vector<16xf32>
          %broadcast_in_dim3A_185 = vector.broadcast %reduce_max3A_184 : f32 to vector<16xf32>
          %broadcast_in_dim3A_186 = arith.constant 0 : i32
          %broadcast_in_dim3A_187 = vector.broadcast %broadcast_in_dim3A_186 : i32 to vector<16xi32>
          %get3A_188 = arith.constant 0 : index
          %get3A_189 = tpu.vector_load %arg6[%get3A_188] {strides = array<i32>} : memref<304xf32, #tpu.memory_space<vmem>>, vector<16xf32>,
          %eq3A_190 = arith.cmpf oeq, %get3A_189, %broadcast_in_dim3A_185 : vector<16xf32>
          %jit3A = arith.constant 1 : i32
          %jit3A_191 = arith.constant 0 : i32
          %broadcast_in_dim3A_192 = vector.broadcast %jit3A : i32 to vector<16xi32>
          %broadcast_in_dim3A_193 = vector.broadcast %jit3A_191 : i32 to vector<16xi32>
          %select_n3A_194 = arith.select %eq3A_190, %broadcast_in_dim3A_192, %broadcast_in_dim3A_193 : vector<16xi1>, vector<16xi32>
          %add3A_195 = arith.addi %broadcast_in_dim3A_187, %select_n3A_194 : vector<16xi32>
          %get3A_196 = arith.constant 16 : index
          %get3A_197 = tpu.vector_load %arg6[%get3A_196] {strides = array<i32>} : memref<304xf32, #tpu.memory_space<vmem>>, vector<16xf32>,
          %eq3A_198 = arith.cmpf oeq, %get3A_197, %broadcast_in_dim3A_185 : vector<16xf32>
          %jit3A_199 = arith.constant 1 : i32
          %jit3A_200 = arith.constant 0 : i32
          %broadcast_in_dim3A_201 = vector.broadcast %jit3A_199 : i32 to vector<16xi32>
          %broadcast_in_dim3A_202 = vector.broadcast %jit3A_200 : i32 to vector<16xi32>
          %select_n3A_203 = arith.select %eq3A_198, %broadcast_in_dim3A_201, %broadcast_in_dim3A_202 : vector<16xi1>, vector<16xi32>
          %add3A_204 = arith.addi %add3A_195, %select_n3A_203 : vector<16xi32>
          %get3A_205 = arith.constant 32 : index
          %get3A_206 = tpu.vector_load %arg6[%get3A_205] {strides = array<i32>} : memref<304xf32, #tpu.memory_space<vmem>>, vector<16xf32>,
          %eq3A_207 = arith.cmpf oeq, %get3A_206, %broadcast_in_dim3A_185 : vector<16xf32>
          %jit3A_208 = arith.constant 1 : i32
          %jit3A_209 = arith.constant 0 : i32
          %broadcast_in_dim3A_210 = vector.broadcast %jit3A_208 : i32 to vector<16xi32>
          %broadcast_in_dim3A_211 = vector.broadcast %jit3A_209 : i32 to vector<16xi32>
          %select_n3A_212 = arith.select %eq3A_207, %broadcast_in_dim3A_210, %broadcast_in_dim3A_211 : vector<16xi1>, vector<16xi32>
          %add3A_213 = arith.addi %add3A_204, %select_n3A_212 : vector<16xi32>
          %get3A_214 = arith.constant 48 : index
          %get3A_215 = tpu.vector_load %arg6[%get3A_214] {strides = array<i32>} : memref<304xf32, #tpu.memory_space<vmem>>, vector<16xf32>,
          %eq3A_216 = arith.cmpf oeq, %get3A_215, %broadcast_in_dim3A_185 : vector<16xf32>
          %jit3A_217 = arith.constant 1 : i32
          %jit3A_218 = arith.constant 0 : i32
          %broadcast_in_dim3A_219 = vector.broadcast %jit3A_217 : i32 to vector<16xi32>
          %broadcast_in_dim3A_220 = vector.broadcast %jit3A_218 : i32 to vector<16xi32>
          %select_n3A_221 = arith.select %eq3A_216, %broadcast_in_dim3A_219, %broadcast_in_dim3A_220 : vector<16xi1>, vector<16xi32>
          %add3A_222 = arith.addi %add3A_213, %select_n3A_221 : vector<16xi32>
          %reduce_sum3A_223 = arith.constant true
          %reduce_sum3A_224 = vector.broadcast %reduce_sum3A_223 : i1 to vector<16xi1>
          %reduce_sum3A_225 = tpu.scan <sum>, %add3A_222 masked %reduce_sum3A_224 : vector<16xi32>, vector<16xi1> -> vector<16xi32>
          %reduce_sum3A_226 = vector.extract %reduce_sum3A_225[15] : i32 from vector<16xi32>
          %cond3A_227 = arith.constant 1073741824 : i32
          scf.yield %reduce_max3A_184, %reduce_sum3A_226, %cond3A_227 : f32, i32, i32
        } else {
          scf.yield %scan3A_82, %scan3A_83, %scan3A_84 : f32, i32, i32
        }
        %broadcast_in_dim3A_89 = vector.broadcast %cond3A_88#0 : f32 to vector<16xf32>
        %broadcast_in_dim3A_90 = vector.broadcast %cond3A_88#2 : i32 to vector<16xi32>
        %broadcast_in_dim3A_91 = arith.constant -1 : i32
        %broadcast_in_dim3A_92 = vector.broadcast %broadcast_in_dim3A_91 : i32 to vector<16xi32>
        %get3A = arith.constant 0 : index
        %get3A_93 = tpu.vector_load %arg6[%get3A] {strides = array<i32>} : memref<304xf32, #tpu.memory_space<vmem>>, vector<16xf32>,
        %get3A_94 = arith.constant 0 : index
        %get3A_95 = tpu.vector_load %arg7[%get3A_94] {strides = array<i32>} : memref<304xi32, #tpu.memory_space<vmem>>, vector<16xi32>,
        %eq3A_96 = arith.cmpf oeq, %get3A_93, %broadcast_in_dim3A_89 : vector<16xf32>
        %lt3A = arith.cmpi slt, %get3A_95, %broadcast_in_dim3A_90 : vector<16xi32>
        %and3A = arith.andi %eq3A_96, %lt3A : vector<16xi1>
        %broadcast_in_dim3A_97 = arith.constant -1 : i32
        %broadcast_in_dim3A_98 = vector.broadcast %broadcast_in_dim3A_97 : i32 to vector<16xi32>
        %select_n3A = arith.select %and3A, %get3A_95, %broadcast_in_dim3A_98 : vector<16xi1>, vector<16xi32>
        %max3A = arith.maxsi %broadcast_in_dim3A_92, %select_n3A : vector<16xi32>
        %get3A_99 = arith.constant 16 : index
        %get3A_100 = tpu.vector_load %arg6[%get3A_99] {strides = array<i32>} : memref<304xf32, #tpu.memory_space<vmem>>, vector<16xf32>,
        %get3A_101 = arith.constant 16 : index
        %get3A_102 = tpu.vector_load %arg7[%get3A_101] {strides = array<i32>} : memref<304xi32, #tpu.memory_space<vmem>>, vector<16xi32>,
        %eq3A_103 = arith.cmpf oeq, %get3A_100, %broadcast_in_dim3A_89 : vector<16xf32>
        %lt3A_104 = arith.cmpi slt, %get3A_102, %broadcast_in_dim3A_90 : vector<16xi32>
        %and3A_105 = arith.andi %eq3A_103, %lt3A_104 : vector<16xi1>
        %broadcast_in_dim3A_106 = arith.constant -1 : i32
        %broadcast_in_dim3A_107 = vector.broadcast %broadcast_in_dim3A_106 : i32 to vector<16xi32>
        %select_n3A_108 = arith.select %and3A_105, %get3A_102, %broadcast_in_dim3A_107 : vector<16xi1>, vector<16xi32>
        %max3A_109 = arith.maxsi %max3A, %select_n3A_108 : vector<16xi32>
        %get3A_110 = arith.constant 32 : index
        %get3A_111 = tpu.vector_load %arg6[%get3A_110] {strides = array<i32>} : memref<304xf32, #tpu.memory_space<vmem>>, vector<16xf32>,
        %get3A_112 = arith.constant 32 : index
        %get3A_113 = tpu.vector_load %arg7[%get3A_112] {strides = array<i32>} : memref<304xi32, #tpu.memory_space<vmem>>, vector<16xi32>,
        %eq3A_114 = arith.cmpf oeq, %get3A_111, %broadcast_in_dim3A_89 : vector<16xf32>
        %lt3A_115 = arith.cmpi slt, %get3A_113, %broadcast_in_dim3A_90 : vector<16xi32>
        %and3A_116 = arith.andi %eq3A_114, %lt3A_115 : vector<16xi1>
        %broadcast_in_dim3A_117 = arith.constant -1 : i32
        %broadcast_in_dim3A_118 = vector.broadcast %broadcast_in_dim3A_117 : i32 to vector<16xi32>
        %select_n3A_119 = arith.select %and3A_116, %get3A_113, %broadcast_in_dim3A_118 : vector<16xi1>, vector<16xi32>
        %max3A_120 = arith.maxsi %max3A_109, %select_n3A_119 : vector<16xi32>
        %get3A_121 = arith.constant 48 : index
        %get3A_122 = tpu.vector_load %arg6[%get3A_121] {strides = array<i32>} : memref<304xf32, #tpu.memory_space<vmem>>, vector<16xf32>,
        %get3A_123 = arith.constant 48 : index
        %get3A_124 = tpu.vector_load %arg7[%get3A_123] {strides = array<i32>} : memref<304xi32, #tpu.memory_space<vmem>>, vector<16xi32>,
        %eq3A_125 = arith.cmpf oeq, %get3A_122, %broadcast_in_dim3A_89 : vector<16xf32>
        %lt3A_126 = arith.cmpi slt, %get3A_124, %broadcast_in_dim3A_90 : vector<16xi32>
        %and3A_127 = arith.andi %eq3A_125, %lt3A_126 : vector<16xi1>
        %broadcast_in_dim3A_128 = arith.constant -1 : i32
        %broadcast_in_dim3A_129 = vector.broadcast %broadcast_in_dim3A_128 : i32 to vector<16xi32>
        %select_n3A_130 = arith.select %and3A_127, %get3A_124, %broadcast_in_dim3A_129 : vector<16xi1>, vector<16xi32>
        %max3A_131 = arith.maxsi %max3A_120, %select_n3A_130 : vector<16xi32>
        %reduce_max3A = arith.constant true
        %reduce_max3A_132 = vector.broadcast %reduce_max3A : i1 to vector<16xi1>
        %reduce_max3A_133 = arith.constant -2147483648 : i32
        %reduce_max3A_134 = vector.broadcast %reduce_max3A_133 : i32 to vector<16xi32>
        %reduce_max3A_135 = arith.xori %max3A_131, %reduce_max3A_134 : vector<16xi32>
        %reduce_max3A_136 = tpu.scan <max>, %reduce_max3A_135 masked %reduce_max3A_132 : vector<16xi32>, vector<16xi1> -> vector<16xi32>
        %reduce_max3A_137 = arith.xori %reduce_max3A_136, %reduce_max3A_134 : vector<16xi32>
        %reduce_max3A_138 = vector.extract %reduce_max3A_137[15] : i32 from vector<16xi32>
        %broadcast_in_dim3A_139 = vector.broadcast %scan3A_81 : i32 to vector<16xi32>
        %eq3A_140 = arith.constant 0 : i32
        %eq3A_141 = vector.broadcast %eq3A_140 : i32 to vector<16xi32>
        %eq3A_142 = arith.cmpi eq, %iota3A, %eq3A_141 : vector<16xi32>
        tpu.vector_store_idx %arg8[%broadcast_in_dim3A_139], %broadcast_in_dim3A_89 masked %eq3A_142 : memref<64xf32, #tpu.memory_space<vmem>>[vector<16xi32>], vector<16xf32>, vector<16xi1>
        %broadcast_in_dim3A_143 = vector.broadcast %scan3A_81 : i32 to vector<16xi32>
        %broadcast_in_dim3A_144 = vector.broadcast %reduce_max3A_138 : i32 to vector<16xi32>
        %eq3A_145 = arith.constant 0 : i32
        %eq3A_146 = vector.broadcast %eq3A_145 : i32 to vector<16xi32>
        %eq3A_147 = arith.cmpi eq, %iota3A, %eq3A_146 : vector<16xi32>
        tpu.vector_store_idx %arg9[%broadcast_in_dim3A_143], %broadcast_in_dim3A_144 masked %eq3A_147 : memref<64xi32, #tpu.memory_space<vmem>>[vector<16xi32>], vector<16xi32>, vector<16xi1>
        %sub3A_148 = arith.constant 1 : i32
        %sub3A_149 = arith.subi %cond3A_88#1, %sub3A_148 : i32
        scf.yield %cond3A_88#0, %sub3A_149, %reduce_max3A_138 : f32, i32, i32
      }
      %scan3A_76 = arith.constant 64 : i32
      %mul3A_77 = arith.constant 64 : i32
      %mul3A_78 = arith.muli %add3A_9, %mul3A_77 : i32
      "tpu.region"() ({
        %run_scoped3A = tpu.sem_alloc : memref<!tpu.dma_semaphore, #tpu.memory_space<semaphore_mem>>
        %dma_start3A = tpu.memref_slice %arg3[%mul3A_78] : memref<8192xf32, #tpu.memory_space<hbm>> -> memref<64xf32, #tpu.memory_space<hbm>>
        %dma_start3A_81 = tpu.memref_slice %arg3[%mul3A_78] : memref<8192xf32, #tpu.memory_space<hbm>> -> memref<64xf32, #tpu.memory_space<hbm>>
        tpu.enqueue_dma source(%arg8 : memref<64xf32, #tpu.memory_space<vmem>>) target(%dma_start3A_81 : memref<64xf32, #tpu.memory_space<hbm>>) target_semaphore(%run_scoped3A : memref<!tpu.dma_semaphore, #tpu.memory_space<semaphore_mem>>)
        %dma_wait3A = tpu.memref_slice %arg3[%mul3A_78] : memref<8192xf32, #tpu.memory_space<hbm>> -> memref<64xf32, #tpu.memory_space<hbm>>
        %dma_wait3A_82 = tpu.memref_slice %arg3[%mul3A_78] : memref<8192xf32, #tpu.memory_space<hbm>> -> memref<64xf32, #tpu.memory_space<hbm>>
        tpu.wait_dma2 semaphore(%run_scoped3A : memref<!tpu.dma_semaphore, #tpu.memory_space<semaphore_mem>>) src(%arg8 : memref<64xf32, #tpu.memory_space<vmem>>) dst(%dma_wait3A_82 : memref<64xf32, #tpu.memory_space<hbm>>)
        tpu.yield
      }) : () -> ()
      %mul3A_79 = arith.constant 64 : i32
      %mul3A_80 = arith.muli %add3A_9, %mul3A_79 : i32
      "tpu.region"() ({
        %run_scoped3A = tpu.sem_alloc : memref<!tpu.dma_semaphore, #tpu.memory_space<semaphore_mem>>
        %dma_start3A = tpu.memref_slice %arg4[%mul3A_80] : memref<8192xi32, #tpu.memory_space<hbm>> -> memref<64xi32, #tpu.memory_space<hbm>>
        %dma_start3A_81 = tpu.memref_slice %arg4[%mul3A_80] : memref<8192xi32, #tpu.memory_space<hbm>> -> memref<64xi32, #tpu.memory_space<hbm>>
        tpu.enqueue_dma source(%arg9 : memref<64xi32, #tpu.memory_space<vmem>>) target(%dma_start3A_81 : memref<64xi32, #tpu.memory_space<hbm>>) target_semaphore(%run_scoped3A : memref<!tpu.dma_semaphore, #tpu.memory_space<semaphore_mem>>)
        %dma_wait3A = tpu.memref_slice %arg4[%mul3A_80] : memref<8192xi32, #tpu.memory_space<hbm>> -> memref<64xi32, #tpu.memory_space<hbm>>
        %dma_wait3A_82 = tpu.memref_slice %arg4[%mul3A_80] : memref<8192xi32, #tpu.memory_space<hbm>> -> memref<64xi32, #tpu.memory_space<hbm>>
        tpu.wait_dma2 semaphore(%run_scoped3A : memref<!tpu.dma_semaphore, #tpu.memory_space<semaphore_mem>>) src(%arg9 : memref<64xi32, #tpu.memory_space<vmem>>) dst(%dma_wait3A_82 : memref<64xi32, #tpu.memory_space<hbm>>)
        tpu.yield
      }) : () -> ()
    }
    %scan3A_5 = arith.constant 4 : i32
    return
  }
}

module attributes {stable_mosaic.version = 14 : i64} {
  func.func @_stats_body(%arg0: i32, %arg1: memref<128x4096xf32, #tpu.memory_space<vmem>>, %arg2: memref<128x1xf32, #tpu.memory_space<vmem>>, %arg3: memref<128x1xf32, #tpu.memory_space<vmem>>, %arg4: memref<128x1xf32, #tpu.memory_space<vmem>>, %arg5: memref<128x1xf32, #tpu.memory_space<vmem>>) attributes {dimension_semantics = [#tpu.dimension_semantics<arbitrary>], iteration_bounds = array<i64: 25>, scalar_prefetch = 0 : i64, scratch_operands = 2 : i64, tpu.core_type = #tpu.core_type<tc>, window_params = [{transform_indices = @transform_0, window_bounds = array<i64: 128, 4096>}, {pipeline_mode = #tpu.pipeline_mode<synchronous>, transform_indices = @transform_1, window_bounds = array<i64: 128, 1>}, {pipeline_mode = #tpu.pipeline_mode<synchronous>, transform_indices = @transform_2, window_bounds = array<i64: 128, 1>}]} {
    %eq3A = arith.constant 0 : i32
    %eq3A_0 = arith.cmpi eq, %arg0, %eq3A : i32
    %convert_element_type3A = arith.extui %eq3A_0 : i1 to i32
    %cond3A = arith.constant 0 : i32
    %cond3A_1 = arith.cmpi ne, %convert_element_type3A, %cond3A : i32
    scf.if %cond3A_1 {
      %broadcast_in_dim3A_40 = arith.constant 0xFF800000 : f32
      %broadcast_in_dim3A_41 = vector.broadcast %broadcast_in_dim3A_40 : f32 to vector<128x1xf32>
      %swap3A_42 = arith.constant 0 : index
      %swap3A_43 = arith.constant 0 : index
      %swap3A_44 = vector.load %arg4[%swap3A_42, %swap3A_43] : memref<128x1xf32, #tpu.memory_space<vmem>>, vector<128x1xf32>
      tpu.vector_store %arg4[%swap3A_42, %swap3A_43], %broadcast_in_dim3A_41 {strides = array<i32>} : memref<128x1xf32, #tpu.memory_space<vmem>>, vector<128x1xf32>,
      %broadcast_in_dim3A_45 = arith.constant 0.000000e+00 : f32
      %broadcast_in_dim3A_46 = vector.broadcast %broadcast_in_dim3A_45 : f32 to vector<128x1xf32>
      %swap3A_47 = arith.constant 0 : index
      %swap3A_48 = arith.constant 0 : index
      %swap3A_49 = vector.load %arg5[%swap3A_47, %swap3A_48] : memref<128x1xf32, #tpu.memory_space<vmem>>, vector<128x1xf32>
      tpu.vector_store %arg5[%swap3A_47, %swap3A_48], %broadcast_in_dim3A_46 {strides = array<i32>} : memref<128x1xf32, #tpu.memory_space<vmem>>, vector<128x1xf32>,
    } else {
    }
    %get3A = arith.constant 0 : index
    %get3A_2 = arith.constant 0 : index
    %get3A_3 = vector.load %arg1[%get3A, %get3A_2] : memref<128x4096xf32, #tpu.memory_space<vmem>>, vector<128x4096xf32>
    %mul3A = arith.constant 4096 : i32
    %mul3A_4 = arith.muli %arg0, %mul3A : i32
    %iota3A = tpu.iota {dimensions = array<i32: 1>} : vector<128x4096xi32>
    %add3A = vector.broadcast %mul3A_4 : i32 to vector<128x4096xi32>
    %add3A_5 = arith.addi %add3A, %iota3A : vector<128x4096xi32>
    %lt3A = arith.constant 100000 : i32
    %lt3A_6 = vector.broadcast %lt3A : i32 to vector<128x4096xi32>
    %lt3A_7 = arith.cmpi slt, %add3A_5, %lt3A_6 : vector<128x4096xi32>
    %jit3A = arith.constant 0xFF800000 : f32
    %broadcast_in_dim3A = vector.broadcast %jit3A : f32 to vector<128x4096xf32>
    %select_n3A = arith.select %lt3A_7, %get3A_3, %broadcast_in_dim3A : vector<128x4096xi1>, vector<128x4096xf32>
    %reduce_max3A = arith.constant dense<0xFF800000> : vector<128xf32>
    %reduce_max3A_8 = vector.multi_reduction <maximumf>, %select_n3A, %reduce_max3A [1] : vector<128x4096xf32> to vector<128xf32>
    %broadcast_in_dim3A_9 = vector.shape_cast %reduce_max3A_8 : vector<128xf32> to vector<128x1xf32>
    %get3A_10 = arith.constant 0 : index
    %get3A_11 = arith.constant 0 : index
    %get3A_12 = vector.load %arg4[%get3A_10, %get3A_11] : memref<128x1xf32, #tpu.memory_space<vmem>>, vector<128x1xf32>
    %max3A = arith.maximumf %get3A_12, %broadcast_in_dim3A_9 : vector<128x1xf32>
    %sub3A = vector.broadcast %max3A : vector<128x1xf32> to vector<128x4096xf32>
    %sub3A_13 = arith.subf %select_n3A, %sub3A : vector<128x4096xf32>
    %exp3A = math.exp %sub3A_13 : vector<128x4096xf32>
    %reduce_sum3A = arith.constant dense<0.000000e+00> : vector<128xf32>
    %reduce_sum3A_14 = vector.multi_reduction <add>, %exp3A, %reduce_sum3A [1] : vector<128x4096xf32> to vector<128xf32>
    %broadcast_in_dim3A_15 = vector.shape_cast %reduce_sum3A_14 : vector<128xf32> to vector<128x1xf32>
    %get3A_16 = arith.constant 0 : index
    %get3A_17 = arith.constant 0 : index
    %get3A_18 = vector.load %arg5[%get3A_16, %get3A_17] : memref<128x1xf32, #tpu.memory_space<vmem>>, vector<128x1xf32>
    %sub3A_19 = arith.subf %get3A_12, %max3A : vector<128x1xf32>
    %exp3A_20 = math.exp %sub3A_19 : vector<128x1xf32>
    %mul3A_21 = arith.mulf %get3A_18, %exp3A_20 : vector<128x1xf32>
    %add3A_22 = arith.addf %mul3A_21, %broadcast_in_dim3A_15 : vector<128x1xf32>
    %swap3A = arith.constant 0 : index
    %swap3A_23 = arith.constant 0 : index
    %swap3A_24 = vector.load %arg5[%swap3A, %swap3A_23] : memref<128x1xf32, #tpu.memory_space<vmem>>, vector<128x1xf32>
    tpu.vector_store %arg5[%swap3A, %swap3A_23], %add3A_22 {strides = array<i32>} : memref<128x1xf32, #tpu.memory_space<vmem>>, vector<128x1xf32>,
    %swap3A_25 = arith.constant 0 : index
    %swap3A_26 = arith.constant 0 : index
    %swap3A_27 = vector.load %arg4[%swap3A_25, %swap3A_26] : memref<128x1xf32, #tpu.memory_space<vmem>>, vector<128x1xf32>
    tpu.vector_store %arg4[%swap3A_25, %swap3A_26], %max3A {strides = array<i32>} : memref<128x1xf32, #tpu.memory_space<vmem>>, vector<128x1xf32>,
    %get3A_28 = arith.constant 0 : index
    %get3A_29 = arith.constant 0 : index
    %get3A_30 = vector.load %arg4[%get3A_28, %get3A_29] : memref<128x1xf32, #tpu.memory_space<vmem>>, vector<128x1xf32>
    %swap3A_31 = arith.constant 0 : index
    %swap3A_32 = arith.constant 0 : index
    %swap3A_33 = vector.load %arg2[%swap3A_31, %swap3A_32] : memref<128x1xf32, #tpu.memory_space<vmem>>, vector<128x1xf32>
    tpu.vector_store %arg2[%swap3A_31, %swap3A_32], %get3A_30 {strides = array<i32>} : memref<128x1xf32, #tpu.memory_space<vmem>>, vector<128x1xf32>,
    %get3A_34 = arith.constant 0 : index
    %get3A_35 = arith.constant 0 : index
    %get3A_36 = vector.load %arg5[%get3A_34, %get3A_35] : memref<128x1xf32, #tpu.memory_space<vmem>>, vector<128x1xf32>
    %swap3A_37 = arith.constant 0 : index
    %swap3A_38 = arith.constant 0 : index
    %swap3A_39 = vector.load %arg3[%swap3A_37, %swap3A_38] : memref<128x1xf32, #tpu.memory_space<vmem>>, vector<128x1xf32>
    tpu.vector_store %arg3[%swap3A_37, %swap3A_38], %get3A_36 {strides = array<i32>} : memref<128x1xf32, #tpu.memory_space<vmem>>, vector<128x1xf32>,
    return
  }
  func.func @transform_0(%arg0: i32) -> (i32, i32) {
    %c0_i32 = arith.constant 0 : i32
    %c0_i32_0 = arith.constant 0 : i32
    return %c0_i32, %arg0 : i32, i32
  }
  func.func @transform_1(%arg0: i32) -> (i32, i32) {
    %c0_i32 = arith.constant 0 : i32
    %c0_i32_0 = arith.constant 0 : i32
    %c0_i32_1 = arith.constant 0 : i32
    return %c0_i32, %c0_i32_0 : i32, i32
  }
  func.func @transform_2(%arg0: i32) -> (i32, i32) {
    %c0_i32 = arith.constant 0 : i32
    %c0_i32_0 = arith.constant 0 : i32
    %c0_i32_1 = arith.constant 0 : i32
    return %c0_i32, %c0_i32_0 : i32, i32
  }
}

module attributes {stable_mosaic.version = 14 : i64} {
  func.func @_final_body(%arg0: i32, %arg1: memref<128x64xf32, #tpu.memory_space<vmem>>, %arg2: memref<128x64xi32, #tpu.memory_space<vmem>>, %arg3: memref<128x1xf32, #tpu.memory_space<vmem>>, %arg4: memref<128x1xf32, #tpu.memory_space<vmem>>, %arg5: memref<128x1xi32, #tpu.memory_space<vmem>>, %arg6: memref<128x1xf32, #tpu.memory_space<vmem>>, %arg7: memref<128x4096xf32, #tpu.memory_space<vmem>>, %arg8: memref<128x4096xf32, #tpu.memory_space<vmem>>, %arg9: memref<128x4096xf32, #tpu.memory_space<vmem>>, %arg10: memref<128x1xi32, #tpu.memory_space<vmem>>, %arg11: memref<128x1xf32, #tpu.memory_space<vmem>>, %arg12: memref<128x1xi32, #tpu.memory_space<vmem>>, %arg13: memref<128x1xf32, #tpu.memory_space<vmem>>, %arg14: memref<128x1xi32, #tpu.memory_space<vmem>>) attributes {dimension_semantics = [#tpu.dimension_semantics<arbitrary>], iteration_bounds = array<i64: 25>, scalar_prefetch = 0 : i64, scratch_operands = 4 : i64, tpu.core_type = #tpu.core_type<tc>, window_params = [{pipeline_mode = #tpu.pipeline_mode<synchronous>, transform_indices = @transform_0, window_bounds = array<i64: 128, 64>}, {pipeline_mode = #tpu.pipeline_mode<synchronous>, transform_indices = @transform_1, window_bounds = array<i64: 128, 64>}, {pipeline_mode = #tpu.pipeline_mode<synchronous>, transform_indices = @transform_2, window_bounds = array<i64: 128, 1>}, {pipeline_mode = #tpu.pipeline_mode<synchronous>, transform_indices = @transform_3, window_bounds = array<i64: 128, 1>}, {pipeline_mode = #tpu.pipeline_mode<synchronous>, transform_indices = @transform_4, window_bounds = array<i64: 128, 1>}, {pipeline_mode = #tpu.pipeline_mode<synchronous>, transform_indices = @transform_5, window_bounds = array<i64: 128, 1>}, {transform_indices = @transform_6, window_bounds = array<i64: 128, 4096>}, {transform_indices = @transform_7, window_bounds = array<i64: 128, 4096>}, {transform_indices = @transform_8, window_bounds = array<i64: 128, 4096>}, {pipeline_mode = #tpu.pipeline_mode<synchronous>, transform_indices = @transform_9, window_bounds = array<i64: 128, 1>}]} {
    %eq3A = arith.constant 0 : i32
    %eq3A_0 = arith.cmpi eq, %arg0, %eq3A : i32
    %convert_element_type3A = arith.extui %eq3A_0 : i1 to i32
    %cond3A = arith.constant 0 : i32
    %cond3A_1 = arith.cmpi ne, %convert_element_type3A, %cond3A : i32
    scf.if %cond3A_1 {
      %get3A_66 = arith.constant 0 : index
      %get3A_67 = arith.constant 0 : index
      %get3A_68 = vector.load %arg1[%get3A_66, %get3A_67] : memref<128x64xf32, #tpu.memory_space<vmem>>, vector<128x64xf32>
      %get3A_69 = arith.constant 0 : index
      %get3A_70 = arith.constant 0 : index
      %get3A_71 = vector.load %arg2[%get3A_69, %get3A_70] : memref<128x64xi32, #tpu.memory_space<vmem>>, vector<128x64xi32>
      %get3A_72 = arith.constant 0 : index
      %get3A_73 = arith.constant 0 : index
      %get3A_74 = vector.load %arg3[%get3A_72, %get3A_73] : memref<128x1xf32, #tpu.memory_space<vmem>>, vector<128x1xf32>
      %get3A_75 = arith.constant 0 : index
      %get3A_76 = arith.constant 0 : index
      %get3A_77 = vector.load %arg4[%get3A_75, %get3A_76] : memref<128x1xf32, #tpu.memory_space<vmem>>, vector<128x1xf32>
      %sub3A_78 = vector.broadcast %get3A_74 : vector<128x1xf32> to vector<128x64xf32>
      %sub3A_79 = arith.subf %get3A_68, %sub3A_78 : vector<128x64xf32>
      %exp3A_80 = math.exp %sub3A_79 : vector<128x64xf32>
      %div3A_81 = vector.broadcast %get3A_77 : vector<128x1xf32> to vector<128x64xf32>
      %div3A_82 = arith.divf %exp3A_80, %div3A_81 : vector<128x64xf32>
      %iota3A_83 = tpu.iota {dimensions = array<i32: 0>} : vector<64x64xi32>
      %iota3A_84 = tpu.iota {dimensions = array<i32: 1>} : vector<64x64xi32>
      %lt3A_85 = arith.cmpi slt, %iota3A_83, %iota3A_84 : vector<64x64xi32>
      %convert_element_type3A_86 = arith.extui %lt3A_85 : vector<64x64xi1> to vector<64x64xi32>
      %convert_element_type3A_87 = arith.sitofp %convert_element_type3A_86 : vector<64x64xi32> to vector<64x64xf32>
      %dot_general3A = arith.constant dense<0.000000e+00> : vector<128x64xf32>
      %dot_general3A_88 = tpu.matmul %div3A_82, %convert_element_type3A_87, %dot_general3A {dimension_numbers = #tpu.dot_dimension_numbers<[1], [0], [0], [1], [0, 0, 1, 1], [], []>, transpose_lhs_hint = false} : vector<128x64xf32>, vector<64x64xf32>, vector<128x64xf32> -> vector<128x64xf32>
      %iota3A_89 = tpu.iota {dimensions = array<i32: 1>} : vector<128x64xi32>
      %get3A_90 = arith.constant 0 : index
      %get3A_91 = arith.constant 0 : index
      %get3A_92 = vector.load %arg5[%get3A_90, %get3A_91] : memref<128x1xi32, #tpu.memory_space<vmem>>, vector<128x1xi32>
      %lt3A_93 = vector.broadcast %get3A_92 : vector<128x1xi32> to vector<128x64xi32>
      %lt3A_94 = arith.cmpi slt, %iota3A_89, %lt3A_93 : vector<128x64xi32>
      %get3A_95 = arith.constant 0 : index
      %get3A_96 = arith.constant 0 : index
      %get3A_97 = vector.load %arg6[%get3A_95, %get3A_96] : memref<128x1xf32, #tpu.memory_space<vmem>>, vector<128x1xf32>
      %lt3A_98 = vector.broadcast %get3A_97 : vector<128x1xf32> to vector<128x64xf32>
      %lt3A_99 = arith.cmpf olt, %dot_general3A_88, %lt3A_98 : vector<128x64xf32>
      %and3A_100 = arith.andi %lt3A_94, %lt3A_99 : vector<128x64xi1>
      %convert_element_type3A_101 = arith.extui %and3A_100 : vector<128x64xi1> to vector<128x64xi32>
      %reduce_sum3A = arith.constant dense<0> : vector<128xi32>
      %reduce_sum3A_102 = vector.multi_reduction <add>, %convert_element_type3A_101, %reduce_sum3A [1] : vector<128x64xi32> to vector<128xi32>
      %broadcast_in_dim3A_103 = vector.shape_cast %reduce_sum3A_102 : vector<128xi32> to vector<128x1xi32>
      %sub3A_104 = arith.constant 1 : i32
      %sub3A_105 = vector.broadcast %sub3A_104 : i32 to vector<128x1xi32>
      %sub3A_106 = arith.subi %broadcast_in_dim3A_103, %sub3A_105 : vector<128x1xi32>
      %eq3A_107 = vector.broadcast %sub3A_106 : vector<128x1xi32> to vector<128x64xi32>
      %eq3A_108 = arith.cmpi eq, %iota3A_89, %eq3A_107 : vector<128x64xi32>
      %jit3A_109 = arith.constant 0xFF800000 : f32
      %broadcast_in_dim3A_110 = vector.broadcast %jit3A_109 : f32 to vector<128x64xf32>
      %select_n3A_111 = arith.select %eq3A_108, %get3A_68, %broadcast_in_dim3A_110 : vector<128x64xi1>, vector<128x64xf32>
      %reduce_max3A_112 = arith.constant dense<0xFF800000> : vector<128xf32>
      %reduce_max3A_113 = vector.multi_reduction <maximumf>, %select_n3A_111, %reduce_max3A_112 [1] : vector<128x64xf32> to vector<128xf32>
      %broadcast_in_dim3A_114 = vector.shape_cast %reduce_max3A_113 : vector<128xf32> to vector<128x1xf32>
      %swap3A_115 = arith.constant 0 : index
      %swap3A_116 = arith.constant 0 : index
      %swap3A_117 = vector.load %arg11[%swap3A_115, %swap3A_116] : memref<128x1xf32, #tpu.memory_space<vmem>>, vector<128x1xf32>
      tpu.vector_store %arg11[%swap3A_115, %swap3A_116], %broadcast_in_dim3A_114 {strides = array<i32>} : memref<128x1xf32, #tpu.memory_space<vmem>>, vector<128x1xf32>,
      %jit3A_118 = arith.constant -1 : i32
      %broadcast_in_dim3A_119 = vector.broadcast %jit3A_118 : i32 to vector<128x64xi32>
      %select_n3A_120 = arith.select %eq3A_108, %get3A_71, %broadcast_in_dim3A_119 : vector<128x64xi1>, vector<128x64xi32>
      %reduce_max3A_121 = arith.constant dense<-2147483648> : vector<128xi32>
      %reduce_max3A_122 = vector.multi_reduction <maxsi>, %select_n3A_120, %reduce_max3A_121 [1] : vector<128x64xi32> to vector<128xi32>
      %broadcast_in_dim3A_123 = vector.shape_cast %reduce_max3A_122 : vector<128xi32> to vector<128x1xi32>
      %swap3A_124 = arith.constant 0 : index
      %swap3A_125 = arith.constant 0 : index
      %swap3A_126 = vector.load %arg12[%swap3A_124, %swap3A_125] : memref<128x1xi32, #tpu.memory_space<vmem>>, vector<128x1xi32>
      tpu.vector_store %arg12[%swap3A_124, %swap3A_125], %broadcast_in_dim3A_123 {strides = array<i32>} : memref<128x1xi32, #tpu.memory_space<vmem>>, vector<128x1xi32>,
      %broadcast_in_dim3A_127 = arith.constant -1.000000e+00 : f32
      %broadcast_in_dim3A_128 = vector.broadcast %broadcast_in_dim3A_127 : f32 to vector<128x1xf32>
      %swap3A_129 = arith.constant 0 : index
      %swap3A_130 = arith.constant 0 : index
      %swap3A_131 = vector.load %arg13[%swap3A_129, %swap3A_130] : memref<128x1xf32, #tpu.memory_space<vmem>>, vector<128x1xf32>
      tpu.vector_store %arg13[%swap3A_129, %swap3A_130], %broadcast_in_dim3A_128 {strides = array<i32>} : memref<128x1xf32, #tpu.memory_space<vmem>>, vector<128x1xf32>,
      %broadcast_in_dim3A_132 = arith.constant 0 : i32
      %broadcast_in_dim3A_133 = vector.broadcast %broadcast_in_dim3A_132 : i32 to vector<128x1xi32>
      %swap3A_134 = arith.constant 0 : index
      %swap3A_135 = arith.constant 0 : index
      %swap3A_136 = vector.load %arg14[%swap3A_134, %swap3A_135] : memref<128x1xi32, #tpu.memory_space<vmem>>, vector<128x1xi32>
      tpu.vector_store %arg14[%swap3A_134, %swap3A_135], %broadcast_in_dim3A_133 {strides = array<i32>} : memref<128x1xi32, #tpu.memory_space<vmem>>, vector<128x1xi32>,
    } else {
    }
    %get3A = arith.constant 0 : index
    %get3A_2 = arith.constant 0 : index
    %get3A_3 = vector.load %arg7[%get3A, %get3A_2] : memref<128x4096xf32, #tpu.memory_space<vmem>>, vector<128x4096xf32>
    %get3A_4 = arith.constant 0 : index
    %get3A_5 = arith.constant 0 : index
    %get3A_6 = vector.load %arg8[%get3A_4, %get3A_5] : memref<128x4096xf32, #tpu.memory_space<vmem>>, vector<128x4096xf32>
    %mul3A = arith.constant 4096 : i32
    %mul3A_7 = arith.muli %arg0, %mul3A : i32
    %iota3A = tpu.iota {dimensions = array<i32: 1>} : vector<128x4096xi32>
    %add3A = vector.broadcast %mul3A_7 : i32 to vector<128x4096xi32>
    %add3A_8 = arith.addi %add3A, %iota3A : vector<128x4096xi32>
    %get3A_9 = arith.constant 0 : index
    %get3A_10 = arith.constant 0 : index
    %get3A_11 = vector.load %arg11[%get3A_9, %get3A_10] : memref<128x1xf32, #tpu.memory_space<vmem>>, vector<128x1xf32>
    %gt3A = vector.broadcast %get3A_11 : vector<128x1xf32> to vector<128x4096xf32>
    %gt3A_12 = arith.cmpf ogt, %get3A_3, %gt3A : vector<128x4096xf32>
    %eq3A_13 = vector.broadcast %get3A_11 : vector<128x1xf32> to vector<128x4096xf32>
    %eq3A_14 = arith.cmpf oeq, %get3A_3, %eq3A_13 : vector<128x4096xf32>
    %get3A_15 = arith.constant 0 : index
    %get3A_16 = arith.constant 0 : index
    %get3A_17 = vector.load %arg12[%get3A_15, %get3A_16] : memref<128x1xi32, #tpu.memory_space<vmem>>, vector<128x1xi32>
    %ge3A = vector.broadcast %get3A_17 : vector<128x1xi32> to vector<128x4096xi32>
    %ge3A_18 = arith.cmpi sge, %add3A_8, %ge3A : vector<128x4096xi32>
    %and3A = arith.andi %eq3A_14, %ge3A_18 : vector<128x4096xi1>
    %or3A = arith.ori %gt3A_12, %and3A : vector<128x4096xi1>
    %lt3A = arith.constant 100000 : i32
    %lt3A_19 = vector.broadcast %lt3A : i32 to vector<128x4096xi32>
    %lt3A_20 = arith.cmpi slt, %add3A_8, %lt3A_19 : vector<128x4096xi32>
    %and3A_21 = arith.andi %or3A, %lt3A_20 : vector<128x4096xi1>
    %jit3A = arith.constant -1.000000e+30 : f32
    %broadcast_in_dim3A = vector.broadcast %jit3A : f32 to vector<128x4096xf32>
    %select_n3A = arith.select %and3A_21, %get3A_3, %broadcast_in_dim3A : vector<128x4096xi1>, vector<128x4096xf32>
    %swap3A = arith.constant 0 : index
    %swap3A_22 = arith.constant 0 : index
    %swap3A_23 = vector.load %arg9[%swap3A, %swap3A_22] : memref<128x4096xf32, #tpu.memory_space<vmem>>, vector<128x4096xf32>
    tpu.vector_store %arg9[%swap3A, %swap3A_22], %select_n3A {strides = array<i32>} : memref<128x4096xf32, #tpu.memory_space<vmem>>, vector<128x4096xf32>,
    %get3A_24 = arith.constant 0 : index
    %get3A_25 = arith.constant 0 : index
    %get3A_26 = vector.load %arg3[%get3A_24, %get3A_25] : memref<128x1xf32, #tpu.memory_space<vmem>>, vector<128x1xf32>
    %sub3A = vector.broadcast %get3A_26 : vector<128x1xf32> to vector<128x4096xf32>
    %sub3A_27 = arith.subf %get3A_3, %sub3A : vector<128x4096xf32>
    %exp3A = math.exp %sub3A_27 : vector<128x4096xf32>
    %max3A = arith.constant 9.99999993E-9 : f32
    %max3A_28 = vector.broadcast %max3A : f32 to vector<128x4096xf32>
    %max3A_29 = arith.maximumf %get3A_6, %max3A_28 : vector<128x4096xf32>
    %div3A = arith.divf %exp3A, %max3A_29 : vector<128x4096xf32>
    %jit3A_30 = arith.constant -1.000000e+00 : f32
    %broadcast_in_dim3A_31 = vector.broadcast %jit3A_30 : f32 to vector<128x4096xf32>
    %select_n3A_32 = arith.select %and3A_21, %div3A, %broadcast_in_dim3A_31 : vector<128x4096xi1>, vector<128x4096xf32>
    %reduce_max3A = arith.constant dense<0xFF800000> : vector<128xf32>
    %reduce_max3A_33 = vector.multi_reduction <maximumf>, %select_n3A_32, %reduce_max3A [1] : vector<128x4096xf32> to vector<128xf32>
    %broadcast_in_dim3A_34 = vector.shape_cast %reduce_max3A_33 : vector<128xf32> to vector<128x1xf32>
    %eq3A_35 = vector.broadcast %broadcast_in_dim3A_34 : vector<128x1xf32> to vector<128x4096xf32>
    %eq3A_36 = arith.cmpf oeq, %select_n3A_32, %eq3A_35 : vector<128x4096xf32>
    %jit3A_37 = arith.constant 100000 : i32
    %broadcast_in_dim3A_38 = vector.broadcast %jit3A_37 : i32 to vector<128x4096xi32>
    %select_n3A_39 = arith.select %eq3A_36, %add3A_8, %broadcast_in_dim3A_38 : vector<128x4096xi1>, vector<128x4096xi32>
    %reduce_min3A = arith.constant dense<2147483647> : vector<128xi32>
    %reduce_min3A_40 = vector.multi_reduction <minsi>, %select_n3A_39, %reduce_min3A [1] : vector<128x4096xi32> to vector<128xi32>
    %broadcast_in_dim3A_41 = vector.shape_cast %reduce_min3A_40 : vector<128xi32> to vector<128x1xi32>
    %get3A_42 = arith.constant 0 : index
    %get3A_43 = arith.constant 0 : index
    %get3A_44 = vector.load %arg13[%get3A_42, %get3A_43] : memref<128x1xf32, #tpu.memory_space<vmem>>, vector<128x1xf32>
    %gt3A_45 = arith.cmpf ogt, %broadcast_in_dim3A_34, %get3A_44 : vector<128x1xf32>
    %get3A_46 = arith.constant 0 : index
    %get3A_47 = arith.constant 0 : index
    %get3A_48 = vector.load %arg13[%get3A_46, %get3A_47] : memref<128x1xf32, #tpu.memory_space<vmem>>, vector<128x1xf32>
    %select_n3A_49 = arith.select %gt3A_45, %broadcast_in_dim3A_34, %get3A_48 : vector<128x1xi1>, vector<128x1xf32>
    %swap3A_50 = arith.constant 0 : index
    %swap3A_51 = arith.constant 0 : index
    %swap3A_52 = vector.load %arg13[%swap3A_50, %swap3A_51] : memref<128x1xf32, #tpu.memory_space<vmem>>, vector<128x1xf32>
    tpu.vector_store %arg13[%swap3A_50, %swap3A_51], %select_n3A_49 {strides = array<i32>} : memref<128x1xf32, #tpu.memory_space<vmem>>, vector<128x1xf32>,
    %get3A_53 = arith.constant 0 : index
    %get3A_54 = arith.constant 0 : index
    %get3A_55 = vector.load %arg14[%get3A_53, %get3A_54] : memref<128x1xi32, #tpu.memory_space<vmem>>, vector<128x1xi32>
    %select_n3A_56 = arith.select %gt3A_45, %broadcast_in_dim3A_41, %get3A_55 : vector<128x1xi1>, vector<128x1xi32>
    %swap3A_57 = arith.constant 0 : index
    %swap3A_58 = arith.constant 0 : index
    %swap3A_59 = vector.load %arg14[%swap3A_57, %swap3A_58] : memref<128x1xi32, #tpu.memory_space<vmem>>, vector<128x1xi32>
    tpu.vector_store %arg14[%swap3A_57, %swap3A_58], %select_n3A_56 {strides = array<i32>} : memref<128x1xi32, #tpu.memory_space<vmem>>, vector<128x1xi32>,
    %get3A_60 = arith.constant 0 : index
    %get3A_61 = arith.constant 0 : index
    %get3A_62 = vector.load %arg14[%get3A_60, %get3A_61] : memref<128x1xi32, #tpu.memory_space<vmem>>, vector<128x1xi32>
    %swap3A_63 = arith.constant 0 : index
    %swap3A_64 = arith.constant 0 : index
    %swap3A_65 = vector.load %arg10[%swap3A_63, %swap3A_64] : memref<128x1xi32, #tpu.memory_space<vmem>>, vector<128x1xi32>
    tpu.vector_store %arg10[%swap3A_63, %swap3A_64], %get3A_62 {strides = array<i32>} : memref<128x1xi32, #tpu.memory_space<vmem>>, vector<128x1xi32>,
    return
  }
  func.func @transform_0(%arg0: i32) -> (i32, i32) {
    %c0_i32 = arith.constant 0 : i32
    %c0_i32_0 = arith.constant 0 : i32
    %c0_i32_1 = arith.constant 0 : i32
    return %c0_i32, %c0_i32_0 : i32, i32
  }
  func.func @transform_1(%arg0: i32) -> (i32, i32) {
    %c0_i32 = arith.constant 0 : i32
    %c0_i32_0 = arith.constant 0 : i32
    %c0_i32_1 = arith.constant 0 : i32
    return %c0_i32, %c0_i32_0 : i32, i32
  }
  func.func @transform_2(%arg0: i32) -> (i32, i32) {
    %c0_i32 = arith.constant 0 : i32
    %c0_i32_0 = arith.constant 0 : i32
    %c0_i32_1 = arith.constant 0 : i32
    return %c0_i32, %c0_i32_0 : i32, i32
  }
  func.func @transform_3(%arg0: i32) -> (i32, i32) {
    %c0_i32 = arith.constant 0 : i32
    %c0_i32_0 = arith.constant 0 : i32
    %c0_i32_1 = arith.constant 0 : i32
    return %c0_i32, %c0_i32_0 : i32, i32
  }
  func.func @transform_4(%arg0: i32) -> (i32, i32) {
    %c0_i32 = arith.constant 0 : i32
    %c0_i32_0 = arith.constant 0 : i32
    %c0_i32_1 = arith.constant 0 : i32
    return %c0_i32, %c0_i32_0 : i32, i32
  }
  func.func @transform_5(%arg0: i32) -> (i32, i32) {
    %c0_i32 = arith.constant 0 : i32
    %c0_i32_0 = arith.constant 0 : i32
    %c0_i32_1 = arith.constant 0 : i32
    return %c0_i32, %c0_i32_0 : i32, i32
  }
  func.func @transform_6(%arg0: i32) -> (i32, i32) {
    %c0_i32 = arith.constant 0 : i32
    %c0_i32_0 = arith.constant 0 : i32
    return %c0_i32, %arg0 : i32, i32
  }
  func.func @transform_7(%arg0: i32) -> (i32, i32) {
    %c0_i32 = arith.constant 0 : i32
    %c0_i32_0 = arith.constant 0 : i32
    return %c0_i32, %arg0 : i32, i32
  }
  func.func @transform_8(%arg0: i32) -> (i32, i32) {
    %c0_i32 = arith.constant 0 : i32
    %c0_i32_0 = arith.constant 0 : i32
    return %c0_i32, %arg0 : i32, i32
  }
  func.func @transform_9(%arg0: i32) -> (i32, i32) {
    %c0_i32 = arith.constant 0 : i32
    %c0_i32_0 = arith.constant 0 : i32
    %c0_i32_1 = arith.constant 0 : i32
    return %c0_i32, %c0_i32_0 : i32, i32
  }
}

</mosaic_0001>

<sc_bundles>
// kernel: kernel.5.cloned.1.call-start
scs
__scs_entry_jumppad:
0x0: {  	(pc) =	sbr.rel $0x88, $3  }
0x1: {  	(tag) =	ssettag $0x0;
	lr =	simm.s32 $0x1  }
0x2: {  	[smem:$0x3F9D] =	sst lr;
	_ =	strace $0xD0000000  }
0x3: {  	_ = 	snop  }
0x4: {  	_ = 	snop  }
0x5: {  	_ = 	snop  }
0x6: {  	_ = 	snop  }
0x7: {  	_ = 	snop  }
__scs_overlays_trampoline_lowered:
0x8: {  	[smem:$0x3FAC] =	sst s0  }
0x9: {  	[smem:$0x3FAD] =	sst s1  }
0xa: {  	[smem:$0x3FAE] =	sst s2  }
0xb: {  	[smem:$0x3FAF] =	sst s3  }
0xc: {  	[smem:$0x3FB0] =	sst s4  }
0xd: {  	[smem:$0x3FB1] =	sst s5  }
0xe: {  	[smem:$0x3FB2] =	sst s6  }
0xf: {  	[smem:$0x3FB3] =	sst s7  }
0x10: {  	[smem:$0x3FB4] =	sst s8  }
0x11: {  	[smem:$0x3FB5] =	sst s9;
	s0 =	simm.s32 @!p0 $0x0  }
0x12: {  	s1 =	sld [smem:$0x3F9B];
	s0 =	simm.s32 @p0 $0x1  }
0x13: {  	[smem:$0x3FB6] =	sst s0;
	s0 =	simm.s32 @!p1 $0x0  }
0x14: {  	s2 =	sld [smem:$0x3F9A];
	s0 =	simm.s32 @p1 $0x1  }
0x15: {  	[smem:$0x3FB7] =	sst s0;
	s0 =	simm.s32 @!p2 $0x0  }
0x16: {  	s3 =	sld [smem:$0x3FDB];
	s0 =	simm.s32 @p2 $0x1  }
0x17: {  	s4 =	simm.s32 $0x1BF5;
	[smem:$0x3FB9] =	sst s0  }
0x18: {  	s0 =	sld [smem:$0x3F9C];
	_ =	swait.ge [sflag:s4], $0x0  }
0x19: {  	s7 =	sld [smem:$0x3F9D]  }
0x1a: {  	s8 =	sadd.s32 $0xFFFFE003, lr  }
0x1b: {  	s9 =	sadd.s32 $0xFFFFFEF7, lr;
	s5 =	simm.s32 $0xFFFFFFFF;
	p2 =	slt.u32 s8, $0xFFFFF086  }
0x1c: {  	p1 =	slt.u32 s9, $0xF7A;
	s5 =	simm.s32 @!p2 $0x0  }
0x1d: {  	s5 =	simm.s32 @p1 $0x1;
	p0 =	seq.s32 s7, s2  }
0x1e: {  	s7 =	smul.u32 @!p0 $0xF7A, s2;
	p2 =	seq.s32 @!p0 s5, $0x0  }
0x1f: {  	s9 =	smul.u32 $0xF7A, s1;
	s8 =	simm.s32 @!p0 $0x1BF5;
	p2 =	por !p2, p0  }
0x20: {  	[sflag:s8] =	ssyncset.s32 @!p0 $0xFFFFF086;
	s6 =	sadd.s32 @!p0 s3, s7;
	s7 =	simm.s32 @!p0 $0x108  }
0x21: {  	s3 =	sadd.s32 s3, s9;
	s6 =	sadd.s32 @!p0 $0x88, s6;
	s7 =	simm.s32 @p2 $0x1082  }
0x22: {  	[simem:s7], [sflag:s8] =	dma.local @!p0 [hbm:s6], $0xF7A  }
0x23: {  	s9 =	sor.u32 $0xD0000000, s2;
	s6 =	simm.s32 $0x108;
	_ =	swait.ge @!p0 [sflag:s8], $0x0  }
0x24: {  	s3 =	sadd.s32 $0x88, s3;
	s6 =	simm.s32 @!p1 $0x1082;
	[sflag:s4] =	ssyncset.s32 $0xFFFFF086  }
0x25: {  	[simem:s6], [sflag:s4] =	dma.local [hbm:s3], $0xF7A  }
0x26: {  	[smem:$0x3F9D] =	sst s1;
	(tag) =	ssettag s2;
	_ =	strace s9  }
0x27: {  	s1 =	sld [smem:$0x3FAD]  }
0x28: {  	s2 =	sld [smem:$0x3FAE]  }
0x29: {  	s4 =	sld [smem:$0x3FB0]  }
0x2a: {  	p0 =	seq.s32 s5, $0x0;
	s5 =	sld [smem:$0x3FB1]  }
0x2b: {  	s6 =	sld [smem:$0x3FB2]  }
0x2c: {  	s7 =	sld [smem:$0x3FB3]  }
0x2d: {  	s3 =	simm.s32 $0x108;
	s8 =	sld [smem:$0x3FB4]  }
0x2e: {  	s3 =	simm.s32 @!p0 $0x1082;
	s9 =	sld [smem:$0x3FB5]  }
0x2f: {  	lr =	sadd.s32 s0, s3;
	s0 =	sld [smem:$0x3FAC]  }
0x30: {  	s3 =	sld [smem:$0x3FAF]  }
0x31: {  	[smem:$0x3FB8] =	sst s10  }
0x32: {  	s10 =	sld [smem:$0x3FB6];
	_ =	sdelay $0x3  }
0x33: {  	p0 =	seq.s32 s10, $0x1;
	s10 =	sld [smem:$0x3FB8];
	_ =	sdelay $0x3  }
0x34: {  	[smem:$0x3FB8] =	sst s10  }
0x35: {  	s10 =	sld [smem:$0x3FB7];
	_ =	sdelay $0x3  }
0x36: {  	p1 =	seq.s32 s10, $0x1;
	s10 =	sld [smem:$0x3FB8];
	_ =	sdelay $0x3  }
0x37: {  	[smem:$0x3FB8] =	sst s10  }
0x38: {  	s10 =	sld [smem:$0x3FB9]  }
0x39: {  	_ = 	snop;
	(pc) =	sbr.ind lr, $3  }
0x3a: {  	_ = 	snop  }
0x3b: {  	_ = 	snop  }
0x3c: {  	p2 =	seq.s32 s10, $0x1;
	s10 =	sld [smem:$0x3FB8]  }
0x3d: {  	_ =	shalt  }
0x3e: {  	_ =	shalt  }
0x3f: {  	_ =	shalt  }
0x40: {  	_ =	shalt  }
0x41: {  	_ =	shalt  }
0x42: {  	_ =	shalt  }
0x43: {  	_ =	shalt  }
0x44: {  	_ =	shalt  }
0x45: {  	_ =	shalt  }
0x46: {  	_ =	shalt  }
0x47: {  	_ =	shalt  }
0x48: {  	_ =	shalt  }
0x49: {  	_ =	shalt  }
0x4a: {  	_ =	shalt  }
0x4b: {  	_ =	shalt  }
0x4c: {  	_ =	shalt  }
0x4d: {  	_ =	shalt  }
0x4e: {  	_ =	shalt  }
0x4f: {  	_ =	shalt  }
0x50: {  	_ =	shalt  }
0x51: {  	_ =	shalt  }
0x52: {  	_ =	shalt  }
0x53: {  	_ =	shalt  }
0x54: {  	_ =	shalt  }
0x55: {  	_ =	shalt  }
0x56: {  	_ =	shalt  }
0x57: {  	_ =	shalt  }
0x58: {  	_ =	shalt  }
0x59: {  	_ =	shalt  }
0x5a: {  	_ =	shalt  }
0x5b: {  	_ =	shalt  }
0x5c: {  	_ =	shalt  }
0x5d: {  	_ =	shalt  }
0x5e: {  	_ =	shalt  }
0x5f: {  	_ =	shalt  }
0x60: {  	_ =	shalt  }
0x61: {  	_ =	shalt  }
0x62: {  	_ =	shalt  }
0x63: {  	_ =	shalt  }
0x64: {  	_ =	shalt  }
0x65: {  	_ =	shalt  }
0x66: {  	_ =	shalt  }
0x67: {  	_ =	shalt  }
0x68: {  	_ =	shalt  }
0x69: {  	_ =	shalt  }
0x6a: {  	_ =	shalt  }
0x6b: {  	_ =	shalt  }
0x6c: {  	_ =	shalt  }
0x6d: {  	_ =	shalt  }
0x6e: {  	_ =	shalt  }
0x6f: {  	_ =	shalt  }
0x70: {  	_ =	shalt  }
0x71: {  	_ =	shalt  }
0x72: {  	_ =	shalt  }
0x73: {  	_ =	shalt  }
0x74: {  	_ =	shalt  }
0x75: {  	_ =	shalt  }
0x76: {  	_ =	shalt  }
0x77: {  	_ =	shalt  }
0x78: {  	_ =	shalt  }
0x79: {  	_ =	shalt  }
0x7a: {  	_ =	shalt  }
0x7b: {  	_ =	shalt  }
0x7c: {  	_ =	shalt  }
0x7d: {  	_ =	shalt  }
0x7e: {  	_ =	shalt  }
0x7f: {  	_ =	shalt  }
0x80: {  	_ =	shalt  }
0x81: {  	_ =	shalt  }
0x82: {  	_ =	shalt  }
0x83: {  	_ =	shalt  }
0x84: {  	_ =	shalt  }
0x85: {  	_ =	shalt  }
0x86: {  	_ =	shalt  }
0x87: {  	_ =	shalt  }
.Lfunc_end0:
.L_simem_size_0:
called_computation_lowered:
.L_overlay_start_0:
0x88: {  	s2 =	sld [smem:$0x3FD9]  }
0x89: {  	s3 =	sld [smem:$0x3FFE];
	_ =	sdelay $0x1  }
0x8a: {  	s1 =	srdreg.scid  }
0x8b: {  	s0 =	sand.u32 $0x1, s1  }
0x8c: {  	s14 =	sshll.u32 s0, $0xA;
	s2 =	sadd.s32 s3, s2  }
0x8d: {  	s2 =	sadd.s32 s2, s14  }
0x8e: {  	[smem:$0x3FC4] =	sst s2  }
0x8f: {  	_ = 	snop  }
0x90: {  	s2 =	sld [smem:$0x3FD0];
	_ =	sdelay $0x2  }
0x91: {  	s15 =	simm.s32 $0xA;
	s4 =	simm.s32 $0x10  }
0x92: {  	[smem:s4], [sflag:s15] =	dma.local [hbm:s2], $0x1  }
0x93: {  	_ =	swait.eq [sflag:s15], $0x1  }
0x94: {  	[sflag:s15] =	ssyncset.done $0x0  }
0x95: {  	[sflag:s15] =	ssyncadd.s32 $0xFFFFFFFF  }
0x96: {  	s16 =	sld [smem:$0x11];
	(tm) =	ssettm $0x1  }
0x97: {  	s17 =	sld [smem:$0x3FFB];
	_ =	sdelay $0x3  }
0x98: {  	_ =	strace s17  }
0x99: {  	s3 =	sld [smem:$0x3FFC];
	_ =	sdelay $0x3  }
0x9a: {  	_ =	strace s3  }
0x9b: {  	s3 =	sld [smem:$0x3FFD];
	_ =	sdelay $0x3  }
0x9c: {  	_ =	strace s3  }
0x9d: {  	_ =	strace $0x8FFFFFFF  }
0x9e: {  	s18 =	sld [smem:$0x3FDB];
	_ =	sdelay $0x1  }
0x9f: {  	s19 =	simm.s32 $_scs_section_size  }
0xa0: {  	s5 =	simm.s32 $_size__tile_overlayer_lowered;
	s6 =	simm.s32 $_tile_overlayer_lowered  }
0xa1: {  	s22 =	simm.s32 $0x1BFF;
	s21 =	sshll.u32 s6, $0x1;
	s3 =	sadd.s32 s19, s18  }
0xa2: {  	s7 =	simm.s32 $0x0;
	s20 =	sshll.u32 s5, $0x1;
	s5 =	sadd.s32 s21, s3  }
0xa3: {  	[timem:s7], [sflag:s22] =	dma.local [hbm:s5], s20  }
0xa4: {  	_ =	swait.ge [sflag:s22], s20  }
0xa5: {  	s4 =	ssub.s32 $0x0, s20;
	[sflag:s22] =	ssyncset.done $0x0  }
0xa6: {  	[sflag:s22] =	ssyncadd.s32 s4;
	_ =	sdelay $0x1  }
0xa7: {  	s23 =	simm.s32 $0x1B8B  }
0xa8: {  	_ =	swait.ge [sflag:s23], $0x1  }
0xa9: {  	[sflag:s23] =	ssyncset.done $0x0  }
0xaa: {  	s25 =	simm.s32 $0x1B8E;
	s24 =	sld [smem:$0x3FFE];
	[sflag:s23] =	ssyncadd.s32 $0xFFFFFFFF  }
0xab: {  	s26 =	simm.s32 $execute0_lowered;
	[smem:$0x3FD2] =	sst s25  }
0xac: {  	s5 =	sshll.u32 s26, $0x1;
	_ =	strace $0x80000046;
	[dreg:$0x1] =	wrdreg $0xFFFFFFFF  }
0xad: {  	s28 =	simm.s32 $_size_execute0_lowered;
	s3 =	sadd.s32 s3, s5;
	[dreg:$0x0] =	wrdreg $0x0  }
0xae: {  	s5 =	sshll.u32 s28, $0x1;
	[dreg:$0x2] =	wrdreg s3  }
0xaf: {  	[dreg:$0x3] =	wrdreg s5  }
0xb0: {  	[dreg:$0x4] =	wrdreg $0xC0  }
0xb1: {  	_ =	task [dreg:s7], $0x5FFFF  }
0xb2: {  	[dreg:$0x1] =	wrdreg $0xFFFFFFFF  }
0xb3: {  	[dreg:$0x0] =	wrdreg $0x60  }
0xb4: {  	[dreg:$0x2] =	wrdreg s16  }
0xb5: {  	[dreg:$0x3] =	wrdreg s24  }
0xb6: {  	[dreg:$0x4] =	wrdreg $0x9  }
0xb7: {  	_ =	task.clear_ibuf [dreg:s7], $0x5FFFF;
	_ =	strace $0x90000046  }
0xb8: {  	s29 =	simm.s32 $0x9;
	_ =	strace $0x80000048  }
0xb9: {  	_ =	swait.ge [sflag:s29], $0x1  }
0xba: {  	[sflag:s29] =	ssyncadd.s32 $0xFFFFFFFF  }
0xbb: {  	_ =	strace $0x90000048  }
0xbc: {  	_ =	sfence  }
0xbd: {  	s30 =	sld [smem:$0x0];
	_ =	sdelay $0x2  }
0xbe: {  	s31 =	sshll.u32 s1, $0xD;
	s1 =	sshrl.u32 s1, $0x2  }
0xbf: {  	s3 =	sand.u32 $0x4000, s31;
	s1 =	sadd.s32 s1, s30  }
0xc0: {  	s0 =	sor.u32 s3, s0;
	s1 =	sshll.u32 s1, $0x11  }
0xc1: {  	s0 =	sor.u32 s1, s0  }
0xc2: {  	s0 =	sadd.s32 $0x8F2B, s0  }
0xc3: {  	[sflag:s0] =	ssyncadd.remote.s32 $0x1  }
0xc4: {  	_ =	sfence.sel $0xFFFF  }
0xc5: {  	[dreg:$0x0] =	wrdreg $0xFFFFFFFF;
	(pc) =	sbr.abs _section_cstart, $3  }
0xc6: {  	[dreg:$0x1] =	wrdreg $0xFFFFFFFF  }
0xc7: {  	_ =	task.clear_ibuf [dreg:s7], $0x2FFFF;
	_ =	strace $0x9FFFFFFF  }
0xc8: {  	(tm) =	ssettm $0x7FFFFFFF  }
0xc9: {  	_ =	shalt  }
tec
execute0_lowered:
.L_overlay_start_1:
0x0: {  	(tag) =	ssettag $0x1  }
0x1: {  	s1 =	rddreg [dreg:$0x0]  }
0x2: {  	s3 =	rddreg [dreg:$0x1]  }
0x3: {  	s0 =	rddreg [dreg:$0x2];
	s2 =	simm.s32 $0x0  }
0x4: {  	s4 =	srdreg.scid;
	s9 =	simm.s32 $0x18A00;
	s10 =	simm.s32 $0x18A80  }
0x5: {  	s11 =	simm.s32 $0x0;
	[smem:$0x7FF] =	sst s2;
	s6 =	sand.u32 $0x1, s4  }
0x6: {  	s4 =	sadd.s32 $0x187C00, s3;
	s5 =	sadd.s32 $0x188000, s3;
	s7 =	ssub.s32 $0x2, s6  }
0x7: {  	s3 =	stileid.u32;
	_ =	strace $0x80000047;
	s8 =	sshrl.u32 s7, $0x1  }
0x8: {  	s31 =	sshll.u32 s3, $0x3;
	s6 =	sshll.u32 s6, $0x2;
	s7 =	ssub.s32 s7, s8  }
0x9: {  	v0 =	vimm.f32 $0.0e+00;
	v1 =	vimm.s32 $0x0;
	v2 =	vimm.f32 $-Inf;
	s6 =	sor.u32 s6, s31;
	s8 =	simm.s32 $0x1;
	s7 =	smax.u32 s7, $0x1  }
.LBB2_1:
0xa: {  	s12 =	simm.s32 $0x0  }
.LBB2_2:
0xb: {  	v26 =	vimm.f32 $-Inf  }
0xc: {  	[tilespmem:$0x18700] =	vst v26  }
0xd: {  	[tilespmem:$0x18710] =	vst v26  }
0xe: {  	[tilespmem:$0x18720] =	vst v26  }
0xf: {  	[tilespmem:$0x18730] =	vst v26  }
0x10: {  	[tilespmem:$0x18740] =	vst v26  }
0x11: {  	[tilespmem:$0x18750] =	vst v26  }
0x12: {  	[tilespmem:$0x18760] =	vst v26  }
0x13: {  	[tilespmem:$0x18770] =	vst v26  }
0x14: {  	[tilespmem:$0x18780] =	vst v26  }
0x15: {  	[tilespmem:$0x18790] =	vst v26  }
0x16: {  	[tilespmem:$0x187A0] =	vst v26  }
0x17: {  	[tilespmem:$0x187B0] =	vst v26  }
0x18: {  	[tilespmem:$0x187C0] =	vst v26  }
0x19: {  	[tilespmem:$0x187D0] =	vst v26  }
0x1a: {  	[tilespmem:$0x187E0] =	vst v26  }
0x1b: {  	s13 =	sadd.s32 s6, s12;
	[tilespmem:$0x187F0] =	vst v26  }
0x1c: {  	[tilespmem:$0x18800] =	vst v26;
	s14 =	smul.u32 $0x30D4, s13  }
0x1d: {  	[tilespmem:$0x18810] =	vst v26  }
.Ltmp0:
0x1e: {  	s16 =	simm.s32 $0x0;
	[tilespmem:$0x18820] =	vst v26;
	s14 =	sadd.s32 s1, s14;
	(pc) =	sbr.rel .LBB2_3-.Ltmp0, $4  }
0x1f: {  	[tilespmem:s16], [sflag:$0x1] =	stream.linear.gather [hbm4b:s14+s16], $0x186A0, $0x38;
	[tilespmem:$0x18B00] =	vst v63  }
0x20: {  	_ =	swait.ge [sflag:s8], $0x186A0  }
0x21: {  	[sflag:s8] =	ssyncset.done $0x0  }
0x22: {  	s14 =	simm.s32 $0x0;
	[sflag:s8] =	ssyncadd.s32 $0xFFFE7960  }
.LBB2_72:
0x23: {  	s18 =	smov.u32 @p0 s16  }
0x24: {  	v26 =	vpsel p0, v9, v9;
	s16 =	smov.u32 s18  }
.LBB2_54:
0x25: {  	s14 =	sadd.s32 $0x1, s14  }
0x26: {  	p0 =	sne.s32 s14, $0xFA  }
.Ltmp1:
0x27: {  	_ = 	snop;
	(pc) =	sbr.rel @!p0 .LBB2_55-.Ltmp1, $1  }
0x28: {  	_ =	sdelay $0x3  }
.LBB2_3:
0x29: {  	s15 =	smul.u32 $0x190, s14;
	_ =	sdelay $0x1  }
0x2a: {  	v32 =	vld [tilespmem:s15+$0x0]  }
0x2b: {  	v31 =	vld [tilespmem:s15+$0x10]  }
0x2c: {  	v30 =	vld [tilespmem:s15+$0x20]  }
0x2d: {  	v29 =	vld [tilespmem:s15+$0x30]  }
0x2e: {  	v28 =	vld [tilespmem:s15+$0x40]  }
0x2f: {  	v25 =	vld [tilespmem:s15+$0x50]  }
0x30: {  	v24 =	vld [tilespmem:s15+$0x60]  }
0x31: {  	v23 =	vld [tilespmem:s15+$0x70]  }
0x32: {  	v22 =	vld [tilespmem:s15+$0x80]  }
0x33: {  	v21 =	vld [tilespmem:s15+$0x90]  }
0x34: {  	v19 =	vld [tilespmem:s15+$0xA0]  }
0x35: {  	v18 =	vld [tilespmem:s15+$0xB0]  }
0x36: {  	v17 =	vld [tilespmem:s15+$0xC0]  }
0x37: {  	v16 =	vld [tilespmem:s15+$0xD0]  }
0x38: {  	v15 =	vld [tilespmem:s15+$0xE0]  }
0x39: {  	v13 =	vld [tilespmem:s15+$0xF0]  }
0x3a: {  	v12 =	vld [tilespmem:s15+$0x100]  }
0x3b: {  	v11 =	vld [tilespmem:s15+$0x110]  }
0x3c: {  	v10 =	vld [tilespmem:s15+$0x120]  }
0x3d: {  	v7 =	vld [tilespmem:s15+$0x140]  }
0x3e: {  	v6 =	vld [tilespmem:s15+$0x150]  }
0x3f: {  	v5 =	vld [tilespmem:s15+$0x160];
	v3 =	vmax.f32 v32, v31;
	v4 =	vmax.f32 v25, v24  }
0x40: {  	v9 =	vld [tilespmem:s15+$0x130];
	v3 =	vmax.f32 v3, v30;
	v4 =	vmax.f32 v4, v23  }
0x41: {  	v3 =	vmax.f32 v3, v29;
	v8 =	vmax.f32 v4, v22;
	v4 =	vld [tilespmem:s15+$0x170]  }
0x42: {  	v33 =	vmax.f32 v3, v28;
	v27 =	vmax.f32 v8, v21;
	v8 =	vmax.f32 v19, v18;
	v3 =	vld [tilespmem:s15+$0x180]  }
0x43: {  	v20 =	vmax.f32 v13, v12;
	v35 =	vmax.f32 v7, v6;
	v8 =	vmax.f32 v8, v17  }
0x44: {  	v34 =	vmax.f32 v20, v11;
	v61 =	vmax.f32 v35, v5;
	v8 =	vmax.f32 v8, v16  }
0x45: {  	v14 =	vmax.f32 v33, v27;
	v20 =	vmax.f32 v8, v15;
	v8 =	vmax.f32 v34, v10  }
0x46: {  	v62 =	vmax.f32 v14, v20;
	v14 =	vmax.f32 v8, v9;
	v8 =	vmax.f32 v61, v4  }
0x47: {  	v63 =	vmax.f32 v62, v14;
	v8 =	vmax.f32 v8, v3  }
0x48: {  	v34 =	vmax.f32 v63, v8  }
0x49: {  	vm0 =	vge.f32 v34, v26  }
0x4a: {  	v34 =	vsel vm0, $0x3F800000, v0  }
0x4b: {  	(xrf0) =	vmax.scan.msk.f32 $0xffff, v34;
	_ =	sdelay $0x5  }
0x4c: {  	v34, _, _ =	vpop (xrf0)  }
0x4d: {  	(v2sf) =	vpush v34, $0xF;
	_ =	sdelay $0xe  }
0x4e: {  	s17 =	spop (v2sf)  }
0x4f: {  	p0 =	sgt.f32 s17, $0.0e+00  }
.Ltmp2:
0x50: {  	_ = 	snop;
	(pc) =	sbr.rel @!p0 .LBB2_54-.Ltmp2, $1  }
0x51: {  	_ =	sdelay $0x3  }
0x52: {  	vm0 =	vge.f32 v33, v26  }
0x53: {  	v33 =	vsel vm0, $0x3F800000, v0  }
0x54: {  	(xrf0) =	vmax.scan.msk.f32 $0xffff, v33;
	_ =	sdelay $0x5  }
0x55: {  	v33, _, _ =	vpop (xrf0)  }
0x56: {  	(v2sf) =	vpush v33, $0xF;
	_ =	sdelay $0xe  }
0x57: {  	s17 =	spop (v2sf)  }
0x58: {  	p0 =	sgt.f32 s17, $0.0e+00;
	_ =	sdelay $0x1  }
0x59: {  	s17 =	sadd.s32 $0x10, s15;
	s18 =	sshll.u32 @p0 s16, $0x4;
	v33 =	vlaneseq.u32 @p0  }
0x5a: {  	[tilespmem:s18+$0x18750] =	vst @p0 v31;
	v31 =	vor.u32 @p0 s17, v33;
	s17 =	sadd.s32 $0x20, s15  }
0x5b: {  	[tilespmem:s18+$0x18760] =	vst @p0 v30;
	v30 =	vor.u32 @p0 s17, v33;
	s17 =	sadd.s32 $0x30, s15  }
0x5c: {  	[tilespmem:s18+$0x18770] =	vst @p0 v29;
	v29 =	vor.u32 @p0 s17, v33;
	s17 =	sadd.s32 @p0 $0x5, s16  }
0x5d: {  	[tilespmem:s18+$0x18740] =	vst @p0 v32;
	p1 =	slt.s32 @p0 s17, $0xF  }
0x5e: {  	v32 =	vor.u32 @p0 s15, v33;
	[tilespmem:s18+$0x18780] =	vst @p0 v28;
	p1 =	por !p0, p1  }
.Ltmp3:
0x5f: {  	s19 =	sadd.s32 $0x40, s15;
	[tilespmem:s18+$0x188C0] =	vst @p0 v32;
	(pc) =	sbr.rel @p1 .LBB2_68-.Ltmp3, $4  }
0x60: {  	v28 =	vor.u32 @p0 s19, v33;
	[tilespmem:s18+$0x188D0] =	vst @p0 v31  }
0x61: {  	[tilespmem:s18+$0x18900] =	vst @p0 v28  }
0x62: {  	[tilespmem:s18+$0x188E0] =	vst @p0 v30  }
0x63: {  	[tilespmem:s18+$0x188F0] =	vst @p0 v29  }
0x64: {  	p1 =	sgt.s32 @p0 s17, $0xE  }
0x65: {  	s18 =	simm.s32 @p0 $0x0;
	p1 =	por !p1, !p0  }
0x66: {  	s19 =	simm.f32 @p0 $+Inf;
	s16 =	simm.f32 @p0 $-Inf;
	s17 =	simm.s32 @!p1 $0x0  }
.LBB2_6:
0x67: {  	s20 =	simm.s32 $0x0  }
0x68: {  	v29 =	vmov s19;
	v28 =	vimm.f32 $-Inf;
	v26 =	vimm.s32 $0x0;
	s19 =	simm.s32 $0x40;
	v30 =	vld [tilespmem:s20+$0x18700]  }
.LBB2_7:
0x69: {  	_ = 	snop  }
0x6a: {  	p0 =	sne.s32 s19, $0x480  }
.Ltmp4:
0x6b: {  	_ = 	snop;
	(pc) =	sbr.rel @p0 .LBB2_7-.Ltmp4, $4  }
0x6c: {  	_ = 	snop  }
0x6d: {  	s20 =	smov.u32 s19;
	vm0 =	vge.f32 v30, v29;
	v31 =	vmax.f32 v28, v30  }
0x6e: {  	s20 =	sshra.s32 s20, $0x2;
	v28 =	vsel vm0, v28, v31;
	v31 =	vsel vm0, $0x1, v1  }
0x6f: {  	s19 =	sadd.s32 $0x40, s19;
	v30 =	vld [tilespmem:s20+$0x18700];
	v26 =	vadd.s32 v31, v26  }
0x70: {  	_ =	sdelay $0x3  }
0x71: {  	vm0 =	vge.f32 v30, v29;
	v29 =	vmax.f32 v28, v30  }
0x72: {  	v28 =	vsel vm0, v28, v29;
	v29 =	vsel vm0, $0x1, v1  }
0x73: {  	v26 =	vadd.s32 v29, v26;
	(xrf0) =	vmax.scan.msk.f32 $0xffff, v28  }
0x74: {  	(xrf0) =	vadd.scan.msk.s32 $0xffff, v26;
	_ =	sdelay $0x4  }
0x75: {  	v26, _, _ =	vpop (xrf0)  }
0x76: {  	(v2sf) =	vpush v26, $0xF;
	v26, _, _ =	vpop (xrf0)  }
0x77: {  	(v2sf) =	vpush v26, $0xF;
	_ =	sdelay $0xa  }
0x78: {  	s18 =	sadd.s32 $0x1, s18  }
0x79: {  	p1 =	sne.s32 s18, $0x40  }
.Ltmp5:
0x7a: {  	_ = 	snop;
	(pc) =	sbr.rel @p1 .LBB2_6-.Ltmp5, $4  }
0x7b: {  	s19 =	spop (v2sf)  }
0x7c: {  	s20 =	spop (v2sf)  }
0x7d: {  	p0 =	slt.s32 s20, $0x40  }
0x7e: {  	s16 =	smov.u32 @p0 s19  }
0x7f: {  	s18 =	simm.s32 $0x0  }
0x80: {  	v30 =	vld [tilespmem:s18+$0x18700]  }
0x81: {  	v26 =	vmov s16;
	v28 =	vimm.s32 $0x0;
	s16 =	simm.s32 $0x40;
	v29 =	vimm.s32 $0x0  }
.LBB2_10:
0x82: {  	p0 =	sne.s32 s16, $0x480  }
.Ltmp6:
0x83: {  	_ = 	snop;
	(pc) =	sbr.rel @p0 .LBB2_10-.Ltmp6, $4  }
0x84: {  	_ = 	snop  }
0x85: {  	s18 =	sshra.s32 s16, $0x2;
	s16 =	sadd.s32 $0x40, s16;
	vm0 =	vgt.f32 v30, v26;
	vm1 =	veq.f32 v30, v26  }
0x86: {  	v30 =	vld [tilespmem:s18+$0x18700];
	v31 =	vsel vm0, $0x1, v1;
	v32 =	vsel vm1, $0x1, v1  }
0x87: {  	v28 =	vadd.s32 v31, v28;
	v29 =	vadd.s32 v32, v29  }
0x88: {  	_ =	sdelay $0x2  }
0x89: {  	vm0 =	veq.f32 v30, v26  }
0x8a: {  	vm1 =	vgt.f32 v30, v26;
	v30 =	vsel vm0, $0x1, v1  }
0x8b: {  	v31 =	vsel vm1, $0x1, v1;
	v29 =	vadd.s32 v30, v29  }
0x8c: {  	v28 =	vadd.s32 v31, v28;
	(xrf0) =	vadd.scan.msk.s32 $0xffff, v29  }
0x8d: {  	(xrf0) =	vadd.scan.msk.s32 $0xffff, v28;
	_ =	sdelay $0x4  }
0x8e: {  	v28, _, _ =	vpop (xrf0)  }
0x8f: {  	(v2sf) =	vpush v28, $0xF;
	v28, _, _ =	vpop (xrf0)  }
0x90: {  	(v2sf) =	vpush v28, $0xF;
	_ =	sdelay $0x2  }
0x91: {  	s18 =	simm.s32 $0x0  }
0x92: {  	v29 =	vld [tilespmem:s18+$0x18700];
	_ =	sdelay $0x4  }
0x93: {  	vm13 =	veq.f32 v29, v26  }
0x94: {  	v28 =	vsel vm13, $0x1, v1  }
0x95: {  	(xrf0) =	vadd.scan.msk.s32 $0xffff, v28;
	_ =	sdelay $0x2  }
0x96: {  	s16 =	spop (v2sf)  }
0x97: {  	s19 =	spop (v2sf)  }
0x98: {  	s16 =	sadd.s32 s16, s19  }
0x99: {  	v30, _, _ =	vpop (xrf0);
	s19 =	sadd.s32 $0xFFFFFFC0, s16;
	s16 =	simm.s32 $0x0  }
0x9a: {  	(v2sf) =	vpush v30, $0xF;
	v28 =	vmov s19;
	v31 =	vadd.s32 s16, v30  }
0x9b: {  	vm14 =	vgt.s32 v31, v28  }
0x9c: {  	vm15 =	vgt.f32 v29, v26;
	vm0 =	vmand vm13, vm14  }
0x9d: {  	v32 =	vld [tilespmem:s18+$0x18880];
	vm0 =	vmor vm15, vm0  }
0x9e: {  	[tilespmem:s16+$0x18700] =	vst.msk vm0, v29;
	v29 =	vsel vm0, $0x1, v1  }
0x9f: {  	(xrf0) =	vadd.scan.msk.s32 $0xffff, v29;
	_ =	sdelay $0x2  }
0xa0: {  	s20 =	simm.s32 $0x80;
	s18 =	simm.s32 $0x0;
	s19 =	simm.s32 $0x10;
	[tilespmem:s16+$0x18880] =	vst.msk vm0, v32  }
.LBB2_12:
0xa1: {  	p0 =	sne.s32 s20, $0x480;
	v29 =	vld [tilespmem:s19+$0x18700];
	_ =	sdelay $0x1  }
0xa2: {  	v30, _, _ =	vpop (xrf0)  }
0xa3: {  	(v2sf) =	vpush v30, $0xF;
	_ =	sdelay $0x1  }
0xa4: {  	vm0 =	vgt.f32 v29, v26;
	vm1 =	veq.f32 v29, v26  }
0xa5: {  	v30 =	vsel vm1, $0x1, v1;
	s21 =	spop (v2sf)  }
0xa6: {  	(xrf0) =	vadd.scan.msk.s32 $0xffff, v30;
	s16 =	sadd.s32 s16, s21;
	_ =	sdelay $0x5  }
0xa7: {  	v30, _, _ =	vpop (xrf0)  }
0xa8: {  	v31 =	vadd.s32 s16, v30;
	(v2sf) =	vpush v30, $0xF  }
0xa9: {  	vm2 =	vgt.s32 v31, v28  }
0xaa: {  	v30 =	vld [tilespmem:s19+$0x18880];
	vm1 =	vmand vm1, vm2  }
0xab: {  	vm0 =	vmor vm0, vm1  }
.Ltmp7:
0xac: {  	v31 =	vsel vm0, $0x1, v1;
	s19 =	spop (v2sf);
	(pc) =	sbr.rel @p0 .LBB2_12-.Ltmp7, $4  }
0xad: {  	(xrf0) =	vadd.scan.msk.s32 $0xffff, v31;
	s18 =	sadd.s32 s18, s19  }
0xae: {  	[tilespmem:s18+$0x18700] =	vst.msk vm0, v29  }
0xaf: {  	[tilespmem:s18+$0x18880] =	vst.msk vm0, v30  }
0xb0: {  	s19 =	sshra.s32 s20, $0x2;
	s20 =	sadd.s32 $0x40, s20  }
0xb1: {  	v29 =	vld [tilespmem:s19+$0x18700];
	_ =	sdelay $0x4  }
0xb2: {  	vm0 =	veq.f32 v29, v26  }
0xb3: {  	v30 =	vsel vm0, $0x1, v1  }
0xb4: {  	v31, _, _ =	vpop (xrf0);
	(xrf0) =	vadd.scan.msk.s32 $0xffff, v30  }
0xb5: {  	(v2sf) =	vpush v31, $0xF;
	_ =	sdelay $0x3  }
0xb6: {  	s20 =	spop (v2sf)  }
0xb7: {  	s16 =	sadd.s32 s16, s20;
	v30, _, _ =	vpop (xrf0)  }
0xb8: {  	v63 =	vadd.s32 s16, v30  }
0xb9: {  	vm1 =	vgt.s32 v63, v28  }
0xba: {  	vm2 =	vgt.f32 v29, v26;
	vm0 =	vmand vm0, vm1  }
0xbb: {  	vm0 =	vmor vm2, vm0  }
0xbc: {  	v28 =	vsel vm0, $0x1, v1  }
0xbd: {  	(xrf0) =	vadd.scan.msk.s32 $0xffff, v28;
	_ =	sdelay $0x1  }
0xbe: {  	v28 =	vld [tilespmem:s19+$0x18880];
	_ =	sdelay $0x1  }
0xbf: {  	s29 =	spop (v2sf)  }
0xc0: {  	s16 =	sadd.s32 s18, s29  }
0xc1: {  	(v2sf) =	vpush v30, $0xF;
	[tilespmem:s16+$0x18700] =	vst.msk vm0, v29;
	v29, _, _ =	vpop (xrf0)  }
0xc2: {  	[tilespmem:s16+$0x18880] =	vst.msk vm0, v28;
	(v2sf) =	vpush v29, $0xF  }
0xc3: {  	[tilespmem:$0x18740] =	vst v2  }
0xc4: {  	[tilespmem:$0x18750] =	vst v2  }
0xc5: {  	[tilespmem:$0x18760] =	vst v2  }
0xc6: {  	[tilespmem:$0x18770] =	vst v2  }
0xc7: {  	[tilespmem:$0x18780] =	vst v2  }
0xc8: {  	[tilespmem:$0x18790] =	vst v2  }
0xc9: {  	[tilespmem:$0x187A0] =	vst v2  }
0xca: {  	[tilespmem:$0x187B0] =	vst v2  }
0xcb: {  	[tilespmem:$0x187C0] =	vst v2  }
0xcc: {  	[tilespmem:$0x187D0] =	vst v2  }
.Ltmp8:
0xcd: {  	[tilespmem:$0x187E0] =	vst v2;
	(pc) =	sbr.rel .LBB2_14-.Ltmp8, $4  }
0xce: {  	[tilespmem:$0x187F0] =	vst v2  }
0xcf: {  	[tilespmem:$0x18800] =	vst v2  }
0xd0: {  	[tilespmem:$0x18810] =	vst v2;
	s30 =	spop (v2sf)  }
0xd1: {  	[tilespmem:$0x18820] =	vst v2;
	s31 =	spop (v2sf)  }
.LBB2_68:
0xd2: {  	s16 =	smov.u32 @p0 s17  }
0xd3: {  	v26 =	vpsel p0, v26, v26;
	s17 =	smov.u32 s16  }
.LBB2_14:
0xd4: {  	vm0 =	vge.f32 v27, v26  }
0xd5: {  	v27 =	vsel vm0, $0x3F800000, v0  }
0xd6: {  	(xrf0) =	vmax.scan.msk.f32 $0xffff, v27;
	_ =	sdelay $0x5  }
0xd7: {  	v27, _, _ =	vpop (xrf0)  }
0xd8: {  	(v2sf) =	vpush v27, $0xF;
	_ =	sdelay $0xe  }
0xd9: {  	s16 =	spop (v2sf)  }
0xda: {  	p0 =	sgt.f32 s16, $0.0e+00;
	_ =	sdelay $0x1  }
0xdb: {  	s16 =	sadd.s32 $0x50, s15;
	s18 =	sshll.u32 @p0 s17, $0x4;
	v27 =	vlaneseq.u32 @p0  }
0xdc: {  	[tilespmem:s18+$0x18740] =	vst @p0 v25;
	v25 =	vor.u32 @p0 s16, v27;
	s16 =	sadd.s32 $0x60, s15  }
0xdd: {  	[tilespmem:s18+$0x18750] =	vst @p0 v24;
	v24 =	vor.u32 @p0 s16, v27;
	s16 =	sadd.s32 $0x70, s15  }
0xde: {  	[tilespmem:s18+$0x18760] =	vst @p0 v23;
	v23 =	vor.u32 @p0 s16, v27;
	s16 =	sadd.s32 $0x80, s15  }
0xdf: {  	[tilespmem:s18+$0x18770] =	vst @p0 v22;
	v22 =	vor.u32 @p0 s16, v27;
	s16 =	sadd.s32 @p0 $0x5, s17  }
0xe0: {  	p1 =	slt.s32 @p0 s16, $0xF  }
0xe1: {  	s19 =	sadd.s32 $0x90, s15;
	[tilespmem:s18+$0x18780] =	vst @p0 v21;
	p1 =	por !p0, p1  }
.Ltmp9:
0xe2: {  	v21 =	vor.u32 @p0 s19, v27;
	[tilespmem:s18+$0x188C0] =	vst @p0 v25;
	(pc) =	sbr.rel @p1 .LBB2_69-.Ltmp9, $4  }
0xe3: {  	[tilespmem:s18+$0x18900] =	vst @p0 v21  }
0xe4: {  	[tilespmem:s18+$0x188D0] =	vst @p0 v24  }
0xe5: {  	[tilespmem:s18+$0x188E0] =	vst @p0 v23  }
0xe6: {  	[tilespmem:s18+$0x188F0] =	vst @p0 v22  }
0xe7: {  	p1 =	sgt.s32 @p0 s16, $0xE  }
0xe8: {  	s18 =	simm.s32 @p0 $0x0;
	p1 =	por !p1, !p0  }
0xe9: {  	s19 =	simm.f32 @p0 $+Inf;
	s17 =	simm.f32 @p0 $-Inf;
	s16 =	simm.s32 @!p1 $0x0  }
.LBB2_16:
0xea: {  	s20 =	simm.s32 $0x0  }
0xeb: {  	v23 =	vmov s19;
	v22 =	vimm.f32 $-Inf;
	v21 =	vimm.s32 $0x0;
	s19 =	simm.s32 $0x40;
	v24 =	vld [tilespmem:s20+$0x18700]  }
.LBB2_17:
0xec: {  	_ = 	snop  }
0xed: {  	p0 =	sne.s32 s19, $0x480  }
.Ltmp10:
0xee: {  	_ = 	snop;
	(pc) =	sbr.rel @p0 .LBB2_17-.Ltmp10, $4  }
0xef: {  	_ = 	snop  }
0xf0: {  	s20 =	smov.u32 s19;
	vm0 =	vge.f32 v24, v23;
	v25 =	vmax.f32 v22, v24  }
0xf1: {  	s20 =	sshra.s32 s20, $0x2;
	v22 =	vsel vm0, v22, v25;
	v25 =	vsel vm0, $0x1, v1  }
0xf2: {  	s19 =	sadd.s32 $0x40, s19;
	v24 =	vld [tilespmem:s20+$0x18700];
	v21 =	vadd.s32 v25, v21  }
0xf3: {  	_ =	sdelay $0x3  }
0xf4: {  	vm0 =	vge.f32 v24, v23;
	v23 =	vmax.f32 v22, v24  }
0xf5: {  	v22 =	vsel vm0, v22, v23;
	v23 =	vsel vm0, $0x1, v1  }
0xf6: {  	v21 =	vadd.s32 v23, v21;
	(xrf0) =	vmax.scan.msk.f32 $0xffff, v22  }
0xf7: {  	(xrf0) =	vadd.scan.msk.s32 $0xffff, v21;
	_ =	sdelay $0x4  }
0xf8: {  	v21, _, _ =	vpop (xrf0)  }
0xf9: {  	(v2sf) =	vpush v21, $0xF;
	v21, _, _ =	vpop (xrf0)  }
0xfa: {  	(v2sf) =	vpush v21, $0xF;
	_ =	sdelay $0xa  }
0xfb: {  	s18 =	sadd.s32 $0x1, s18  }
0xfc: {  	p1 =	sne.s32 s18, $0x40  }
.Ltmp11:
0xfd: {  	_ = 	snop;
	(pc) =	sbr.rel @p1 .LBB2_16-.Ltmp11, $4  }
0xfe: {  	s19 =	spop (v2sf)  }
0xff: {  	s20 =	spop (v2sf)  }
0x100: {  	p0 =	slt.s32 s20, $0x40  }
0x101: {  	s17 =	smov.u32 @p0 s19  }
0x102: {  	s18 =	simm.s32 $0x0  }
0x103: {  	v24 =	vld [tilespmem:s18+$0x18700]  }
0x104: {  	v21 =	vmov s17;
	v22 =	vimm.s32 $0x0;
	s17 =	simm.s32 $0x40;
	v23 =	vimm.s32 $0x0  }
.LBB2_20:
0x105: {  	p0 =	sne.s32 s17, $0x480  }
.Ltmp12:
0x106: {  	_ = 	snop;
	(pc) =	sbr.rel @p0 .LBB2_20-.Ltmp12, $4  }
0x107: {  	_ = 	snop  }
0x108: {  	s18 =	sshra.s32 s17, $0x2;
	s17 =	sadd.s32 $0x40, s17;
	vm0 =	vgt.f32 v24, v21;
	vm1 =	veq.f32 v24, v21  }
0x109: {  	v24 =	vld [tilespmem:s18+$0x18700];
	v25 =	vsel vm0, $0x1, v1;
	v26 =	vsel vm1, $0x1, v1  }
0x10a: {  	v22 =	vadd.s32 v25, v22;
	v23 =	vadd.s32 v26, v23  }
0x10b: {  	_ =	sdelay $0x2  }
0x10c: {  	vm0 =	veq.f32 v24, v21  }
0x10d: {  	vm1 =	vgt.f32 v24, v21;
	v61 =	vsel vm0, $0x1, v1  }
0x10e: {  	v25 =	vsel vm1, $0x1, v1;
	v23 =	vadd.s32 v61, v23  }
0x10f: {  	v22 =	vadd.s32 v25, v22;
	(xrf0) =	vadd.scan.msk.s32 $0xffff, v23  }
0x110: {  	(xrf0) =	vadd.scan.msk.s32 $0xffff, v22;
	_ =	sdelay $0x4  }
0x111: {  	v22, _, _ =	vpop (xrf0)  }
0x112: {  	(v2sf) =	vpush v22, $0xF;
	v22, _, _ =	vpop (xrf0)  }
0x113: {  	(v2sf) =	vpush v22, $0xF;
	_ =	sdelay $0x2  }
0x114: {  	s18 =	simm.s32 $0x0  }
0x115: {  	v23 =	vld [tilespmem:s18+$0x18700];
	_ =	sdelay $0x4  }
0x116: {  	vm13 =	veq.f32 v23, v21  }
0x117: {  	v22 =	vsel vm13, $0x1, v1  }
0x118: {  	(xrf0) =	vadd.scan.msk.s32 $0xffff, v22;
	_ =	sdelay $0x2  }
0x119: {  	s17 =	spop (v2sf)  }
0x11a: {  	s19 =	spop (v2sf)  }
0x11b: {  	s17 =	sadd.s32 s17, s19  }
0x11c: {  	v62, _, _ =	vpop (xrf0);
	s19 =	sadd.s32 $0xFFFFFFC0, s17;
	s17 =	simm.s32 $0x0  }
0x11d: {  	(v2sf) =	vpush v62, $0xF;
	v22 =	vmov s19;
	v63 =	vadd.s32 s17, v62  }
0x11e: {  	vm14 =	vgt.s32 v63, v22  }
0x11f: {  	vm15 =	vgt.f32 v23, v21;
	vm0 =	vmand vm13, vm14  }
0x120: {  	v26 =	vld [tilespmem:s18+$0x18880];
	vm0 =	vmor vm15, vm0  }
0x121: {  	[tilespmem:s17+$0x18700] =	vst.msk vm0, v23;
	v23 =	vsel vm0, $0x1, v1  }
0x122: {  	(xrf0) =	vadd.scan.msk.s32 $0xffff, v23;
	_ =	sdelay $0x2  }
0x123: {  	s20 =	simm.s32 $0x80;
	s18 =	simm.s32 $0x0;
	s19 =	simm.s32 $0x10;
	[tilespmem:s17+$0x18880] =	vst.msk vm0, v26  }
.LBB2_22:
0x124: {  	p0 =	sne.s32 s20, $0x480;
	v23 =	vld [tilespmem:s19+$0x18700];
	_ =	sdelay $0x1  }
0x125: {  	v24, _, _ =	vpop (xrf0)  }
0x126: {  	(v2sf) =	vpush v24, $0xF;
	_ =	sdelay $0x1  }
0x127: {  	vm0 =	vgt.f32 v23, v21;
	vm1 =	veq.f32 v23, v21  }
0x128: {  	v24 =	vsel vm1, $0x1, v1;
	s21 =	spop (v2sf)  }
0x129: {  	(xrf0) =	vadd.scan.msk.s32 $0xffff, v24;
	s17 =	sadd.s32 s17, s21;
	_ =	sdelay $0x5  }
0x12a: {  	v24, _, _ =	vpop (xrf0)  }
0x12b: {  	v25 =	vadd.s32 s17, v24;
	(v2sf) =	vpush v24, $0xF  }
0x12c: {  	vm2 =	vgt.s32 v25, v22  }
0x12d: {  	v24 =	vld [tilespmem:s19+$0x18880];
	vm1 =	vmand vm1, vm2  }
0x12e: {  	vm0 =	vmor vm0, vm1  }
.Ltmp13:
0x12f: {  	v25 =	vsel vm0, $0x1, v1;
	s19 =	spop (v2sf);
	(pc) =	sbr.rel @p0 .LBB2_22-.Ltmp13, $4  }
0x130: {  	(xrf0) =	vadd.scan.msk.s32 $0xffff, v25;
	s18 =	sadd.s32 s18, s19  }
0x131: {  	[tilespmem:s18+$0x18700] =	vst.msk vm0, v23  }
0x132: {  	[tilespmem:s18+$0x18880] =	vst.msk vm0, v24  }
0x133: {  	s19 =	sshra.s32 s20, $0x2;
	s20 =	sadd.s32 $0x40, s20  }
0x134: {  	v23 =	vld [tilespmem:s19+$0x18700];
	_ =	sdelay $0x4  }
0x135: {  	vm0 =	veq.f32 v23, v21  }
0x136: {  	v24 =	vsel vm0, $0x1, v1  }
0x137: {  	v25, _, _ =	vpop (xrf0);
	(xrf0) =	vadd.scan.msk.s32 $0xffff, v24  }
0x138: {  	(v2sf) =	vpush v25, $0xF;
	_ =	sdelay $0x3  }
0x139: {  	s20 =	spop (v2sf)  }
0x13a: {  	s17 =	sadd.s32 s17, s20;
	v24, _, _ =	vpop (xrf0)  }
0x13b: {  	v63 =	vadd.s32 s17, v24  }
0x13c: {  	vm1 =	vgt.s32 v63, v22  }
0x13d: {  	vm2 =	vgt.f32 v23, v21;
	vm0 =	vmand vm0, vm1  }
0x13e: {  	vm0 =	vmor vm2, vm0  }
0x13f: {  	v22 =	vsel vm0, $0x1, v1  }
0x140: {  	(xrf0) =	vadd.scan.msk.s32 $0xffff, v22;
	_ =	sdelay $0x1  }
0x141: {  	v22 =	vld [tilespmem:s19+$0x18880];
	_ =	sdelay $0x1  }
0x142: {  	s29 =	spop (v2sf)  }
0x143: {  	s17 =	sadd.s32 s18, s29  }
0x144: {  	(v2sf) =	vpush v24, $0xF;
	[tilespmem:s17+$0x18700] =	vst.msk vm0, v23;
	v23, _, _ =	vpop (xrf0)  }
0x145: {  	[tilespmem:s17+$0x18880] =	vst.msk vm0, v22;
	(v2sf) =	vpush v23, $0xF  }
0x146: {  	[tilespmem:$0x18740] =	vst v2  }
0x147: {  	[tilespmem:$0x18750] =	vst v2  }
0x148: {  	[tilespmem:$0x18760] =	vst v2  }
0x149: {  	[tilespmem:$0x18770] =	vst v2  }
0x14a: {  	[tilespmem:$0x18780] =	vst v2  }
0x14b: {  	[tilespmem:$0x18790] =	vst v2  }
0x14c: {  	[tilespmem:$0x187A0] =	vst v2  }
0x14d: {  	[tilespmem:$0x187B0] =	vst v2  }
0x14e: {  	[tilespmem:$0x187C0] =	vst v2  }
0x14f: {  	[tilespmem:$0x187D0] =	vst v2  }
.Ltmp14:
0x150: {  	[tilespmem:$0x187E0] =	vst v2;
	(pc) =	sbr.rel .LBB2_24-.Ltmp14, $4  }
0x151: {  	[tilespmem:$0x187F0] =	vst v2  }
0x152: {  	[tilespmem:$0x18800] =	vst v2  }
0x153: {  	[tilespmem:$0x18810] =	vst v2;
	s30 =	spop (v2sf)  }
0x154: {  	[tilespmem:$0x18820] =	vst v2;
	s31 =	spop (v2sf)  }
.LBB2_69:
0x155: {  	s17 =	smov.u32 @p0 s16  }
0x156: {  	v21 =	vpsel p0, v26, v26;
	s16 =	smov.u32 s17  }
.LBB2_24:
0x157: {  	vm0 =	vge.f32 v20, v21  }
0x158: {  	v20 =	vsel vm0, $0x3F800000, v0  }
0x159: {  	(xrf0) =	vmax.scan.msk.f32 $0xffff, v20;
	_ =	sdelay $0x5  }
0x15a: {  	v20, _, _ =	vpop (xrf0)  }
0x15b: {  	(v2sf) =	vpush v20, $0xF;
	_ =	sdelay $0xe  }
0x15c: {  	s17 =	spop (v2sf)  }
0x15d: {  	p0 =	sgt.f32 s17, $0.0e+00;
	_ =	sdelay $0x1  }
0x15e: {  	s17 =	sadd.s32 $0xA0, s15;
	s18 =	sshll.u32 @p0 s16, $0x4;
	v20 =	vlaneseq.u32 @p0  }
0x15f: {  	[tilespmem:s18+$0x18740] =	vst @p0 v19;
	v19 =	vor.u32 @p0 s17, v20;
	s17 =	sadd.s32 $0xB0, s15  }
0x160: {  	[tilespmem:s18+$0x18750] =	vst @p0 v18;
	v18 =	vor.u32 @p0 s17, v20;
	s17 =	sadd.s32 $0xC0, s15  }
0x161: {  	[tilespmem:s18+$0x18760] =	vst @p0 v17;
	v17 =	vor.u32 @p0 s17, v20;
	s17 =	sadd.s32 $0xD0, s15  }
0x162: {  	[tilespmem:s18+$0x18770] =	vst @p0 v16;
	v16 =	vor.u32 @p0 s17, v20;
	s17 =	sadd.s32 @p0 $0x5, s16  }
0x163: {  	p1 =	slt.s32 @p0 s17, $0xF  }
0x164: {  	s19 =	sadd.s32 $0xE0, s15;
	[tilespmem:s18+$0x18780] =	vst @p0 v15;
	p1 =	por !p0, p1  }
.Ltmp15:
0x165: {  	v15 =	vor.u32 @p0 s19, v20;
	[tilespmem:s18+$0x188C0] =	vst @p0 v19;
	(pc) =	sbr.rel @p1 .LBB2_70-.Ltmp15, $4  }
0x166: {  	[tilespmem:s18+$0x18900] =	vst @p0 v15  }
0x167: {  	[tilespmem:s18+$0x188D0] =	vst @p0 v18  }
0x168: {  	[tilespmem:s18+$0x188E0] =	vst @p0 v17  }
0x169: {  	[tilespmem:s18+$0x188F0] =	vst @p0 v16  }
0x16a: {  	p1 =	sgt.s32 @p0 s17, $0xE  }
0x16b: {  	s18 =	simm.s32 @p0 $0x0;
	p1 =	por !p1, !p0  }
0x16c: {  	s19 =	simm.f32 @p0 $+Inf;
	s16 =	simm.f32 @p0 $-Inf;
	s17 =	simm.s32 @!p1 $0x0  }
.LBB2_26:
0x16d: {  	s20 =	simm.s32 $0x0  }
0x16e: {  	v17 =	vmov s19;
	v16 =	vimm.f32 $-Inf;
	v15 =	vimm.s32 $0x0;
	s19 =	simm.s32 $0x40;
	v18 =	vld [tilespmem:s20+$0x18700]  }
.LBB2_27:
0x16f: {  	_ = 	snop  }
0x170: {  	p0 =	sne.s32 s19, $0x480  }
.Ltmp16:
0x171: {  	_ = 	snop;
	(pc) =	sbr.rel @p0 .LBB2_27-.Ltmp16, $4  }
0x172: {  	_ = 	snop  }
0x173: {  	s20 =	smov.u32 s19;
	vm0 =	vge.f32 v18, v17;
	v19 =	vmax.f32 v16, v18  }
0x174: {  	s20 =	sshra.s32 s20, $0x2;
	v16 =	vsel vm0, v16, v19;
	v19 =	vsel vm0, $0x1, v1  }
0x175: {  	s19 =	sadd.s32 $0x40, s19;
	v18 =	vld [tilespmem:s20+$0x18700];
	v15 =	vadd.s32 v19, v15  }
0x176: {  	_ =	sdelay $0x3  }
0x177: {  	vm0 =	vge.f32 v18, v17;
	v62 =	vmax.f32 v16, v18  }
0x178: {  	v16 =	vsel vm0, v16, v62;
	v63 =	vsel vm0, $0x1, v1  }
0x179: {  	v15 =	vadd.s32 v63, v15;
	(xrf0) =	vmax.scan.msk.f32 $0xffff, v16  }
0x17a: {  	(xrf0) =	vadd.scan.msk.s32 $0xffff, v15;
	_ =	sdelay $0x4  }
0x17b: {  	v15, _, _ =	vpop (xrf0)  }
0x17c: {  	(v2sf) =	vpush v15, $0xF;
	v15, _, _ =	vpop (xrf0)  }
0x17d: {  	(v2sf) =	vpush v15, $0xF;
	_ =	sdelay $0xa  }
0x17e: {  	s18 =	sadd.s32 $0x1, s18  }
0x17f: {  	p1 =	sne.s32 s18, $0x40  }
.Ltmp17:
0x180: {  	_ = 	snop;
	(pc) =	sbr.rel @p1 .LBB2_26-.Ltmp17, $4  }
0x181: {  	s19 =	spop (v2sf)  }
0x182: {  	s20 =	spop (v2sf)  }
0x183: {  	p0 =	slt.s32 s20, $0x40  }
0x184: {  	s16 =	smov.u32 @p0 s19  }
0x185: {  	s18 =	simm.s32 $0x0  }
0x186: {  	v18 =	vld [tilespmem:s18+$0x18700]  }
0x187: {  	v15 =	vmov s16;
	v16 =	vimm.s32 $0x0;
	s16 =	simm.s32 $0x40;
	v17 =	vimm.s32 $0x0  }
.LBB2_30:
0x188: {  	p0 =	sne.s32 s16, $0x480  }
.Ltmp18:
0x189: {  	_ = 	snop;
	(pc) =	sbr.rel @p0 .LBB2_30-.Ltmp18, $4  }
0x18a: {  	_ = 	snop  }
0x18b: {  	s18 =	sshra.s32 s16, $0x2;
	s16 =	sadd.s32 $0x40, s16;
	vm0 =	vgt.f32 v18, v15;
	vm1 =	veq.f32 v18, v15  }
0x18c: {  	v18 =	vld [tilespmem:s18+$0x18700];
	v19 =	vsel vm0, $0x1, v1;
	v20 =	vsel vm1, $0x1, v1  }
0x18d: {  	v16 =	vadd.s32 v19, v16;
	v17 =	vadd.s32 v20, v17  }
0x18e: {  	_ =	sdelay $0x2  }
0x18f: {  	vm0 =	veq.f32 v18, v15  }
0x190: {  	vm1 =	vgt.f32 v18, v15;
	v18 =	vsel vm0, $0x1, v1  }
0x191: {  	v19 =	vsel vm1, $0x1, v1;
	v17 =	vadd.s32 v18, v17  }
0x192: {  	v16 =	vadd.s32 v19, v16;
	(xrf0) =	vadd.scan.msk.s32 $0xffff, v17  }
0x193: {  	(xrf0) =	vadd.scan.msk.s32 $0xffff, v16;
	_ =	sdelay $0x4  }
0x194: {  	v16, _, _ =	vpop (xrf0)  }
0x195: {  	(v2sf) =	vpush v16, $0xF;
	v16, _, _ =	vpop (xrf0)  }
0x196: {  	(v2sf) =	vpush v16, $0xF;
	_ =	sdelay $0x2  }
0x197: {  	s18 =	simm.s32 $0x0  }
0x198: {  	v17 =	vld [tilespmem:s18+$0x18700];
	_ =	sdelay $0x4  }
0x199: {  	vm13 =	veq.f32 v17, v15  }
0x19a: {  	v16 =	vsel vm13, $0x1, v1  }
0x19b: {  	(xrf0) =	vadd.scan.msk.s32 $0xffff, v16;
	_ =	sdelay $0x2  }
0x19c: {  	s16 =	spop (v2sf)  }
0x19d: {  	s19 =	spop (v2sf)  }
0x19e: {  	s16 =	sadd.s32 s16, s19  }
0x19f: {  	v18, _, _ =	vpop (xrf0);
	s19 =	sadd.s32 $0xFFFFFFC0, s16;
	s16 =	simm.s32 $0x0  }
0x1a0: {  	(v2sf) =	vpush v18, $0xF;
	v16 =	vmov s19;
	v19 =	vadd.s32 s16, v18  }
0x1a1: {  	vm14 =	vgt.s32 v19, v16  }
0x1a2: {  	vm15 =	vgt.f32 v17, v15;
	vm0 =	vmand vm13, vm14  }
0x1a3: {  	v20 =	vld [tilespmem:s18+$0x18880];
	vm0 =	vmor vm15, vm0  }
0x1a4: {  	[tilespmem:s16+$0x18700] =	vst.msk vm0, v17;
	v17 =	vsel vm0, $0x1, v1  }
0x1a5: {  	(xrf0) =	vadd.scan.msk.s32 $0xffff, v17;
	_ =	sdelay $0x2  }
0x1a6: {  	s20 =	simm.s32 $0x80;
	s18 =	simm.s32 $0x0;
	s19 =	simm.s32 $0x10;
	[tilespmem:s16+$0x18880] =	vst.msk vm0, v20  }
.LBB2_32:
0x1a7: {  	p0 =	sne.s32 s20, $0x480;
	v17 =	vld [tilespmem:s19+$0x18700];
	_ =	sdelay $0x1  }
0x1a8: {  	v18, _, _ =	vpop (xrf0)  }
0x1a9: {  	(v2sf) =	vpush v18, $0xF;
	_ =	sdelay $0x1  }
0x1aa: {  	vm0 =	vgt.f32 v17, v15;
	vm1 =	veq.f32 v17, v15  }
0x1ab: {  	v18 =	vsel vm1, $0x1, v1;
	s21 =	spop (v2sf)  }
0x1ac: {  	(xrf0) =	vadd.scan.msk.s32 $0xffff, v18;
	s16 =	sadd.s32 s16, s21;
	_ =	sdelay $0x5  }
0x1ad: {  	v18, _, _ =	vpop (xrf0)  }
0x1ae: {  	v19 =	vadd.s32 s16, v18;
	(v2sf) =	vpush v18, $0xF  }
0x1af: {  	vm2 =	vgt.s32 v19, v16  }
0x1b0: {  	v18 =	vld [tilespmem:s19+$0x18880];
	vm1 =	vmand vm1, vm2  }
0x1b1: {  	vm0 =	vmor vm0, vm1  }
.Ltmp19:
0x1b2: {  	v19 =	vsel vm0, $0x1, v1;
	s19 =	spop (v2sf);
	(pc) =	sbr.rel @p0 .LBB2_32-.Ltmp19, $4  }
0x1b3: {  	(xrf0) =	vadd.scan.msk.s32 $0xffff, v19;
	s18 =	sadd.s32 s18, s19  }
0x1b4: {  	[tilespmem:s18+$0x18700] =	vst.msk vm0, v17  }
0x1b5: {  	[tilespmem:s18+$0x18880] =	vst.msk vm0, v18  }
0x1b6: {  	s19 =	sshra.s32 s20, $0x2;
	s20 =	sadd.s32 $0x40, s20  }
0x1b7: {  	v17 =	vld [tilespmem:s19+$0x18700];
	_ =	sdelay $0x4  }
0x1b8: {  	vm0 =	veq.f32 v17, v15  }
0x1b9: {  	v18 =	vsel vm0, $0x1, v1  }
0x1ba: {  	v19, _, _ =	vpop (xrf0);
	(xrf0) =	vadd.scan.msk.s32 $0xffff, v18  }
0x1bb: {  	(v2sf) =	vpush v19, $0xF;
	_ =	sdelay $0x3  }
0x1bc: {  	s20 =	spop (v2sf)  }
0x1bd: {  	s16 =	sadd.s32 s16, s20;
	v18, _, _ =	vpop (xrf0)  }
0x1be: {  	v63 =	vadd.s32 s16, v18  }
0x1bf: {  	vm1 =	vgt.s32 v63, v16  }
0x1c0: {  	vm2 =	vgt.f32 v17, v15;
	vm0 =	vmand vm0, vm1  }
0x1c1: {  	vm0 =	vmor vm2, vm0  }
0x1c2: {  	v16 =	vsel vm0, $0x1, v1  }
0x1c3: {  	(xrf0) =	vadd.scan.msk.s32 $0xffff, v16;
	_ =	sdelay $0x1  }
0x1c4: {  	v16 =	vld [tilespmem:s19+$0x18880];
	_ =	sdelay $0x1  }
0x1c5: {  	s29 =	spop (v2sf)  }
0x1c6: {  	s16 =	sadd.s32 s18, s29  }
0x1c7: {  	(v2sf) =	vpush v18, $0xF;
	[tilespmem:s16+$0x18700] =	vst.msk vm0, v17;
	v17, _, _ =	vpop (xrf0)  }
0x1c8: {  	[tilespmem:s16+$0x18880] =	vst.msk vm0, v16;
	(v2sf) =	vpush v17, $0xF  }
0x1c9: {  	[tilespmem:$0x18740] =	vst v2  }
0x1ca: {  	[tilespmem:$0x18750] =	vst v2  }
0x1cb: {  	[tilespmem:$0x18760] =	vst v2  }
0x1cc: {  	[tilespmem:$0x18770] =	vst v2  }
0x1cd: {  	[tilespmem:$0x18780] =	vst v2  }
0x1ce: {  	[tilespmem:$0x18790] =	vst v2  }
0x1cf: {  	[tilespmem:$0x187A0] =	vst v2  }
0x1d0: {  	[tilespmem:$0x187B0] =	vst v2  }
0x1d1: {  	[tilespmem:$0x187C0] =	vst v2  }
0x1d2: {  	[tilespmem:$0x187D0] =	vst v2  }
.Ltmp20:
0x1d3: {  	[tilespmem:$0x187E0] =	vst v2;
	(pc) =	sbr.rel .LBB2_34-.Ltmp20, $4  }
0x1d4: {  	[tilespmem:$0x187F0] =	vst v2  }
0x1d5: {  	[tilespmem:$0x18800] =	vst v2  }
0x1d6: {  	[tilespmem:$0x18810] =	vst v2;
	s30 =	spop (v2sf)  }
0x1d7: {  	[tilespmem:$0x18820] =	vst v2;
	s31 =	spop (v2sf)  }
.LBB2_70:
0x1d8: {  	s16 =	smov.u32 @p0 s17  }
0x1d9: {  	v15 =	vpsel p0, v21, v21;
	s17 =	smov.u32 s16  }
.LBB2_34:
0x1da: {  	vm0 =	vge.f32 v14, v15  }
0x1db: {  	v14 =	vsel vm0, $0x3F800000, v0  }
0x1dc: {  	(xrf0) =	vmax.scan.msk.f32 $0xffff, v14;
	_ =	sdelay $0x5  }
0x1dd: {  	v14, _, _ =	vpop (xrf0)  }
0x1de: {  	(v2sf) =	vpush v14, $0xF;
	_ =	sdelay $0xe  }
0x1df: {  	s16 =	spop (v2sf)  }
0x1e0: {  	p0 =	sgt.f32 s16, $0.0e+00;
	_ =	sdelay $0x1  }
0x1e1: {  	s19 =	sshll.u32 @p0 s17, $0x4  }
0x1e2: {  	[tilespmem:s19+$0x18740] =	vst @p0 v13  }
0x1e3: {  	[tilespmem:s19+$0x18750] =	vst @p0 v12  }
0x1e4: {  	s18 =	sadd.s32 @p0 $0x5, s17;
	[tilespmem:s19+$0x18760] =	vst @p0 v11  }
0x1e5: {  	s16 =	sadd.s32 $0xF0, s15;
	v14 =	vlaneseq.u32 @p0;
	[tilespmem:s19+$0x18770] =	vst @p0 v10;
	p1 =	slt.s32 @p0 s18, $0xF  }
0x1e6: {  	v13 =	vor.u32 @p0 s16, v14;
	s16 =	sadd.s32 $0x100, s15;
	[tilespmem:s19+$0x18780] =	vst @p0 v9;
	p1 =	por !p0, p1  }
.Ltmp21:
0x1e7: {  	[tilespmem:s19+$0x188C0] =	vst @p0 v13;
	v12 =	vor.u32 @p0 s16, v14;
	s16 =	sadd.s32 $0x110, s15;
	(pc) =	sbr.rel @p1 .LBB2_71-.Ltmp21, $4  }
0x1e8: {  	[tilespmem:s19+$0x188D0] =	vst @p0 v12;
	v11 =	vor.u32 @p0 s16, v14;
	s16 =	sadd.s32 $0x120, s15  }
0x1e9: {  	[tilespmem:s19+$0x188E0] =	vst @p0 v11;
	v10 =	vor.u32 @p0 s16, v14;
	s16 =	sadd.s32 $0x130, s15  }
0x1ea: {  	[tilespmem:s19+$0x188F0] =	vst @p0 v10;
	v9 =	vor.u32 @p0 s16, v14  }
0x1eb: {  	[tilespmem:s19+$0x18900] =	vst @p0 v9  }
0x1ec: {  	p1 =	sgt.s32 @p0 s18, $0xE  }
0x1ed: {  	s17 =	simm.s32 @p0 $0x0;
	p1 =	por !p1, !p0  }
0x1ee: {  	s19 =	simm.f32 @p0 $+Inf;
	s16 =	simm.f32 @p0 $-Inf;
	s18 =	simm.s32 @!p1 $0x0  }
.LBB2_36:
0x1ef: {  	s20 =	simm.s32 $0x0  }
0x1f0: {  	v11 =	vmov s19;
	v10 =	vimm.f32 $-Inf;
	v9 =	vimm.s32 $0x0;
	s19 =	simm.s32 $0x40;
	v12 =	vld [tilespmem:s20+$0x18700]  }
.LBB2_37:
0x1f1: {  	_ = 	snop  }
0x1f2: {  	p0 =	sne.s32 s19, $0x480  }
.Ltmp22:
0x1f3: {  	_ = 	snop;
	(pc) =	sbr.rel @p0 .LBB2_37-.Ltmp22, $4  }
0x1f4: {  	_ = 	snop  }
0x1f5: {  	s20 =	smov.u32 s19;
	vm0 =	vge.f32 v12, v11;
	v13 =	vmax.f32 v10, v12  }
0x1f6: {  	s20 =	sshra.s32 s20, $0x2;
	v10 =	vsel vm0, v10, v13;
	v13 =	vsel vm0, $0x1, v1  }
0x1f7: {  	s19 =	sadd.s32 $0x40, s19;
	v12 =	vld [tilespmem:s20+$0x18700];
	v9 =	vadd.s32 v13, v9  }
0x1f8: {  	_ =	sdelay $0x3  }
0x1f9: {  	vm0 =	vge.f32 v12, v11;
	v11 =	vmax.f32 v10, v12  }
0x1fa: {  	v10 =	vsel vm0, v10, v11;
	v11 =	vsel vm0, $0x1, v1  }
0x1fb: {  	v9 =	vadd.s32 v11, v9;
	(xrf0) =	vmax.scan.msk.f32 $0xffff, v10  }
0x1fc: {  	(xrf0) =	vadd.scan.msk.s32 $0xffff, v9;
	_ =	sdelay $0x4  }
0x1fd: {  	v9, _, _ =	vpop (xrf0)  }
0x1fe: {  	(v2sf) =	vpush v9, $0xF;
	v9, _, _ =	vpop (xrf0)  }
0x1ff: {  	(v2sf) =	vpush v9, $0xF;
	_ =	sdelay $0xa  }
0x200: {  	s17 =	sadd.s32 $0x1, s17  }
0x201: {  	p1 =	sne.s32 s17, $0x40  }
.Ltmp23:
0x202: {  	_ = 	snop;
	(pc) =	sbr.rel @p1 .LBB2_36-.Ltmp23, $4  }
0x203: {  	s19 =	spop (v2sf)  }
0x204: {  	s20 =	spop (v2sf)  }
0x205: {  	p0 =	slt.s32 s20, $0x40  }
0x206: {  	s16 =	smov.u32 @p0 s19  }
0x207: {  	s17 =	simm.s32 $0x0  }
0x208: {  	v12 =	vld [tilespmem:s17+$0x18700]  }
0x209: {  	v9 =	vmov s16;
	v10 =	vimm.s32 $0x0;
	s16 =	simm.s32 $0x40;
	v11 =	vimm.s32 $0x0  }
.LBB2_40:
0x20a: {  	p0 =	sne.s32 s16, $0x480  }
.Ltmp24:
0x20b: {  	_ = 	snop;
	(pc) =	sbr.rel @p0 .LBB2_40-.Ltmp24, $4  }
0x20c: {  	_ = 	snop  }
0x20d: {  	s17 =	sshra.s32 s16, $0x2;
	s16 =	sadd.s32 $0x40, s16;
	vm0 =	vgt.f32 v12, v9;
	vm1 =	veq.f32 v12, v9  }
0x20e: {  	v12 =	vld [tilespmem:s17+$0x18700];
	v13 =	vsel vm0, $0x1, v1;
	v14 =	vsel vm1, $0x1, v1  }
0x20f: {  	v10 =	vadd.s32 v13, v10;
	v11 =	vadd.s32 v14, v11  }
0x210: {  	_ =	sdelay $0x2  }
0x211: {  	vm0 =	veq.f32 v12, v9  }
0x212: {  	vm1 =	vgt.f32 v12, v9;
	v61 =	vsel vm0, $0x1, v1  }
0x213: {  	v13 =	vsel vm1, $0x1, v1;
	v11 =	vadd.s32 v61, v11  }
0x214: {  	v10 =	vadd.s32 v13, v10;
	(xrf0) =	vadd.scan.msk.s32 $0xffff, v11  }
0x215: {  	(xrf0) =	vadd.scan.msk.s32 $0xffff, v10;
	_ =	sdelay $0x4  }
0x216: {  	v10, _, _ =	vpop (xrf0)  }
0x217: {  	(v2sf) =	vpush v10, $0xF;
	v10, _, _ =	vpop (xrf0)  }
0x218: {  	(v2sf) =	vpush v10, $0xF;
	_ =	sdelay $0x2  }
0x219: {  	s17 =	simm.s32 $0x0  }
0x21a: {  	v11 =	vld [tilespmem:s17+$0x18700];
	_ =	sdelay $0x4  }
0x21b: {  	vm13 =	veq.f32 v11, v9  }
0x21c: {  	v10 =	vsel vm13, $0x1, v1  }
0x21d: {  	(xrf0) =	vadd.scan.msk.s32 $0xffff, v10;
	_ =	sdelay $0x2  }
0x21e: {  	s16 =	spop (v2sf)  }
0x21f: {  	s19 =	spop (v2sf)  }
0x220: {  	s16 =	sadd.s32 s16, s19  }
0x221: {  	v62, _, _ =	vpop (xrf0);
	s19 =	sadd.s32 $0xFFFFFFC0, s16;
	s16 =	simm.s32 $0x0  }
0x222: {  	(v2sf) =	vpush v62, $0xF;
	v10 =	vmov s19;
	v63 =	vadd.s32 s16, v62  }
0x223: {  	vm14 =	vgt.s32 v63, v10  }
0x224: {  	vm15 =	vgt.f32 v11, v9;
	vm0 =	vmand vm13, vm14  }
0x225: {  	v14 =	vld [tilespmem:s17+$0x18880];
	vm0 =	vmor vm15, vm0  }
0x226: {  	[tilespmem:s16+$0x18700] =	vst.msk vm0, v11;
	v11 =	vsel vm0, $0x1, v1  }
0x227: {  	(xrf0) =	vadd.scan.msk.s32 $0xffff, v11;
	_ =	sdelay $0x2  }
0x228: {  	s20 =	simm.s32 $0x80;
	s17 =	simm.s32 $0x0;
	s19 =	simm.s32 $0x10;
	[tilespmem:s16+$0x18880] =	vst.msk vm0, v14  }
.LBB2_42:
0x229: {  	p0 =	sne.s32 s20, $0x480;
	v11 =	vld [tilespmem:s19+$0x18700];
	_ =	sdelay $0x1  }
0x22a: {  	v12, _, _ =	vpop (xrf0)  }
0x22b: {  	(v2sf) =	vpush v12, $0xF;
	_ =	sdelay $0x1  }
0x22c: {  	vm0 =	vgt.f32 v11, v9;
	vm1 =	veq.f32 v11, v9  }
0x22d: {  	v12 =	vsel vm1, $0x1, v1;
	s21 =	spop (v2sf)  }
0x22e: {  	(xrf0) =	vadd.scan.msk.s32 $0xffff, v12;
	s16 =	sadd.s32 s16, s21;
	_ =	sdelay $0x5  }
0x22f: {  	v12, _, _ =	vpop (xrf0)  }
0x230: {  	v13 =	vadd.s32 s16, v12;
	(v2sf) =	vpush v12, $0xF  }
0x231: {  	vm2 =	vgt.s32 v13, v10  }
0x232: {  	v12 =	vld [tilespmem:s19+$0x18880];
	vm1 =	vmand vm1, vm2  }
0x233: {  	vm0 =	vmor vm0, vm1  }
.Ltmp25:
0x234: {  	v13 =	vsel vm0, $0x1, v1;
	s19 =	spop (v2sf);
	(pc) =	sbr.rel @p0 .LBB2_42-.Ltmp25, $4  }
0x235: {  	(xrf0) =	vadd.scan.msk.s32 $0xffff, v13;
	s17 =	sadd.s32 s17, s19  }
0x236: {  	[tilespmem:s17+$0x18700] =	vst.msk vm0, v11  }
0x237: {  	[tilespmem:s17+$0x18880] =	vst.msk vm0, v12  }
0x238: {  	s19 =	sshra.s32 s20, $0x2;
	s20 =	sadd.s32 $0x40, s20  }
0x239: {  	v11 =	vld [tilespmem:s19+$0x18700];
	_ =	sdelay $0x4  }
0x23a: {  	vm0 =	veq.f32 v11, v9  }
0x23b: {  	v12 =	vsel vm0, $0x1, v1  }
0x23c: {  	v13, _, _ =	vpop (xrf0);
	(xrf0) =	vadd.scan.msk.s32 $0xffff, v12  }
0x23d: {  	(v2sf) =	vpush v13, $0xF;
	_ =	sdelay $0x3  }
0x23e: {  	s20 =	spop (v2sf)  }
0x23f: {  	s16 =	sadd.s32 s16, s20;
	v12, _, _ =	vpop (xrf0)  }
0x240: {  	v63 =	vadd.s32 s16, v12  }
0x241: {  	vm1 =	vgt.s32 v63, v10  }
0x242: {  	vm2 =	vgt.f32 v11, v9;
	vm0 =	vmand vm0, vm1  }
0x243: {  	vm0 =	vmor vm2, vm0  }
0x244: {  	v10 =	vsel vm0, $0x1, v1  }
0x245: {  	(xrf0) =	vadd.scan.msk.s32 $0xffff, v10;
	_ =	sdelay $0x1  }
0x246: {  	v10 =	vld [tilespmem:s19+$0x18880];
	_ =	sdelay $0x1  }
0x247: {  	s29 =	spop (v2sf)  }
0x248: {  	s16 =	sadd.s32 s17, s29  }
0x249: {  	(v2sf) =	vpush v12, $0xF;
	[tilespmem:s16+$0x18700] =	vst.msk vm0, v11;
	v11, _, _ =	vpop (xrf0)  }
0x24a: {  	[tilespmem:s16+$0x18880] =	vst.msk vm0, v10;
	(v2sf) =	vpush v11, $0xF  }
0x24b: {  	[tilespmem:$0x18740] =	vst v2  }
0x24c: {  	[tilespmem:$0x18750] =	vst v2  }
0x24d: {  	[tilespmem:$0x18760] =	vst v2  }
0x24e: {  	[tilespmem:$0x18770] =	vst v2  }
0x24f: {  	[tilespmem:$0x18780] =	vst v2  }
0x250: {  	[tilespmem:$0x18790] =	vst v2  }
0x251: {  	[tilespmem:$0x187A0] =	vst v2  }
0x252: {  	[tilespmem:$0x187B0] =	vst v2  }
0x253: {  	[tilespmem:$0x187C0] =	vst v2  }
0x254: {  	[tilespmem:$0x187D0] =	vst v2  }
.Ltmp26:
0x255: {  	[tilespmem:$0x187E0] =	vst v2;
	(pc) =	sbr.rel .LBB2_44-.Ltmp26, $4  }
0x256: {  	[tilespmem:$0x187F0] =	vst v2  }
0x257: {  	[tilespmem:$0x18800] =	vst v2  }
0x258: {  	[tilespmem:$0x18810] =	vst v2;
	s30 =	spop (v2sf)  }
0x259: {  	[tilespmem:$0x18820] =	vst v2;
	s31 =	spop (v2sf)  }
.LBB2_71:
0x25a: {  	s17 =	smov.u32 @p0 s18  }
0x25b: {  	v9 =	vpsel p0, v15, v15;
	s18 =	smov.u32 s17  }
.LBB2_44:
0x25c: {  	vm0 =	vge.f32 v8, v9  }
0x25d: {  	v8 =	vsel vm0, $0x3F800000, v0  }
0x25e: {  	(xrf0) =	vmax.scan.msk.f32 $0xffff, v8;
	_ =	sdelay $0x5  }
0x25f: {  	v8, _, _ =	vpop (xrf0)  }
0x260: {  	(v2sf) =	vpush v8, $0xF;
	_ =	sdelay $0xe  }
0x261: {  	s16 =	spop (v2sf)  }
0x262: {  	p0 =	sgt.f32 s16, $0.0e+00;
	_ =	sdelay $0x1  }
0x263: {  	s16 =	sadd.s32 $0x140, s15;
	s17 =	sshll.u32 @p0 s18, $0x4;
	v8 =	vlaneseq.u32 @p0  }
0x264: {  	[tilespmem:s17+$0x18740] =	vst @p0 v7;
	v7 =	vor.u32 @p0 s16, v8;
	s16 =	sadd.s32 $0x150, s15  }
0x265: {  	[tilespmem:s17+$0x18750] =	vst @p0 v6;
	v6 =	vor.u32 @p0 s16, v8;
	s16 =	sadd.s32 $0x160, s15  }
0x266: {  	[tilespmem:s17+$0x18760] =	vst @p0 v5;
	v5 =	vor.u32 @p0 s16, v8;
	s16 =	sadd.s32 $0x170, s15  }
0x267: {  	[tilespmem:s17+$0x18770] =	vst @p0 v4;
	v4 =	vor.u32 @p0 s16, v8;
	s16 =	sadd.s32 @p0 $0x5, s18  }
0x268: {  	p1 =	slt.s32 @p0 s16, $0xF  }
0x269: {  	[tilespmem:s17+$0x18780] =	vst @p0 v3;
	p1 =	por !p0, p1  }
.Ltmp27:
0x26a: {  	[tilespmem:s17+$0x188C0] =	vst @p0 v7;
	(pc) =	sbr.rel @p1 .LBB2_72-.Ltmp27, $4  }
0x26b: {  	[tilespmem:s17+$0x188D0] =	vst @p0 v6  }
0x26c: {  	s15 =	sadd.s32 $0x180, s15;
	[tilespmem:s17+$0x188E0] =	vst @p0 v5  }
0x26d: {  	v3 =	vor.u32 @p0 s15, v8;
	[tilespmem:s17+$0x188F0] =	vst @p0 v4  }
0x26e: {  	[tilespmem:s17+$0x18900] =	vst @p0 v3  }
0x26f: {  	p1 =	sgt.s32 @p0 s16, $0xE  }
0x270: {  	s17 =	simm.s32 @p0 $0x0;
	p1 =	por !p1, !p0  }
0x271: {  	s18 =	simm.f32 @p0 $+Inf;
	s15 =	simm.f32 @p0 $-Inf;
	s16 =	simm.s32 @!p1 $0x0  }
.LBB2_46:
0x272: {  	s19 =	simm.s32 $0x0  }
0x273: {  	v5 =	vmov s18;
	v4 =	vimm.f32 $-Inf;
	v3 =	vimm.s32 $0x0;
	s18 =	simm.s32 $0x40;
	v6 =	vld [tilespmem:s19+$0x18700]  }
.LBB2_47:
0x274: {  	_ = 	snop  }
0x275: {  	p0 =	sne.s32 s18, $0x480  }
.Ltmp28:
0x276: {  	_ = 	snop;
	(pc) =	sbr.rel @p0 .LBB2_47-.Ltmp28, $4  }
0x277: {  	_ = 	snop  }
0x278: {  	s19 =	smov.u32 s18;
	vm0 =	vge.f32 v6, v5;
	v7 =	vmax.f32 v4, v6  }
0x279: {  	s19 =	sshra.s32 s19, $0x2;
	v4 =	vsel vm0, v4, v7;
	v7 =	vsel vm0, $0x1, v1  }
0x27a: {  	s18 =	sadd.s32 $0x40, s18;
	v6 =	vld [tilespmem:s19+$0x18700];
	v3 =	vadd.s32 v7, v3  }
0x27b: {  	_ =	sdelay $0x3  }
0x27c: {  	vm0 =	vge.f32 v6, v5;
	v62 =	vmax.f32 v4, v6  }
0x27d: {  	v4 =	vsel vm0, v4, v62;
	v63 =	vsel vm0, $0x1, v1  }
0x27e: {  	v3 =	vadd.s32 v63, v3;
	(xrf0) =	vmax.scan.msk.f32 $0xffff, v4  }
0x27f: {  	(xrf0) =	vadd.scan.msk.s32 $0xffff, v3;
	_ =	sdelay $0x4  }
0x280: {  	v3, _, _ =	vpop (xrf0)  }
0x281: {  	(v2sf) =	vpush v3, $0xF;
	v3, _, _ =	vpop (xrf0)  }
0x282: {  	(v2sf) =	vpush v3, $0xF;
	_ =	sdelay $0xa  }
0x283: {  	s17 =	sadd.s32 $0x1, s17  }
0x284: {  	p1 =	sne.s32 s17, $0x40  }
.Ltmp29:
0x285: {  	_ = 	snop;
	(pc) =	sbr.rel @p1 .LBB2_46-.Ltmp29, $4  }
0x286: {  	s18 =	spop (v2sf)  }
0x287: {  	s19 =	spop (v2sf)  }
0x288: {  	p0 =	slt.s32 s19, $0x40  }
0x289: {  	s15 =	smov.u32 @p0 s18  }
0x28a: {  	s17 =	simm.s32 $0x0  }
0x28b: {  	v5 =	vld [tilespmem:s17+$0x18700]  }
0x28c: {  	v26 =	vmov s15;
	v3 =	vimm.s32 $0x0;
	s15 =	simm.s32 $0x40;
	v4 =	vimm.s32 $0x0  }
.LBB2_50:
0x28d: {  	p0 =	sne.s32 s15, $0x480  }
.Ltmp30:
0x28e: {  	_ = 	snop;
	(pc) =	sbr.rel @p0 .LBB2_50-.Ltmp30, $4  }
0x28f: {  	_ = 	snop  }
0x290: {  	s17 =	sshra.s32 s15, $0x2;
	s15 =	sadd.s32 $0x40, s15;
	vm0 =	vgt.f32 v5, v26;
	vm1 =	veq.f32 v5, v26  }
0x291: {  	v5 =	vld [tilespmem:s17+$0x18700];
	v6 =	vsel vm0, $0x1, v1;
	v7 =	vsel vm1, $0x1, v1  }
0x292: {  	v3 =	vadd.s32 v6, v3;
	v4 =	vadd.s32 v7, v4  }
0x293: {  	_ =	sdelay $0x2  }
0x294: {  	vm0 =	veq.f32 v5, v26  }
0x295: {  	vm1 =	vgt.f32 v5, v26;
	v5 =	vsel vm0, $0x1, v1  }
0x296: {  	v6 =	vsel vm1, $0x1, v1;
	v4 =	vadd.s32 v5, v4  }
0x297: {  	v3 =	vadd.s32 v6, v3;
	(xrf0) =	vadd.scan.msk.s32 $0xffff, v4  }
0x298: {  	(xrf0) =	vadd.scan.msk.s32 $0xffff, v3;
	_ =	sdelay $0x4  }
0x299: {  	v3, _, _ =	vpop (xrf0)  }
0x29a: {  	(v2sf) =	vpush v3, $0xF;
	v3, _, _ =	vpop (xrf0)  }
0x29b: {  	(v2sf) =	vpush v3, $0xF;
	_ =	sdelay $0x2  }
0x29c: {  	s17 =	simm.s32 $0x0  }
0x29d: {  	v4 =	vld [tilespmem:s17+$0x18700];
	_ =	sdelay $0x4  }
0x29e: {  	vm13 =	veq.f32 v4, v26  }
0x29f: {  	v3 =	vsel vm13, $0x1, v1  }
0x2a0: {  	(xrf0) =	vadd.scan.msk.s32 $0xffff, v3;
	_ =	sdelay $0x2  }
0x2a1: {  	s15 =	spop (v2sf)  }
0x2a2: {  	s18 =	spop (v2sf)  }
0x2a3: {  	s15 =	sadd.s32 s15, s18  }
0x2a4: {  	v5, _, _ =	vpop (xrf0);
	s18 =	sadd.s32 $0xFFFFFFC0, s15;
	s15 =	simm.s32 $0x0  }
0x2a5: {  	(v2sf) =	vpush v5, $0xF;
	v3 =	vmov s18;
	v63 =	vadd.s32 s15, v5  }
0x2a6: {  	vm14 =	vgt.s32 v63, v3  }
0x2a7: {  	vm15 =	vgt.f32 v4, v26;
	vm0 =	vmand vm13, vm14  }
0x2a8: {  	v7 =	vld [tilespmem:s17+$0x18880];
	vm0 =	vmor vm15, vm0  }
0x2a9: {  	[tilespmem:s15+$0x18700] =	vst.msk vm0, v4;
	v4 =	vsel vm0, $0x1, v1  }
0x2aa: {  	(xrf0) =	vadd.scan.msk.s32 $0xffff, v4;
	_ =	sdelay $0x2  }
0x2ab: {  	s19 =	simm.s32 $0x80;
	s17 =	simm.s32 $0x0;
	s18 =	simm.s32 $0x10;
	[tilespmem:s15+$0x18880] =	vst.msk vm0, v7  }
.LBB2_52:
0x2ac: {  	p0 =	sne.s32 s19, $0x480;
	v4 =	vld [tilespmem:s18+$0x18700];
	_ =	sdelay $0x1  }
0x2ad: {  	v5, _, _ =	vpop (xrf0)  }
0x2ae: {  	(v2sf) =	vpush v5, $0xF;
	_ =	sdelay $0x1  }
0x2af: {  	vm0 =	vgt.f32 v4, v26;
	vm1 =	veq.f32 v4, v26  }
0x2b0: {  	v5 =	vsel vm1, $0x1, v1;
	s20 =	spop (v2sf)  }
0x2b1: {  	(xrf0) =	vadd.scan.msk.s32 $0xffff, v5;
	s15 =	sadd.s32 s15, s20;
	_ =	sdelay $0x5  }
0x2b2: {  	v5, _, _ =	vpop (xrf0)  }
0x2b3: {  	v6 =	vadd.s32 s15, v5;
	(v2sf) =	vpush v5, $0xF  }
0x2b4: {  	vm2 =	vgt.s32 v6, v3  }
0x2b5: {  	v5 =	vld [tilespmem:s18+$0x18880];
	vm1 =	vmand vm1, vm2  }
0x2b6: {  	vm0 =	vmor vm0, vm1  }
.Ltmp31:
0x2b7: {  	v6 =	vsel vm0, $0x1, v1;
	s18 =	spop (v2sf);
	(pc) =	sbr.rel @p0 .LBB2_52-.Ltmp31, $4  }
0x2b8: {  	(xrf0) =	vadd.scan.msk.s32 $0xffff, v6;
	s17 =	sadd.s32 s17, s18  }
0x2b9: {  	[tilespmem:s17+$0x18700] =	vst.msk vm0, v4  }
0x2ba: {  	[tilespmem:s17+$0x18880] =	vst.msk vm0, v5  }
0x2bb: {  	s18 =	sshra.s32 s19, $0x2;
	s19 =	sadd.s32 $0x40, s19  }
0x2bc: {  	v4 =	vld [tilespmem:s18+$0x18700];
	_ =	sdelay $0x4  }
0x2bd: {  	vm0 =	veq.f32 v4, v26  }
0x2be: {  	v5 =	vsel vm0, $0x1, v1  }
0x2bf: {  	v6, _, _ =	vpop (xrf0);
	(xrf0) =	vadd.scan.msk.s32 $0xffff, v5  }
0x2c0: {  	(v2sf) =	vpush v6, $0xF;
	_ =	sdelay $0x3  }
0x2c1: {  	s19 =	spop (v2sf)  }
0x2c2: {  	s15 =	sadd.s32 s15, s19;
	v5, _, _ =	vpop (xrf0)  }
0x2c3: {  	v62 =	vadd.s32 s15, v5  }
0x2c4: {  	vm1 =	vgt.s32 v62, v3  }
0x2c5: {  	vm2 =	vgt.f32 v4, v26;
	vm0 =	vmand vm0, vm1  }
0x2c6: {  	vm0 =	vmor vm2, vm0  }
0x2c7: {  	v3 =	vsel vm0, $0x1, v1  }
0x2c8: {  	(xrf0) =	vadd.scan.msk.s32 $0xffff, v3;
	_ =	sdelay $0x1  }
0x2c9: {  	v3 =	vld [tilespmem:s18+$0x18880];
	_ =	sdelay $0x1  }
0x2ca: {  	s29 =	spop (v2sf)  }
0x2cb: {  	s15 =	sadd.s32 s17, s29  }
0x2cc: {  	(v2sf) =	vpush v5, $0xF;
	[tilespmem:s15+$0x18700] =	vst.msk vm0, v4;
	v63, _, _ =	vpop (xrf0)  }
0x2cd: {  	[tilespmem:s15+$0x18880] =	vst.msk vm0, v3;
	(v2sf) =	vpush v63, $0xF  }
0x2ce: {  	[tilespmem:$0x18740] =	vst v2  }
0x2cf: {  	[tilespmem:$0x18750] =	vst v2  }
0x2d0: {  	[tilespmem:$0x18760] =	vst v2  }
0x2d1: {  	[tilespmem:$0x18770] =	vst v2  }
0x2d2: {  	[tilespmem:$0x18780] =	vst v2  }
0x2d3: {  	[tilespmem:$0x18790] =	vst v2  }
0x2d4: {  	[tilespmem:$0x187A0] =	vst v2  }
0x2d5: {  	[tilespmem:$0x187B0] =	vst v2  }
0x2d6: {  	[tilespmem:$0x187C0] =	vst v2  }
0x2d7: {  	[tilespmem:$0x187D0] =	vst v2  }
.Ltmp32:
0x2d8: {  	[tilespmem:$0x187E0] =	vst v2;
	(pc) =	sbr.rel .LBB2_54-.Ltmp32, $4  }
0x2d9: {  	[tilespmem:$0x187F0] =	vst v2  }
0x2da: {  	[tilespmem:$0x18800] =	vst v2  }
0x2db: {  	[tilespmem:$0x18810] =	vst v2;
	s30 =	spop (v2sf)  }
0x2dc: {  	[tilespmem:$0x18820] =	vst v2;
	s31 =	spop (v2sf)  }
.LBB2_55:
0x2dd: {  	s15 =	simm.s32 $0x0;
	s16 =	simm.f32 $+Inf;
	s14 =	simm.f32 $-Inf  }
.LBB2_56:
0x2de: {  	s17 =	simm.s32 $0x0  }
0x2df: {  	v5 =	vmov s16;
	v4 =	vimm.f32 $-Inf;
	v3 =	vimm.s32 $0x0;
	s16 =	simm.s32 $0x40;
	v6 =	vld [tilespmem:s17+$0x18700]  }
.LBB2_57:
0x2e0: {  	_ = 	snop  }
0x2e1: {  	p0 =	sne.s32 s16, $0x480  }
.Ltmp33:
0x2e2: {  	_ = 	snop;
	(pc) =	sbr.rel @p0 .LBB2_57-.Ltmp33, $4  }
0x2e3: {  	_ = 	snop  }
0x2e4: {  	s17 =	smov.u32 s16;
	vm0 =	vge.f32 v6, v5;
	v7 =	vmax.f32 v4, v6  }
0x2e5: {  	s17 =	sshra.s32 s17, $0x2;
	v4 =	vsel vm0, v4, v7;
	v7 =	vsel vm0, $0x1, v1  }
0x2e6: {  	s16 =	sadd.s32 $0x40, s16;
	v6 =	vld [tilespmem:s17+$0x18700];
	v3 =	vadd.s32 v7, v3  }
0x2e7: {  	_ =	sdelay $0x3  }
0x2e8: {  	vm0 =	vge.f32 v6, v5;
	v62 =	vmax.f32 v4, v6  }
0x2e9: {  	v4 =	vsel vm0, v4, v62;
	v63 =	vsel vm0, $0x1, v1  }
0x2ea: {  	v3 =	vadd.s32 v63, v3;
	(xrf0) =	vmax.scan.msk.f32 $0xffff, v4  }
0x2eb: {  	(xrf0) =	vadd.scan.msk.s32 $0xffff, v3;
	_ =	sdelay $0x4  }
0x2ec: {  	v3, _, _ =	vpop (xrf0)  }
0x2ed: {  	(v2sf) =	vpush v3, $0xF;
	v3, _, _ =	vpop (xrf0)  }
0x2ee: {  	(v2sf) =	vpush v3, $0xF;
	_ =	sdelay $0xa  }
0x2ef: {  	s15 =	sadd.s32 $0x1, s15  }
0x2f0: {  	p1 =	sne.s32 s15, $0x40  }
.Ltmp34:
0x2f1: {  	_ = 	snop;
	(pc) =	sbr.rel @p1 .LBB2_56-.Ltmp34, $4  }
0x2f2: {  	s16 =	spop (v2sf)  }
0x2f3: {  	s17 =	spop (v2sf)  }
0x2f4: {  	p0 =	slt.s32 s17, $0x40  }
0x2f5: {  	s14 =	smov.u32 @p0 s16  }
0x2f6: {  	s15 =	simm.s32 $0x0  }
0x2f7: {  	v6 =	vld [tilespmem:s15+$0x18700]  }
0x2f8: {  	v3 =	vmov s14;
	v4 =	vimm.s32 $0x0;
	s14 =	simm.s32 $0x40;
	v5 =	vimm.s32 $0x0  }
.LBB2_60:
0x2f9: {  	p0 =	sne.s32 s14, $0x480  }
.Ltmp35:
0x2fa: {  	_ = 	snop;
	(pc) =	sbr.rel @p0 .LBB2_60-.Ltmp35, $4  }
0x2fb: {  	_ = 	snop  }
0x2fc: {  	s15 =	sshra.s32 s14, $0x2;
	s14 =	sadd.s32 $0x40, s14;
	vm0 =	vgt.f32 v6, v3;
	vm1 =	veq.f32 v6, v3  }
0x2fd: {  	v6 =	vld [tilespmem:s15+$0x18700];
	v7 =	vsel vm0, $0x1, v1;
	v8 =	vsel vm1, $0x1, v1  }
0x2fe: {  	v4 =	vadd.s32 v7, v4;
	v5 =	vadd.s32 v8, v5  }
0x2ff: {  	_ =	sdelay $0x2  }
0x300: {  	vm0 =	veq.f32 v6, v3  }
0x301: {  	vm1 =	vgt.f32 v6, v3;
	v6 =	vsel vm0, $0x1, v1  }
0x302: {  	v7 =	vsel vm1, $0x1, v1;
	v5 =	vadd.s32 v6, v5  }
0x303: {  	v4 =	vadd.s32 v7, v4;
	(xrf0) =	vadd.scan.msk.s32 $0xffff, v5  }
0x304: {  	(xrf0) =	vadd.scan.msk.s32 $0xffff, v4;
	_ =	sdelay $0x4  }
0x305: {  	v4, _, _ =	vpop (xrf0)  }
0x306: {  	(v2sf) =	vpush v4, $0xF;
	v4, _, _ =	vpop (xrf0)  }
0x307: {  	(v2sf) =	vpush v4, $0xF;
	_ =	sdelay $0x2  }
0x308: {  	s15 =	simm.s32 $0x0  }
0x309: {  	v5 =	vld [tilespmem:s15+$0x18700];
	_ =	sdelay $0x4  }
0x30a: {  	vm13 =	veq.f32 v5, v3  }
0x30b: {  	v4 =	vsel vm13, $0x1, v1  }
0x30c: {  	(xrf0) =	vadd.scan.msk.s32 $0xffff, v4;
	_ =	sdelay $0x2  }
0x30d: {  	s14 =	spop (v2sf)  }
0x30e: {  	s16 =	spop (v2sf)  }
0x30f: {  	s14 =	sadd.s32 s14, s16  }
0x310: {  	v6, _, _ =	vpop (xrf0);
	s16 =	sadd.s32 $0xFFFFFFC0, s14;
	s14 =	simm.s32 $0x0  }
0x311: {  	(v2sf) =	vpush v6, $0xF;
	v4 =	vmov s16;
	v7 =	vadd.s32 s14, v6  }
0x312: {  	vm14 =	vgt.s32 v7, v4  }
0x313: {  	vm15 =	vgt.f32 v5, v3;
	vm0 =	vmand vm13, vm14  }
0x314: {  	v8 =	vld [tilespmem:s15+$0x18880];
	vm0 =	vmor vm15, vm0  }
0x315: {  	[tilespmem:s14+$0x18700] =	vst.msk vm0, v5;
	v5 =	vsel vm0, $0x1, v1  }
0x316: {  	(xrf0) =	vadd.scan.msk.s32 $0xffff, v5;
	_ =	sdelay $0x2  }
0x317: {  	s17 =	simm.s32 $0x10;
	s15 =	simm.s32 $0x0;
	s16 =	simm.s32 $0x80;
	[tilespmem:s14+$0x18880] =	vst.msk vm0, v8  }
.LBB2_62:
0x318: {  	p0 =	sne.s32 s16, $0x480;
	v5 =	vld [tilespmem:s17+$0x18700];
	_ =	sdelay $0x1  }
0x319: {  	v6, _, _ =	vpop (xrf0)  }
0x31a: {  	(v2sf) =	vpush v6, $0xF;
	_ =	sdelay $0x1  }
0x31b: {  	vm0 =	vgt.f32 v5, v3;
	vm1 =	veq.f32 v5, v3  }
0x31c: {  	v6 =	vsel vm1, $0x1, v1;
	s18 =	spop (v2sf)  }
0x31d: {  	(xrf0) =	vadd.scan.msk.s32 $0xffff, v6;
	s14 =	sadd.s32 s14, s18;
	_ =	sdelay $0x5  }
0x31e: {  	v6, _, _ =	vpop (xrf0)  }
0x31f: {  	v7 =	vadd.s32 s14, v6;
	(v2sf) =	vpush v6, $0xF  }
0x320: {  	vm2 =	vgt.s32 v7, v4  }
0x321: {  	v6 =	vld [tilespmem:s17+$0x18880];
	vm1 =	vmand vm1, vm2  }
0x322: {  	vm0 =	vmor vm0, vm1  }
.Ltmp36:
0x323: {  	v7 =	vsel vm0, $0x1, v1;
	s17 =	spop (v2sf);
	(pc) =	sbr.rel @p0 .LBB2_62-.Ltmp36, $4  }
0x324: {  	(xrf0) =	vadd.scan.msk.s32 $0xffff, v7;
	s15 =	sadd.s32 s15, s17  }
0x325: {  	[tilespmem:s15+$0x18700] =	vst.msk vm0, v5  }
0x326: {  	[tilespmem:s15+$0x18880] =	vst.msk vm0, v6  }
0x327: {  	s17 =	sshra.s32 s16, $0x2;
	s16 =	sadd.s32 $0x40, s16  }
0x328: {  	_ =	sdelay $0x1  }
0x329: {  	v5 =	vld [tilespmem:s17+$0x18700];
	v6, _, _ =	vpop (xrf0)  }
0x32a: {  	(v2sf) =	vpush v6, $0xF;
	_ =	sdelay $0x3  }
0x32b: {  	vm0 =	veq.f32 v5, v3  }
0x32c: {  	v56 =	vsel vm0, $0x1, v1  }
0x32d: {  	(xrf0) =	vadd.scan.msk.s32 $0xffff, v56;
	_ =	sdelay $0x4  }
0x32e: {  	s16 =	spop (v2sf)  }
0x32f: {  	s14 =	sadd.s32 s14, s16;
	v6, _, _ =	vpop (xrf0)  }
0x330: {  	v8 =	vld [tilespmem:s17+$0x18880];
	v7 =	vadd.s32 s14, v6  }
0x331: {  	vm1 =	vgt.s32 v7, v4  }
0x332: {  	vm2 =	vgt.f32 v5, v3;
	vm0 =	vmand vm0, vm1;
	s29 =	spop (v2sf)  }
0x333: {  	vm0 =	vmor vm2, vm0;
	s14 =	sadd.s32 s15, s29  }
0x334: {  	[tilespmem:s14+$0x18700] =	vst.msk vm0, v5  }
0x335: {  	p0 =	por $0x0, $0x0;
	[tilespmem:s14+$0x18880] =	vst.msk vm0, v8  }
0x336: {  	v3 =	vld @!p0 [tilespmem:$0x18710];
	_ =	sdelay $0x1  }
0x337: {  	v4 =	vld @!p0 [tilespmem:$0x18700];
	_ =	sdelay $0x1  }
0x338: {  	s14 =	simm.f32 $+Inf;
	v5 =	vld @!p0 [tilespmem:$0x18720]  }
0x339: {  	vm1 =	vlt.f32 @!p0 v3, s14  }
0x33a: {  	v7 =	vld @!p0 [tilespmem:$0x18730];
	v8 =	vnsel @!p0 vm1, $0xFF800000, v3  }
0x33b: {  	vm1 =	vlt.f32 @!p0 v4, s14;
	v9 =	vmax.f32 @!p0 v4, v8  }
0x33c: {  	v8 =	vsel @!p0 vm1, v9, v8  }
0x33d: {  	vm1 =	vlt.f32 @!p0 v5, s14;
	v9 =	vmax.f32 @!p0 v8, v5  }
0x33e: {  	v8 =	vsel @!p0 vm1, v9, v8  }
0x33f: {  	v57 =	vsel vm0, $0x1, v1;
	vm0 =	vlt.f32 @!p0 v7, s14;
	v10 =	vmax.f32 @!p0 v8, v7  }
0x340: {  	(xrf0) =	vadd.scan.msk.s32 $0xffff, v57;
	v8 =	vsel @!p0 vm0, v10, v8  }
0x341: {  	(xrf0) =	vmax.scan.msk.f32 @!p0 $0xffff, v8;
	_ =	sdelay $0x4  }
0x342: {  	(v2sf) =	vpush v6, $0xF;
	v58, _, _ =	vpop (xrf0)  }
0x343: {  	(v2sf) =	vpush v58, $0xF;
	v6, _, _ =	vpop @!p0 (xrf0)  }
0x344: {  	(v2sf) =	vpush @!p0 v6, $0xF;
	_ =	sdelay $0x3  }
0x345: {  	v6 =	vbroadcast @!p0 v6, $0xF;
	_ =	sdelay $0x1  }
0x346: {  	v8 =	vimm.s32 @!p0 $0x0;
	vm0 =	veq.f32 @!p0 v4, v6;
	vm1 =	veq.f32 @!p0 v3, v6  }
0x347: {  	vm2 =	veq.f32 @!p0 v5, v6;
	v3 =	vsel @!p0 vm0, $0x1, v8;
	v4 =	vsel @!p0 vm1, $0x1, v8  }
0x348: {  	vm0 =	veq.f32 @!p0 v7, v6;
	v3 =	vadd.s32 @!p0 v4, v3;
	v4 =	vsel @!p0 vm2, $0x1, v8  }
0x349: {  	v59 =	vld [tilespmem:$0x18720];
	v5 =	vsel @!p0 vm0, $0x1, v8;
	v3 =	vadd.s32 @!p0 v4, v3  }
0x34a: {  	v61 =	vld [tilespmem:$0x18890];
	v3 =	vadd.s32 @!p0 v5, v3  }
0x34b: {  	v4 =	vld [tilespmem:$0x18880];
	(xrf0) =	vadd.scan.msk.s32 @!p0 $0xffff, v3  }
0x34c: {  	v5 =	vld [tilespmem:$0x18700]  }
0x34d: {  	v63 =	vld [tilespmem:$0x188B0];
	s30 =	spop (v2sf)  }
0x34e: {  	p1 =	por $0x1, $0x1;
	s15 =	simm.s32 $0x40000000;
	s31 =	spop (v2sf);
	v3 =	vld [tilespmem:$0x188A0]  }
0x34f: {  	s15 =	simm.s32 @p1 $0x40000000;
	v60 =	vld [tilespmem:$0x18710];
	s17 =	spop @!p0 (v2sf)  }
0x350: {  	vm12 =	vlt.s32 v61, s15;
	s17 =	smov.u32 @p0 s14  }
0x351: {  	v62 =	vld [tilespmem:$0x18730];
	v11 =	vshra.s32 v4, $0x1F;
	vm7 =	vlt.s32 v4, s15;
	v9, _, _ =	vpop @!p0 (xrf0);
	vm8 =	veq.f32 v5, s17  }
0x352: {  	v4 =	vor.u32 v11, v4;
	(v2sf) =	vpush @!p0 v9, $0xF;
	vm0 =	vmand vm8, vm7  }
0x353: {  	vm14 =	vlt.s32 v63, s15;
	vm9 =	vlt.s32 v3, s15;
	v4 =	vnsel vm0, $0xFFFFFFFF, v4  }
0x354: {  	[tilespmem:$0x18740] =	vst v2;
	vm10 =	veq.f32 v60, s17;
	vm3 =	veq.f32 v59, s17;
	vm13 =	vgt.s32 v4, v61  }
0x355: {  	[tilespmem:$0x18750] =	vst v2;
	vm11 =	vmand vm3, vm9;
	vm1 =	vmand vm10, vm12;
	v5 =	vsel vm13, v4, v61  }
0x356: {  	[tilespmem:$0x18760] =	vst v2;
	vm4 =	veq.f32 v62, s17;
	v3 =	vnsel vm11, $0xFFFFFFFF, v3;
	v4 =	vsel vm1, v5, v4  }
0x357: {  	[tilespmem:$0x18770] =	vst v2;
	vm15 =	vmand vm4, vm14;
	vm1 =	vgt.s32 v4, v3  }
0x358: {  	[tilespmem:$0x18780] =	vst v2;
	v5 =	vnsel vm15, $0xFFFFFFFF, v63;
	v3 =	vsel vm1, v4, v3  }
0x359: {  	[tilespmem:$0x18790] =	vst v2;
	vm0 =	vgt.s32 v3, v5  }
0x35a: {  	[tilespmem:$0x187A0] =	vst v2;
	v3 =	vsel vm0, v3, v5  }
0x35b: {  	[tilespmem:$0x187B0] =	vst v2;
	v3 =	vxor.u32 $0x80000000, v3  }
0x35c: {  	[tilespmem:$0x187C0] =	vst v2;
	(xrf0) =	vmax.scan.msk.u32 $0xffff, v3  }
0x35d: {  	[tilespmem:$0x187D0] =	vst v2;
	s14 =	simm.s32 $0x0  }
0x35e: {  	[tilespmem:$0x187E0] =	vst v2;
	v3 =	vmov s14  }
0x35f: {  	[tilespmem:$0x187F0] =	vst v2  }
0x360: {  	[tilespmem:$0x18800] =	vst v2  }
0x361: {  	[tilespmem:$0x18810] =	vst v2;
	s15 =	spop @!p0 (v2sf)  }
0x362: {  	[tilespmem:$0x18820] =	vst v2;
	v4 =	vmov s17;
	s15 =	smov.u32 @p0 s14;
	v5, _, _ =	vpop (xrf0)  }
0x363: {  	s16 =	simm.s32 $0x2;
	s14 =	simm.s32 $0x1;
	s15 =	sadd.s32 $0xFFFFFFFF, s15;
	[tilespmem:v3+s9+$0x0] =	vst.idx.msk $0x1, v4;
	(v2sf) =	vpush v5, $0xF  }
.LBB2_64:
0x364: {  	_ =	sdelay $0xc  }
0x365: {  	s19 =	smov.u32 s17;
	p1 =	sne.s32 s15, $0x0  }
0x366: {  	s20 =	smov.u32 s16;
	s16 =	sadd.s32 $0x1, s16;
	s17 =	spop (v2sf)  }
0x367: {  	p0 =	sne.s32 s16, $0x40;
	s18 =	sxor.u32 $0x80000000, s17  }
0x368: {  	v4 =	vmov s18  }
0x369: {  	[tilespmem:v3+s10+$0x0] =	vst.idx.msk $0x1, v4  }
0x36a: {  	v3 =	vld @!p1 [tilespmem:$0x18710]  }
0x36b: {  	v4 =	vld @!p1 [tilespmem:$0x18700];
	_ =	sdelay $0x1  }
0x36c: {  	v5 =	vld @!p1 [tilespmem:$0x18720];
	_ =	sdelay $0x1  }
0x36d: {  	vm0 =	vlt.f32 @!p1 v3, s19;
	v6 =	vld @!p1 [tilespmem:$0x18730]  }
0x36e: {  	vm1 =	vlt.f32 @!p1 v4, s19;
	v7 =	vnsel @!p1 vm0, $0xFF800000, v3  }
0x36f: {  	v8 =	vmax.f32 @!p1 v4, v7  }
0x370: {  	v7 =	vsel @!p1 vm1, v8, v7;
	vm0 =	vlt.f32 @!p1 v5, s19  }
0x371: {  	v8 =	vmax.f32 @!p1 v7, v5  }
0x372: {  	v7 =	vsel @!p1 vm0, v8, v7;
	vm0 =	vlt.f32 @!p1 v6, s19  }
0x373: {  	v8 =	vmax.f32 @!p1 v7, v6  }
0x374: {  	v7 =	vsel @!p1 vm0, v8, v7  }
0x375: {  	(xrf0) =	vmax.scan.msk.f32 @!p1 $0xffff, v7;
	_ =	sdelay $0x5  }
0x376: {  	v7 =	vimm.s32 @!p1 $0x0;
	v8, _, _ =	vpop @!p1 (xrf0)  }
0x377: {  	v9 =	vbroadcast @!p1 v8, $0xF;
	(v2sf) =	vpush @!p1 v8, $0xF;
	_ =	sdelay $0x1  }
0x378: {  	vm0 =	veq.f32 @!p1 v4, v9;
	vm1 =	veq.f32 @!p1 v3, v9;
	vm2 =	veq.f32 @!p1 v5, v9  }
0x379: {  	v3 =	vsel @!p1 vm0, $0x1, v7;
	v4 =	vsel @!p1 vm1, $0x1, v7;
	vm0 =	veq.f32 @!p1 v6, v9  }
0x37a: {  	v3 =	vadd.s32 @!p1 v4, v3;
	v4 =	vsel @!p1 vm2, $0x1, v7;
	v5 =	vsel @!p1 vm0, $0x1, v7  }
0x37b: {  	v3 =	vadd.s32 @!p1 v4, v3  }
0x37c: {  	v3 =	vadd.s32 @!p1 v5, v3;
	v4 =	vld [tilespmem:$0x188B0]  }
0x37d: {  	v5 =	vld [tilespmem:$0x18730];
	(xrf0) =	vadd.scan.msk.s32 @!p1 $0xffff, v3  }
0x37e: {  	v6 =	vld [tilespmem:$0x188A0]  }
0x37f: {  	v7 =	vld [tilespmem:$0x18720]  }
0x380: {  	v8 =	vld [tilespmem:$0x18880]  }
0x381: {  	v9 =	vld [tilespmem:$0x18700]  }
0x382: {  	v10 =	vld [tilespmem:$0x18710]  }
0x383: {  	v11 =	vld [tilespmem:$0x18890];
	v3, _, _ =	vpop @!p1 (xrf0)  }
0x384: {  	p2 =	seq.s32 s15, $0x0;
	(v2sf) =	vpush @!p1 v3, $0xF  }
0x385: {  	s18 =	simm.s32 @p2 $0x40000000;
	v3 =	vmov s14;
	s14 =	smov.u32 s20;
	v12 =	vshra.s32 v8, $0x1F;
	s17 =	spop @!p1 (v2sf)  }
0x386: {  	vm1 =	vlt.s32 v6, s18;
	vm0 =	vlt.s32 v8, s18;
	s17 =	smov.u32 @p1 s19;
	v8 =	vor.u32 v12, v8  }
0x387: {  	vm2 =	veq.f32 v9, s17;
	vm3 =	veq.f32 v10, s17;
	vm4 =	veq.f32 v7, s17  }
0x388: {  	vm0 =	vmand vm2, vm0;
	vm1 =	vmand vm4, vm1;
	vm2 =	veq.f32 v5, s17  }
0x389: {  	vm4 =	vlt.s32 v4, s18;
	v5 =	vnsel vm0, $0xFFFFFFFF, v8;
	vm0 =	vlt.s32 v11, s18  }
0x38a: {  	v7 =	vmov s17;
	v6 =	vnsel vm1, $0xFFFFFFFF, v6;
	vm5 =	vgt.s32 v5, v11  }
0x38b: {  	vm1 =	vmand vm2, vm4;
	vm0 =	vmand vm3, vm0;
	v8 =	vsel vm5, v5, v11;
	[tilespmem:v3+s9+$0x0] =	vst.idx.msk $0x1, v7  }
0x38c: {  	v4 =	vnsel vm1, $0xFFFFFFFF, v4;
	v5 =	vsel vm0, v8, v5  }
0x38d: {  	vm0 =	vgt.s32 v5, v6  }
0x38e: {  	v5 =	vsel vm0, v5, v6  }
0x38f: {  	vm0 =	vgt.s32 v5, v4  }
0x390: {  	v4 =	vsel vm0, v5, v4  }
0x391: {  	v4 =	vxor.u32 $0x80000000, v4  }
0x392: {  	(xrf0) =	vmax.scan.msk.u32 $0xffff, v4  }
0x393: {  	s18 =	spop @!p1 (v2sf)  }
0x394: {  	s18 =	smov.u32 @p1 s15  }
.Ltmp37:
0x395: {  	s15 =	sadd.s32 $0xFFFFFFFF, s18;
	(pc) =	sbr.rel @p0 .LBB2_64-.Ltmp37, $3  }
0x396: {  	_ =	sdelay $0x1  }
0x397: {  	v4, _, _ =	vpop (xrf0)  }
0x398: {  	(v2sf) =	vpush v4, $0xF  }
0x399: {  	_ =	sdelay $0xd  }
0x39a: {  	s16 =	spop (v2sf)  }
0x39b: {  	s16 =	sxor.u32 $0x80000000, s16  }
0x39c: {  	v4 =	vmov s16  }
0x39d: {  	p0 =	sne.s32 s15, $0x0;
	[tilespmem:v3+s10+$0x0] =	vst.idx.msk $0x1, v4  }
0x39e: {  	v3 =	vld @!p0 [tilespmem:$0x18710];
	_ =	sdelay $0x1  }
0x39f: {  	v4 =	vld @!p0 [tilespmem:$0x18700];
	_ =	sdelay $0x1  }
0x3a0: {  	v5 =	vld @!p0 [tilespmem:$0x18720]  }
0x3a1: {  	vm0 =	vlt.f32 @!p0 v3, s17  }
0x3a2: {  	v6 =	vld @!p0 [tilespmem:$0x18730];
	v7 =	vnsel @!p0 vm0, $0xFF800000, v3  }
0x3a3: {  	vm0 =	vlt.f32 @!p0 v4, s17;
	v8 =	vmax.f32 @!p0 v4, v7  }
0x3a4: {  	v7 =	vsel @!p0 vm0, v8, v7  }
0x3a5: {  	vm0 =	vlt.f32 @!p0 v5, s17;
	v8 =	vmax.f32 @!p0 v7, v5  }
0x3a6: {  	v7 =	vsel @!p0 vm0, v8, v7  }
0x3a7: {  	vm0 =	vlt.f32 @!p0 v6, s17;
	v8 =	vmax.f32 @!p0 v7, v6  }
0x3a8: {  	v7 =	vsel @!p0 vm0, v8, v7  }
0x3a9: {  	(xrf0) =	vmax.scan.msk.f32 @!p0 $0xffff, v7;
	_ =	sdelay $0x5  }
0x3aa: {  	v7, _, _ =	vpop @!p0 (xrf0)  }
0x3ab: {  	(v2sf) =	vpush @!p0 v7, $0xF;
	_ =	sdelay $0x5  }
0x3ac: {  	v54 =	vld [tilespmem:$0x188A0]  }
0x3ad: {  	v9 =	vld [tilespmem:$0x18720]  }
0x3ae: {  	v10 =	vld [tilespmem:$0x18880]  }
0x3af: {  	v11 =	vld [tilespmem:$0x18700]  }
0x3b0: {  	v13 =	vld [tilespmem:$0x18890]  }
0x3b1: {  	v56 =	vld [tilespmem:$0x188B0]  }
0x3b2: {  	v12 =	vld [tilespmem:$0x18710]  }
0x3b3: {  	p1 =	seq.s32 s15, $0x0;
	v55 =	vld [tilespmem:$0x18730]  }
0x3b4: {  	s16 =	simm.s32 @p1 $0x40000000;
	v14 =	vshra.s32 v10, $0x1F;
	v7 =	vbroadcast @!p0 v7, $0xF  }
0x3b5: {  	vm8 =	vlt.s32 v10, s16;
	vm9 =	vlt.s32 v54, s16;
	vm10 =	vlt.s32 v13, s16;
	s15 =	spop @!p0 (v2sf)  }
0x3b6: {  	vm13 =	vlt.s32 v56, s16;
	v10 =	vor.u32 v14, v10;
	vm4 =	veq.f32 @!p0 v5, v7;
	s15 =	smov.u32 @p0 s17  }
0x3b7: {  	vm5 =	veq.f32 @!p0 v6, v7;
	vm1 =	veq.f32 v11, s15;
	vm2 =	veq.f32 v12, s15  }
0x3b8: {  	vm3 =	veq.f32 v9, s15;
	vm12 =	veq.f32 v55, s15;
	vm0 =	vmand vm1, vm8  }
0x3b9: {  	vm1 =	vmand vm3, vm9;
	vm3 =	veq.f32 @!p0 v3, v7;
	v10 =	vnsel vm0, $0xFFFFFFFF, v10  }
0x3ba: {  	v3 =	vimm.s32 @!p0 $0x0;
	vm14 =	vmand vm12, vm13;
	vm11 =	vgt.s32 v10, v13  }
0x3bb: {  	vm0 =	vmand vm2, vm10;
	vm2 =	veq.f32 @!p0 v4, v7;
	v57 =	vsel vm11, v10, v13  }
0x3bc: {  	v5 =	vsel @!p0 vm3, $0x1, v3;
	v58 =	vnsel vm1, $0xFFFFFFFF, v54;
	v59 =	vsel vm0, v57, v10  }
0x3bd: {  	v60 =	vnsel vm14, $0xFFFFFFFF, v56;
	v4 =	vsel @!p0 vm2, $0x1, v3;
	vm15 =	vgt.s32 v59, v58  }
0x3be: {  	v4 =	vadd.s32 @!p0 v5, v4;
	v5 =	vsel @!p0 vm4, $0x1, v3;
	v6 =	vsel vm15, v59, v58  }
0x3bf: {  	v3 =	vsel @!p0 vm5, $0x1, v3;
	v4 =	vadd.s32 @!p0 v5, v4;
	vm0 =	vgt.s32 v6, v60  }
0x3c0: {  	v3 =	vadd.s32 @!p0 v3, v4;
	v61 =	vsel vm0, v6, v60  }
0x3c1: {  	(xrf0) =	vadd.scan.msk.s32 @!p0 $0xffff, v3;
	v3 =	vxor.u32 $0x80000000, v61  }
0x3c2: {  	(xrf0) =	vmax.scan.msk.u32 $0xffff, v3;
	_ =	sdelay $0x4  }
0x3c3: {  	v3, _, _ =	vpop @!p0 (xrf0)  }
0x3c4: {  	(v2sf) =	vpush @!p0 v3, $0xF;
	v3, _, _ =	vpop (xrf0)  }
0x3c5: {  	(v2sf) =	vpush v3, $0xF;
	_ =	sdelay $0xb  }
0x3c6: {  	v3 =	vmov s14;
	_ =	sdelay $0x1  }
0x3c7: {  	s14 =	spop @!p0 (v2sf)  }
0x3c8: {  	s14 =	spop (v2sf)  }
0x3c9: {  	v62 =	vmov s15;
	s14 =	sxor.u32 $0x80000000, s14  }
0x3ca: {  	s13 =	sshll.u32 s13, $0x3;
	[tilespmem:v3+s9+$0x0] =	vst.idx.msk $0x1, v62;
	v63 =	vmov s14  }
0x3cb: {  	s31 =	sadd.s32 s4, s13;
	[tilespmem:v3+s10+$0x0] =	vst.idx.msk $0x1, v63  }
0x3cc: {  	[hbm4b:s31+s2] =	stream.linear.scatter [tilespmem:s9], [sflag:$0x1], $0x40, $0x38;
	[tilespmem:$0x18B00] =	vst v63  }
0x3cd: {  	s12 =	sadd.s32 $0x1, s12;
	_ =	swait.ge [sflag:s8], $0x40  }
0x3ce: {  	p0 =	sne.s32 s12, $0x4;
	[sflag:s8] =	ssyncset.done $0x0  }
.Ltmp38:
0x3cf: {  	s13 =	sadd.s32 s5, s13;
	[sflag:s8] =	ssyncadd.s32 $0xFFFFFFC0;
	(pc) =	sbr.rel @p0 .LBB2_2-.Ltmp38, $4  }
0x3d0: {  	[hbm4b:s13+s2] =	stream.linear.scatter [tilespmem:s10], [sflag:$0x1], $0x40, $0x38;
	[tilespmem:$0x18B00] =	vst v63  }
0x3d1: {  	_ =	swait.ge [sflag:s8], $0x40  }
0x3d2: {  	[sflag:s8] =	ssyncset.done $0x0  }
0x3d3: {  	[sflag:s8] =	ssyncadd.s32 $0xFFFFFFC0  }
0x3d4: {  	s11 =	sadd.s32 $0x1, s11  }
0x3d5: {  	p0 =	sne.s32 s11, s7  }
.Ltmp39:
0x3d6: {  	_ = 	snop;
	(pc) =	sbr.rel @p0 .LBB2_1-.Ltmp39, $1  }
0x3d7: {  	_ =	sdelay $0x3  }
0x3d8: {  	_ =	sfence.sel $0x180000  }
0x3d9: {  	[bflag:$0x0] =	sbarrier.arrive $0xFFFF  }
0x3da: {  	p0 =	sne.s32 s3, $0x0;
	_ =	strace $0x90000047  }
0x3db: {  	s0 =	sadd.s32 @!p0 $0x100000, s0;
	[bflag:$0x2] =	sbarrier.arrive $0xFFFF  }
0x3dc: {  	[sflag:s0] =	ssyncadd.tile.s32 @!p0 $0x1;
	_ =	shalt  }
.Lfunc_end2:
_tile_overlayer_lowered:
.L_overlay_start_2:
0x3dd: {  	(tag) =	ssettag $0x2  }
0x3de: {  	s0 =	rddreg [dreg:$0x0];
	s2 =	stileid.u32  }
0x3df: {  	s1 =	rddreg [dreg:$0x1];
	p0 =	sne.s32 s2, $0x0  }
0x3e0: {  	s3 =	rddreg [dreg:$0x2];
	[bflag:$0x3] =	sbarrier.arrive $0xFFFF;
	s2 =	simm.s32 @!p0 $0x1C01  }
0x3e1: {  	[timem:s3], [sflag:s2] =	dma.local @!p0 [hbm:s0], s1  }
0x3e2: {  	s0 =	simm.s32 @!p0 $0x1  }
0x3e3: {  	_ =	swait.ge @!p0 [sflag:s0], s1  }
0x3e4: {  	s1 =	ssub.s32 @!p0 $0x0, s1;
	[sflag:s0] =	ssyncset.done @!p0 $0x0  }
0x3e5: {  	[sflag:s0] =	ssyncadd.s32 @!p0 s1  }
0x3e6: {  	[bflag:$0x3] =	sbarrier.arrive $0xFFFF  }
0x3e7: {  	_ =	shalt  }

</sc_bundles>
